<compile_context>
chip_gen: v7x
topology: tpu7x:2x2x1
jax: 0.10.2.dev20260603
libtpu: 0.0.44.dev20260713+nightly
codegen_flags: <defaults>
</compile_context>

<pallas_src>
import functools

import jax
import jax.numpy as jnp
from jax import lax
from jax.experimental import pallas as pl
from jax.experimental.pallas import tpu as pltpu
from jax.experimental.pallas import tpu_sc as plsc

N = 10000
E = 320000
F = 128
NC = 2
NS = 16
NW = NC * NS
K = 80
EPT = E // NW
NCHUNK = EPT // K
ZCH = 640
NPAD = NS * ZCH
TAIL = N - (NS - 1) * ZCH

_mesh = plsc.VectorSubcoreMesh(core_axis_name="c", subcore_axis_name="s")


@functools.partial(
    pl.kernel,
    out_type=jax.ShapeDtypeStruct((NC * 2, 1, NPAD), jnp.float32),
    mesh=_mesh,
    scratch_types=[
        pltpu.VMEM((NCHUNK, K), jnp.int32),
        pltpu.VMEM((K,), jnp.float32),
        pltpu.VMEM((ZCH,), jnp.float32),
        pltpu.VMEM_SHARED((NPAD,), jnp.float32),
        pltpu.VMEM_SHARED((NPAD,), jnp.float32),
    ],
)
def _hist_kernel(dsts, degp, dst_v, ones_v, zbuf, tb0, tb1):
    c = lax.axis_index("c")
    s = lax.axis_index("s")
    wid = c * NS + s
    for i in range(K // 16):
        ones_v[pl.ds(i * 16, 16)] = jnp.full((16,), 1.0, jnp.float32)
    for i in range(ZCH // 16):
        zbuf[pl.ds(i * 16, 16)] = jnp.zeros((16,), jnp.float32)
    tables = (tb0, tb1)
    for tb in tables:
        pltpu.sync_copy(zbuf, tb.at[pl.ds(s * ZCH, ZCH)])
    plsc.subcore_barrier()
    for b in range(2):
        tb = tables[b]
        pltpu.sync_copy(dsts.at[b, wid], dst_v)

        def body(j, _):
            pltpu.sync_copy(ones_v, tb.at[dst_v.at[j]], add=True)
            return ()

        lax.fori_loop(0, NCHUNK, body, ())
    plsc.subcore_barrier()
    for b in range(2):
        pltpu.sync_copy(tables[b].at[pl.ds(s * ZCH, ZCH)],
                        degp.at[c * 2 + b, 0, pl.ds(s * ZCH, ZCH)])


@functools.partial(
    pl.kernel,
    out_type=jax.ShapeDtypeStruct((NC, N, F), jnp.float32),
    mesh=_mesh,
    scratch_types=[
        pltpu.VMEM((NCHUNK, K), jnp.int32),
        pltpu.VMEM((NCHUNK, K), jnp.int32),
        pltpu.VMEM((K, F), jnp.float32),
        pltpu.VMEM_SHARED((N, F), jnp.float32),
    ],
)
def _agg_kernel(g, zer, srcs, dsts, p_out, src_v, dst_v, rbuf, accum):
    c = lax.axis_index("c")
    s = lax.axis_index("s")
    wid = c * NS + s

    def rows_sliced(fn):
        @pl.when(s < NS - 1)
        def _():
            fn(pl.ds(s * ZCH, ZCH))

        @pl.when(s == NS - 1)
        def _():
            fn(pl.ds((NS - 1) * ZCH, TAIL))

    def init(rows):
        @pl.when(c == 0)
        def _():
            pltpu.sync_copy(g.at[rows], accum.at[rows])

        @pl.when(c != 0)
        def _():
            pltpu.sync_copy(zer.at[rows], accum.at[rows])

    rows_sliced(init)
    pltpu.sync_copy(srcs.at[wid], src_v)
    pltpu.sync_copy(dsts.at[wid], dst_v)
    plsc.subcore_barrier()

    def body(j, _):
        pltpu.sync_copy(g.at[src_v.at[j]], rbuf)
        pltpu.sync_copy(rbuf, accum.at[dst_v.at[j]], add=True)
        return ()

    lax.fori_loop(0, NCHUNK, body, ())
    plsc.subcore_barrier()
    rows_sliced(lambda rows: pltpu.sync_copy(accum.at[rows], p_out.at[c, rows]))


def _dinv_body(degp_ref, o_ref):
    o_ref[...] = lax.rsqrt(degp_ref[0] + degp_ref[1] + 1.0)


def _dinv_call(degp):
    return pl.pallas_call(
        _dinv_body,
        out_shape=jax.ShapeDtypeStruct((2, NPAD), jnp.float32),
    )(degp)


_RB = 1000


def _m1_body(dinv_ref, x_ref, w_ref, o_ref):
    xb = x_ref[...] * dinv_ref[...]
    o_ref[...] = jnp.dot(xb, w_ref[...], preferred_element_type=jnp.float32)


def _m1_call(dinvc, x, W):
    return pl.pallas_call(
        _m1_body,
        grid=(N // _RB,),
        in_specs=[
            pl.BlockSpec((_RB, 1), lambda i: (i, 0)),
            pl.BlockSpec((_RB, F), lambda i: (i, 0)),
            pl.BlockSpec((F, F), lambda i: (0, 0)),
        ],
        out_specs=pl.BlockSpec((_RB, F), lambda i: (i, 0)),
        out_shape=jax.ShapeDtypeStruct((N, F), jnp.float32),
    )(dinvc, x, W)


def _m2_body(dinv_ref, p_ref, b_ref, w_ref, o_ref):
    agg = p_ref[0] + p_ref[1]
    h1 = jnp.maximum(agg * dinv_ref[...] + b_ref[...], 0.0)
    o_ref[...] = jnp.dot(h1 * dinv_ref[...], w_ref[...],
                         preferred_element_type=jnp.float32)


def _m2_call(dinvc, p, b1, W):
    return pl.pallas_call(
        _m2_body,
        grid=(N // _RB,),
        in_specs=[
            pl.BlockSpec((_RB, 1), lambda i: (i, 0)),
            pl.BlockSpec((NC, _RB, F), lambda i: (0, i, 0)),
            pl.BlockSpec((1, F), lambda i: (0, 0)),
            pl.BlockSpec((F, F), lambda i: (0, 0)),
        ],
        out_specs=pl.BlockSpec((_RB, F), lambda i: (i, 0)),
        out_shape=jax.ShapeDtypeStruct((N, F), jnp.float32),
    )(dinvc, p, b1, W)


def _fin_body(dinv_ref, p_ref, b_ref, o_ref):
    o_ref[...] = (p_ref[0] + p_ref[1]) * dinv_ref[...] + b_ref[...]


def _fin_call(dinvc, p, b2):
    return pl.pallas_call(
        _fin_body,
        grid=(N // _RB,),
        in_specs=[
            pl.BlockSpec((_RB, 1), lambda i: (i, 0)),
            pl.BlockSpec((NC, _RB, F), lambda i: (0, i, 0)),
            pl.BlockSpec((1, F), lambda i: (0, 0)),
        ],
        out_specs=pl.BlockSpec((_RB, F), lambda i: (i, 0)),
        out_shape=jax.ShapeDtypeStruct((N, F), jnp.float32),
    )(dinvc, p, b2)


def kernel(xs, edge_indexs, W1, b1, W2, b2):
    B = xs.shape[0]
    srcs = edge_indexs[:, 0, :].reshape(B, NW, NCHUNK, K)
    dsts = edge_indexs[:, 1, :].reshape(B, NW, NCHUNK, K)
    degp = _hist_kernel(dsts).reshape(2, 2, NPAD)
    dinv = _dinv_call(degp)
    dinvc = dinv[:, :N, None]
    zer = jnp.zeros((N, F), jnp.float32)
    b1r = b1.reshape(1, F)
    b2r = b2.reshape(1, F)
    outs = []
    for b in range(B):
        g1 = _m1_call(dinvc[b], xs[b], W1)
        p1 = _agg_kernel(g1, zer, srcs[b], dsts[b])
        g2 = _m2_call(dinvc[b], p1, b1r, W2)
        p2 = _agg_kernel(g2, zer, srcs[b], dsts[b])
        o = _fin_call(dinvc[b], p2, b2r)
        outs.append(o[None])
    return jnp.concatenate(outs, axis=0)

# --- scband reference (transcript-rebuilt; emitter-appended) ---
"""Pipeline reference for scband-gcn-13821204758566 (READ-ONLY COPY).

The authoritative reference and input builder live on the scoring server;
editing this copy changes nothing except your own understanding.
"""

import jax, jax.numpy as jnp
import numpy as np


def gcn_conv(x, edge_index, W, b):
    # Faithful PyG-style GCNConv: linear transform, add self-loops,
    # symmetric degree normalization, scatter-add aggregation, bias.
    N = x.shape[0]
    loop = jnp.arange(N, dtype=edge_index.dtype)
    src = jnp.concatenate([edge_index[0], loop])
    dst = jnp.concatenate([edge_index[1], loop])
    deg = jnp.zeros((N,), dtype=x.dtype).at[dst].add(1.0)
    dinv = jnp.where(deg > 0, deg ** -0.5, 0.0)
    norm = dinv[src] * dinv[dst]
    h = x @ W
    msg = h[src] * norm[:, None]
    out = jnp.zeros_like(h).at[dst].add(msg)
    return out + b


def setup_inputs(seed: int = 0) -> dict:
    key = jax.random.key(seed)
    ks = jax.random.split(key, 8)
    B, N, E = 2, 10000, 320000
    F_in, H = 128, 128
    xs = jax.random.normal(ks[0], (B, N, F_in), dtype=jnp.float32)
    edge_indexs = jax.random.randint(ks[1], (B, 2, E), 0, N, dtype=jnp.int32)
    # GCNConv learned parameters (glorot-ish scaling)
    W1 = jax.random.normal(ks[2], (F_in, H), dtype=jnp.float32) * (1.0 / np.sqrt(F_in))
    b1 = jnp.zeros((H,), dtype=jnp.float32)
    W2 = jax.random.normal(ks[3], (H, H), dtype=jnp.float32) * (1.0 / np.sqrt(H))
    b2 = jnp.zeros((H,), dtype=jnp.float32)
    return {"xs": xs, "edge_indexs": edge_indexs, "W1": W1, "b1": b1, "W2": W2, "b2": b2}


def reference(xs, edge_indexs, W1, b1, W2, b2):
    # dropout=0.0 (eval-equivalent), activation=relu
    outs = []
    for i in range(xs.shape[0]):
        x = xs[i]
        ei = edge_indexs[i]
        h = jax.nn.relu(gcn_conv(x, ei, W1, b1))
        h = gcn_conv(h, ei, W2, b2)
        outs.append(h[None])
    return jnp.concatenate(outs, axis=0)

if __name__ == "__main__":
    import jax
    _d = setup_inputs()
    print(jax.jit(kernel)(*tuple(_d.values())))

</pallas_src>

<mosaic_0001>
#map = affine_map<(d0, d1) -> (0, 0, 0, 0)>
#map1 = affine_map<(d0, d1) -> (0, 0, 0)>
module attributes {stable_mosaic.version = 14 : i64} {
  func.func @_hist_kernel(%arg0: i32, %arg1: i32, %arg2: memref<2x32x125x80xi32, #tpu.memory_space<hbm>>, %arg3: memref<4x1x10240xf32, #tpu.memory_space<hbm>>, %arg4: memref<125x80xi32, #tpu.memory_space<vmem>>, %arg5: memref<80xf32, #tpu.memory_space<vmem>>, %arg6: memref<640xf32, #tpu.memory_space<vmem>>, %arg7: memref<10240xf32, #tpu.memory_space<vmem_shared>>, %arg8: memref<10240xf32, #tpu.memory_space<vmem_shared>>) attributes {dimension_semantics = [#tpu.dimension_semantics<core_parallel>, #tpu.dimension_semantics<subcore_parallel>], iteration_bounds = array<i64: 2, 16>, scalar_prefetch = 0 : i64, scratch_operands = 5 : i64, tpu.core_type = #tpu.core_type<sc_vector_subcore>, window_params = [{transform_indices = #map}, {transform_indices = #map1}]} {
    %mul3A = arith.constant 16 : i32
    %mul3A_0 = arith.muli %arg0, %mul3A : i32
    %add3A = arith.addi %mul3A_0, %arg1 : i32
    %broadcast_in_dim3A = arith.constant 1.000000e+00 : f32
    %broadcast_in_dim3A_1 = vector.broadcast %broadcast_in_dim3A : f32 to vector<16xf32>
    %swap3A = arith.constant 0 : index
    %swap3A_2 = tpu.vector_load %arg5[%swap3A] {strides = array<i32>} : memref<80xf32, #tpu.memory_space<vmem>>, vector<16xf32>,
    %swap3A_3 = vector.shape_cast %swap3A_2 : vector<16xf32> to vector<16xf32>
    %swap3A_4 = vector.shape_cast %broadcast_in_dim3A_1 : vector<16xf32> to vector<16xf32>
    tpu.vector_store %arg5[%swap3A], %swap3A_4 {strides = array<i32>} : memref<80xf32, #tpu.memory_space<vmem>>, vector<16xf32>,
    %broadcast_in_dim3A_5 = arith.constant 1.000000e+00 : f32
    %broadcast_in_dim3A_6 = vector.broadcast %broadcast_in_dim3A_5 : f32 to vector<16xf32>
    %swap3A_7 = arith.constant 16 : index
    %swap3A_8 = tpu.vector_load %arg5[%swap3A_7] {strides = array<i32>} : memref<80xf32, #tpu.memory_space<vmem>>, vector<16xf32>,
    %swap3A_9 = vector.shape_cast %swap3A_8 : vector<16xf32> to vector<16xf32>
    %swap3A_10 = vector.shape_cast %broadcast_in_dim3A_6 : vector<16xf32> to vector<16xf32>
    tpu.vector_store %arg5[%swap3A_7], %swap3A_10 {strides = array<i32>} : memref<80xf32, #tpu.memory_space<vmem>>, vector<16xf32>,
    %broadcast_in_dim3A_11 = arith.constant 1.000000e+00 : f32
    %broadcast_in_dim3A_12 = vector.broadcast %broadcast_in_dim3A_11 : f32 to vector<16xf32>
    %swap3A_13 = arith.constant 32 : index
    %swap3A_14 = tpu.vector_load %arg5[%swap3A_13] {strides = array<i32>} : memref<80xf32, #tpu.memory_space<vmem>>, vector<16xf32>,
    %swap3A_15 = vector.shape_cast %swap3A_14 : vector<16xf32> to vector<16xf32>
    %swap3A_16 = vector.shape_cast %broadcast_in_dim3A_12 : vector<16xf32> to vector<16xf32>
    tpu.vector_store %arg5[%swap3A_13], %swap3A_16 {strides = array<i32>} : memref<80xf32, #tpu.memory_space<vmem>>, vector<16xf32>,
    %broadcast_in_dim3A_17 = arith.constant 1.000000e+00 : f32
    %broadcast_in_dim3A_18 = vector.broadcast %broadcast_in_dim3A_17 : f32 to vector<16xf32>
    %swap3A_19 = arith.constant 48 : index
    %swap3A_20 = tpu.vector_load %arg5[%swap3A_19] {strides = array<i32>} : memref<80xf32, #tpu.memory_space<vmem>>, vector<16xf32>,
    %swap3A_21 = vector.shape_cast %swap3A_20 : vector<16xf32> to vector<16xf32>
    %swap3A_22 = vector.shape_cast %broadcast_in_dim3A_18 : vector<16xf32> to vector<16xf32>
    tpu.vector_store %arg5[%swap3A_19], %swap3A_22 {strides = array<i32>} : memref<80xf32, #tpu.memory_space<vmem>>, vector<16xf32>,
    %broadcast_in_dim3A_23 = arith.constant 1.000000e+00 : f32
    %broadcast_in_dim3A_24 = vector.broadcast %broadcast_in_dim3A_23 : f32 to vector<16xf32>
    %swap3A_25 = arith.constant 64 : index
    %swap3A_26 = tpu.vector_load %arg5[%swap3A_25] {strides = array<i32>} : memref<80xf32, #tpu.memory_space<vmem>>, vector<16xf32>,
    %swap3A_27 = vector.shape_cast %swap3A_26 : vector<16xf32> to vector<16xf32>
    %swap3A_28 = vector.shape_cast %broadcast_in_dim3A_24 : vector<16xf32> to vector<16xf32>
    tpu.vector_store %arg5[%swap3A_25], %swap3A_28 {strides = array<i32>} : memref<80xf32, #tpu.memory_space<vmem>>, vector<16xf32>,
    %broadcast_in_dim3A_29 = arith.constant 0.000000e+00 : f32
    %broadcast_in_dim3A_30 = vector.broadcast %broadcast_in_dim3A_29 : f32 to vector<16xf32>
    %swap3A_31 = arith.constant 0 : index
    %swap3A_32 = tpu.vector_load %arg6[%swap3A_31] {strides = array<i32>} : memref<640xf32, #tpu.memory_space<vmem>>, vector<16xf32>,
    %swap3A_33 = vector.shape_cast %swap3A_32 : vector<16xf32> to vector<16xf32>
    %swap3A_34 = vector.shape_cast %broadcast_in_dim3A_30 : vector<16xf32> to vector<16xf32>
    tpu.vector_store %arg6[%swap3A_31], %swap3A_34 {strides = array<i32>} : memref<640xf32, #tpu.memory_space<vmem>>, vector<16xf32>,
    %broadcast_in_dim3A_35 = arith.constant 0.000000e+00 : f32
    %broadcast_in_dim3A_36 = vector.broadcast %broadcast_in_dim3A_35 : f32 to vector<16xf32>
    %swap3A_37 = arith.constant 16 : index
    %swap3A_38 = tpu.vector_load %arg6[%swap3A_37] {strides = array<i32>} : memref<640xf32, #tpu.memory_space<vmem>>, vector<16xf32>,
    %swap3A_39 = vector.shape_cast %swap3A_38 : vector<16xf32> to vector<16xf32>
    %swap3A_40 = vector.shape_cast %broadcast_in_dim3A_36 : vector<16xf32> to vector<16xf32>
    tpu.vector_store %arg6[%swap3A_37], %swap3A_40 {strides = array<i32>} : memref<640xf32, #tpu.memory_space<vmem>>, vector<16xf32>,
    %broadcast_in_dim3A_41 = arith.constant 0.000000e+00 : f32
    %broadcast_in_dim3A_42 = vector.broadcast %broadcast_in_dim3A_41 : f32 to vector<16xf32>
    %swap3A_43 = arith.constant 32 : index
    %swap3A_44 = tpu.vector_load %arg6[%swap3A_43] {strides = array<i32>} : memref<640xf32, #tpu.memory_space<vmem>>, vector<16xf32>,
    %swap3A_45 = vector.shape_cast %swap3A_44 : vector<16xf32> to vector<16xf32>
    %swap3A_46 = vector.shape_cast %broadcast_in_dim3A_42 : vector<16xf32> to vector<16xf32>
    tpu.vector_store %arg6[%swap3A_43], %swap3A_46 {strides = array<i32>} : memref<640xf32, #tpu.memory_space<vmem>>, vector<16xf32>,
    %broadcast_in_dim3A_47 = arith.constant 0.000000e+00 : f32
    %broadcast_in_dim3A_48 = vector.broadcast %broadcast_in_dim3A_47 : f32 to vector<16xf32>
    %swap3A_49 = arith.constant 48 : index
    %swap3A_50 = tpu.vector_load %arg6[%swap3A_49] {strides = array<i32>} : memref<640xf32, #tpu.memory_space<vmem>>, vector<16xf32>,
    %swap3A_51 = vector.shape_cast %swap3A_50 : vector<16xf32> to vector<16xf32>
    %swap3A_52 = vector.shape_cast %broadcast_in_dim3A_48 : vector<16xf32> to vector<16xf32>
    tpu.vector_store %arg6[%swap3A_49], %swap3A_52 {strides = array<i32>} : memref<640xf32, #tpu.memory_space<vmem>>, vector<16xf32>,
    %broadcast_in_dim3A_53 = arith.constant 0.000000e+00 : f32
    %broadcast_in_dim3A_54 = vector.broadcast %broadcast_in_dim3A_53 : f32 to vector<16xf32>
    %swap3A_55 = arith.constant 64 : index
    %swap3A_56 = tpu.vector_load %arg6[%swap3A_55] {strides = array<i32>} : memref<640xf32, #tpu.memory_space<vmem>>, vector<16xf32>,
    %swap3A_57 = vector.shape_cast %swap3A_56 : vector<16xf32> to vector<16xf32>
    %swap3A_58 = vector.shape_cast %broadcast_in_dim3A_54 : vector<16xf32> to vector<16xf32>
    tpu.vector_store %arg6[%swap3A_55], %swap3A_58 {strides = array<i32>} : memref<640xf32, #tpu.memory_space<vmem>>, vector<16xf32>,
    %broadcast_in_dim3A_59 = arith.constant 0.000000e+00 : f32
    %broadcast_in_dim3A_60 = vector.broadcast %broadcast_in_dim3A_59 : f32 to vector<16xf32>
    %swap3A_61 = arith.constant 80 : index
    %swap3A_62 = tpu.vector_load %arg6[%swap3A_61] {strides = array<i32>} : memref<640xf32, #tpu.memory_space<vmem>>, vector<16xf32>,
    %swap3A_63 = vector.shape_cast %swap3A_62 : vector<16xf32> to vector<16xf32>
    %swap3A_64 = vector.shape_cast %broadcast_in_dim3A_60 : vector<16xf32> to vector<16xf32>
    tpu.vector_store %arg6[%swap3A_61], %swap3A_64 {strides = array<i32>} : memref<640xf32, #tpu.memory_space<vmem>>, vector<16xf32>,
    %broadcast_in_dim3A_65 = arith.constant 0.000000e+00 : f32
    %broadcast_in_dim3A_66 = vector.broadcast %broadcast_in_dim3A_65 : f32 to vector<16xf32>
    %swap3A_67 = arith.constant 96 : index
    %swap3A_68 = tpu.vector_load %arg6[%swap3A_67] {strides = array<i32>} : memref<640xf32, #tpu.memory_space<vmem>>, vector<16xf32>,
    %swap3A_69 = vector.shape_cast %swap3A_68 : vector<16xf32> to vector<16xf32>
    %swap3A_70 = vector.shape_cast %broadcast_in_dim3A_66 : vector<16xf32> to vector<16xf32>
    tpu.vector_store %arg6[%swap3A_67], %swap3A_70 {strides = array<i32>} : memref<640xf32, #tpu.memory_space<vmem>>, vector<16xf32>,
    %broadcast_in_dim3A_71 = arith.constant 0.000000e+00 : f32
    %broadcast_in_dim3A_72 = vector.broadcast %broadcast_in_dim3A_71 : f32 to vector<16xf32>
    %swap3A_73 = arith.constant 112 : index
    %swap3A_74 = tpu.vector_load %arg6[%swap3A_73] {strides = array<i32>} : memref<640xf32, #tpu.memory_space<vmem>>, vector<16xf32>,
    %swap3A_75 = vector.shape_cast %swap3A_74 : vector<16xf32> to vector<16xf32>
    %swap3A_76 = vector.shape_cast %broadcast_in_dim3A_72 : vector<16xf32> to vector<16xf32>
    tpu.vector_store %arg6[%swap3A_73], %swap3A_76 {strides = array<i32>} : memref<640xf32, #tpu.memory_space<vmem>>, vector<16xf32>,
    %broadcast_in_dim3A_77 = arith.constant 0.000000e+00 : f32
    %broadcast_in_dim3A_78 = vector.broadcast %broadcast_in_dim3A_77 : f32 to vector<16xf32>
    %swap3A_79 = arith.constant 128 : index
    %swap3A_80 = tpu.vector_load %arg6[%swap3A_79] {strides = array<i32>} : memref<640xf32, #tpu.memory_space<vmem>>, vector<16xf32>,
    %swap3A_81 = vector.shape_cast %swap3A_80 : vector<16xf32> to vector<16xf32>
    %swap3A_82 = vector.shape_cast %broadcast_in_dim3A_78 : vector<16xf32> to vector<16xf32>
    tpu.vector_store %arg6[%swap3A_79], %swap3A_82 {strides = array<i32>} : memref<640xf32, #tpu.memory_space<vmem>>, vector<16xf32>,
    %broadcast_in_dim3A_83 = arith.constant 0.000000e+00 : f32
    %broadcast_in_dim3A_84 = vector.broadcast %broadcast_in_dim3A_83 : f32 to vector<16xf32>
    %swap3A_85 = arith.constant 144 : index
    %swap3A_86 = tpu.vector_load %arg6[%swap3A_85] {strides = array<i32>} : memref<640xf32, #tpu.memory_space<vmem>>, vector<16xf32>,
    %swap3A_87 = vector.shape_cast %swap3A_86 : vector<16xf32> to vector<16xf32>
    %swap3A_88 = vector.shape_cast %broadcast_in_dim3A_84 : vector<16xf32> to vector<16xf32>
    tpu.vector_store %arg6[%swap3A_85], %swap3A_88 {strides = array<i32>} : memref<640xf32, #tpu.memory_space<vmem>>, vector<16xf32>,
    %broadcast_in_dim3A_89 = arith.constant 0.000000e+00 : f32
    %broadcast_in_dim3A_90 = vector.broadcast %broadcast_in_dim3A_89 : f32 to vector<16xf32>
    %swap3A_91 = arith.constant 160 : index
    %swap3A_92 = tpu.vector_load %arg6[%swap3A_91] {strides = array<i32>} : memref<640xf32, #tpu.memory_space<vmem>>, vector<16xf32>,
    %swap3A_93 = vector.shape_cast %swap3A_92 : vector<16xf32> to vector<16xf32>
    %swap3A_94 = vector.shape_cast %broadcast_in_dim3A_90 : vector<16xf32> to vector<16xf32>
    tpu.vector_store %arg6[%swap3A_91], %swap3A_94 {strides = array<i32>} : memref<640xf32, #tpu.memory_space<vmem>>, vector<16xf32>,
    %broadcast_in_dim3A_95 = arith.constant 0.000000e+00 : f32
    %broadcast_in_dim3A_96 = vector.broadcast %broadcast_in_dim3A_95 : f32 to vector<16xf32>
    %swap3A_97 = arith.constant 176 : index
    %swap3A_98 = tpu.vector_load %arg6[%swap3A_97] {strides = array<i32>} : memref<640xf32, #tpu.memory_space<vmem>>, vector<16xf32>,
    %swap3A_99 = vector.shape_cast %swap3A_98 : vector<16xf32> to vector<16xf32>
    %swap3A_100 = vector.shape_cast %broadcast_in_dim3A_96 : vector<16xf32> to vector<16xf32>
    tpu.vector_store %arg6[%swap3A_97], %swap3A_100 {strides = array<i32>} : memref<640xf32, #tpu.memory_space<vmem>>, vector<16xf32>,
    %broadcast_in_dim3A_101 = arith.constant 0.000000e+00 : f32
    %broadcast_in_dim3A_102 = vector.broadcast %broadcast_in_dim3A_101 : f32 to vector<16xf32>
    %swap3A_103 = arith.constant 192 : index
    %swap3A_104 = tpu.vector_load %arg6[%swap3A_103] {strides = array<i32>} : memref<640xf32, #tpu.memory_space<vmem>>, vector<16xf32>,
    %swap3A_105 = vector.shape_cast %swap3A_104 : vector<16xf32> to vector<16xf32>
    %swap3A_106 = vector.shape_cast %broadcast_in_dim3A_102 : vector<16xf32> to vector<16xf32>
    tpu.vector_store %arg6[%swap3A_103], %swap3A_106 {strides = array<i32>} : memref<640xf32, #tpu.memory_space<vmem>>, vector<16xf32>,
    %broadcast_in_dim3A_107 = arith.constant 0.000000e+00 : f32
    %broadcast_in_dim3A_108 = vector.broadcast %broadcast_in_dim3A_107 : f32 to vector<16xf32>
    %swap3A_109 = arith.constant 208 : index
    %swap3A_110 = tpu.vector_load %arg6[%swap3A_109] {strides = array<i32>} : memref<640xf32, #tpu.memory_space<vmem>>, vector<16xf32>,
    %swap3A_111 = vector.shape_cast %swap3A_110 : vector<16xf32> to vector<16xf32>
    %swap3A_112 = vector.shape_cast %broadcast_in_dim3A_108 : vector<16xf32> to vector<16xf32>
    tpu.vector_store %arg6[%swap3A_109], %swap3A_112 {strides = array<i32>} : memref<640xf32, #tpu.memory_space<vmem>>, vector<16xf32>,
    %broadcast_in_dim3A_113 = arith.constant 0.000000e+00 : f32
    %broadcast_in_dim3A_114 = vector.broadcast %broadcast_in_dim3A_113 : f32 to vector<16xf32>
    %swap3A_115 = arith.constant 224 : index
    %swap3A_116 = tpu.vector_load %arg6[%swap3A_115] {strides = array<i32>} : memref<640xf32, #tpu.memory_space<vmem>>, vector<16xf32>,
    %swap3A_117 = vector.shape_cast %swap3A_116 : vector<16xf32> to vector<16xf32>
    %swap3A_118 = vector.shape_cast %broadcast_in_dim3A_114 : vector<16xf32> to vector<16xf32>
    tpu.vector_store %arg6[%swap3A_115], %swap3A_118 {strides = array<i32>} : memref<640xf32, #tpu.memory_space<vmem>>, vector<16xf32>,
    %broadcast_in_dim3A_119 = arith.constant 0.000000e+00 : f32
    %broadcast_in_dim3A_120 = vector.broadcast %broadcast_in_dim3A_119 : f32 to vector<16xf32>
    %swap3A_121 = arith.constant 240 : index
    %swap3A_122 = tpu.vector_load %arg6[%swap3A_121] {strides = array<i32>} : memref<640xf32, #tpu.memory_space<vmem>>, vector<16xf32>,
    %swap3A_123 = vector.shape_cast %swap3A_122 : vector<16xf32> to vector<16xf32>
    %swap3A_124 = vector.shape_cast %broadcast_in_dim3A_120 : vector<16xf32> to vector<16xf32>
    tpu.vector_store %arg6[%swap3A_121], %swap3A_124 {strides = array<i32>} : memref<640xf32, #tpu.memory_space<vmem>>, vector<16xf32>,
    %broadcast_in_dim3A_125 = arith.constant 0.000000e+00 : f32
    %broadcast_in_dim3A_126 = vector.broadcast %broadcast_in_dim3A_125 : f32 to vector<16xf32>
    %swap3A_127 = arith.constant 256 : index
    %swap3A_128 = tpu.vector_load %arg6[%swap3A_127] {strides = array<i32>} : memref<640xf32, #tpu.memory_space<vmem>>, vector<16xf32>,
    %swap3A_129 = vector.shape_cast %swap3A_128 : vector<16xf32> to vector<16xf32>
    %swap3A_130 = vector.shape_cast %broadcast_in_dim3A_126 : vector<16xf32> to vector<16xf32>
    tpu.vector_store %arg6[%swap3A_127], %swap3A_130 {strides = array<i32>} : memref<640xf32, #tpu.memory_space<vmem>>, vector<16xf32>,
    %broadcast_in_dim3A_131 = arith.constant 0.000000e+00 : f32
    %broadcast_in_dim3A_132 = vector.broadcast %broadcast_in_dim3A_131 : f32 to vector<16xf32>
    %swap3A_133 = arith.constant 272 : index
    %swap3A_134 = tpu.vector_load %arg6[%swap3A_133] {strides = array<i32>} : memref<640xf32, #tpu.memory_space<vmem>>, vector<16xf32>,
    %swap3A_135 = vector.shape_cast %swap3A_134 : vector<16xf32> to vector<16xf32>
    %swap3A_136 = vector.shape_cast %broadcast_in_dim3A_132 : vector<16xf32> to vector<16xf32>
    tpu.vector_store %arg6[%swap3A_133], %swap3A_136 {strides = array<i32>} : memref<640xf32, #tpu.memory_space<vmem>>, vector<16xf32>,
    %broadcast_in_dim3A_137 = arith.constant 0.000000e+00 : f32
    %broadcast_in_dim3A_138 = vector.broadcast %broadcast_in_dim3A_137 : f32 to vector<16xf32>
    %swap3A_139 = arith.constant 288 : index
    %swap3A_140 = tpu.vector_load %arg6[%swap3A_139] {strides = array<i32>} : memref<640xf32, #tpu.memory_space<vmem>>, vector<16xf32>,
    %swap3A_141 = vector.shape_cast %swap3A_140 : vector<16xf32> to vector<16xf32>
    %swap3A_142 = vector.shape_cast %broadcast_in_dim3A_138 : vector<16xf32> to vector<16xf32>
    tpu.vector_store %arg6[%swap3A_139], %swap3A_142 {strides = array<i32>} : memref<640xf32, #tpu.memory_space<vmem>>, vector<16xf32>,
    %broadcast_in_dim3A_143 = arith.constant 0.000000e+00 : f32
    %broadcast_in_dim3A_144 = vector.broadcast %broadcast_in_dim3A_143 : f32 to vector<16xf32>
    %swap3A_145 = arith.constant 304 : index
    %swap3A_146 = tpu.vector_load %arg6[%swap3A_145] {strides = array<i32>} : memref<640xf32, #tpu.memory_space<vmem>>, vector<16xf32>,
    %swap3A_147 = vector.shape_cast %swap3A_146 : vector<16xf32> to vector<16xf32>
    %swap3A_148 = vector.shape_cast %broadcast_in_dim3A_144 : vector<16xf32> to vector<16xf32>
    tpu.vector_store %arg6[%swap3A_145], %swap3A_148 {strides = array<i32>} : memref<640xf32, #tpu.memory_space<vmem>>, vector<16xf32>,
    %broadcast_in_dim3A_149 = arith.constant 0.000000e+00 : f32
    %broadcast_in_dim3A_150 = vector.broadcast %broadcast_in_dim3A_149 : f32 to vector<16xf32>
    %swap3A_151 = arith.constant 320 : index
    %swap3A_152 = tpu.vector_load %arg6[%swap3A_151] {strides = array<i32>} : memref<640xf32, #tpu.memory_space<vmem>>, vector<16xf32>,
    %swap3A_153 = vector.shape_cast %swap3A_152 : vector<16xf32> to vector<16xf32>
    %swap3A_154 = vector.shape_cast %broadcast_in_dim3A_150 : vector<16xf32> to vector<16xf32>
    tpu.vector_store %arg6[%swap3A_151], %swap3A_154 {strides = array<i32>} : memref<640xf32, #tpu.memory_space<vmem>>, vector<16xf32>,
    %broadcast_in_dim3A_155 = arith.constant 0.000000e+00 : f32
    %broadcast_in_dim3A_156 = vector.broadcast %broadcast_in_dim3A_155 : f32 to vector<16xf32>
    %swap3A_157 = arith.constant 336 : index
    %swap3A_158 = tpu.vector_load %arg6[%swap3A_157] {strides = array<i32>} : memref<640xf32, #tpu.memory_space<vmem>>, vector<16xf32>,
    %swap3A_159 = vector.shape_cast %swap3A_158 : vector<16xf32> to vector<16xf32>
    %swap3A_160 = vector.shape_cast %broadcast_in_dim3A_156 : vector<16xf32> to vector<16xf32>
    tpu.vector_store %arg6[%swap3A_157], %swap3A_160 {strides = array<i32>} : memref<640xf32, #tpu.memory_space<vmem>>, vector<16xf32>,
    %broadcast_in_dim3A_161 = arith.constant 0.000000e+00 : f32
    %broadcast_in_dim3A_162 = vector.broadcast %broadcast_in_dim3A_161 : f32 to vector<16xf32>
    %swap3A_163 = arith.constant 352 : index
    %swap3A_164 = tpu.vector_load %arg6[%swap3A_163] {strides = array<i32>} : memref<640xf32, #tpu.memory_space<vmem>>, vector<16xf32>,
    %swap3A_165 = vector.shape_cast %swap3A_164 : vector<16xf32> to vector<16xf32>
    %swap3A_166 = vector.shape_cast %broadcast_in_dim3A_162 : vector<16xf32> to vector<16xf32>
    tpu.vector_store %arg6[%swap3A_163], %swap3A_166 {strides = array<i32>} : memref<640xf32, #tpu.memory_space<vmem>>, vector<16xf32>,
    %broadcast_in_dim3A_167 = arith.constant 0.000000e+00 : f32
    %broadcast_in_dim3A_168 = vector.broadcast %broadcast_in_dim3A_167 : f32 to vector<16xf32>
    %swap3A_169 = arith.constant 368 : index
    %swap3A_170 = tpu.vector_load %arg6[%swap3A_169] {strides = array<i32>} : memref<640xf32, #tpu.memory_space<vmem>>, vector<16xf32>,
    %swap3A_171 = vector.shape_cast %swap3A_170 : vector<16xf32> to vector<16xf32>
    %swap3A_172 = vector.shape_cast %broadcast_in_dim3A_168 : vector<16xf32> to vector<16xf32>
    tpu.vector_store %arg6[%swap3A_169], %swap3A_172 {strides = array<i32>} : memref<640xf32, #tpu.memory_space<vmem>>, vector<16xf32>,
    %broadcast_in_dim3A_173 = arith.constant 0.000000e+00 : f32
    %broadcast_in_dim3A_174 = vector.broadcast %broadcast_in_dim3A_173 : f32 to vector<16xf32>
    %swap3A_175 = arith.constant 384 : index
    %swap3A_176 = tpu.vector_load %arg6[%swap3A_175] {strides = array<i32>} : memref<640xf32, #tpu.memory_space<vmem>>, vector<16xf32>,
    %swap3A_177 = vector.shape_cast %swap3A_176 : vector<16xf32> to vector<16xf32>
    %swap3A_178 = vector.shape_cast %broadcast_in_dim3A_174 : vector<16xf32> to vector<16xf32>
    tpu.vector_store %arg6[%swap3A_175], %swap3A_178 {strides = array<i32>} : memref<640xf32, #tpu.memory_space<vmem>>, vector<16xf32>,
    %broadcast_in_dim3A_179 = arith.constant 0.000000e+00 : f32
    %broadcast_in_dim3A_180 = vector.broadcast %broadcast_in_dim3A_179 : f32 to vector<16xf32>
    %swap3A_181 = arith.constant 400 : index
    %swap3A_182 = tpu.vector_load %arg6[%swap3A_181] {strides = array<i32>} : memref<640xf32, #tpu.memory_space<vmem>>, vector<16xf32>,
    %swap3A_183 = vector.shape_cast %swap3A_182 : vector<16xf32> to vector<16xf32>
    %swap3A_184 = vector.shape_cast %broadcast_in_dim3A_180 : vector<16xf32> to vector<16xf32>
    tpu.vector_store %arg6[%swap3A_181], %swap3A_184 {strides = array<i32>} : memref<640xf32, #tpu.memory_space<vmem>>, vector<16xf32>,
    %broadcast_in_dim3A_185 = arith.constant 0.000000e+00 : f32
    %broadcast_in_dim3A_186 = vector.broadcast %broadcast_in_dim3A_185 : f32 to vector<16xf32>
    %swap3A_187 = arith.constant 416 : index
    %swap3A_188 = tpu.vector_load %arg6[%swap3A_187] {strides = array<i32>} : memref<640xf32, #tpu.memory_space<vmem>>, vector<16xf32>,
    %swap3A_189 = vector.shape_cast %swap3A_188 : vector<16xf32> to vector<16xf32>
    %swap3A_190 = vector.shape_cast %broadcast_in_dim3A_186 : vector<16xf32> to vector<16xf32>
    tpu.vector_store %arg6[%swap3A_187], %swap3A_190 {strides = array<i32>} : memref<640xf32, #tpu.memory_space<vmem>>, vector<16xf32>,
    %broadcast_in_dim3A_191 = arith.constant 0.000000e+00 : f32
    %broadcast_in_dim3A_192 = vector.broadcast %broadcast_in_dim3A_191 : f32 to vector<16xf32>
    %swap3A_193 = arith.constant 432 : index
    %swap3A_194 = tpu.vector_load %arg6[%swap3A_193] {strides = array<i32>} : memref<640xf32, #tpu.memory_space<vmem>>, vector<16xf32>,
    %swap3A_195 = vector.shape_cast %swap3A_194 : vector<16xf32> to vector<16xf32>
    %swap3A_196 = vector.shape_cast %broadcast_in_dim3A_192 : vector<16xf32> to vector<16xf32>
    tpu.vector_store %arg6[%swap3A_193], %swap3A_196 {strides = array<i32>} : memref<640xf32, #tpu.memory_space<vmem>>, vector<16xf32>,
    %broadcast_in_dim3A_197 = arith.constant 0.000000e+00 : f32
    %broadcast_in_dim3A_198 = vector.broadcast %broadcast_in_dim3A_197 : f32 to vector<16xf32>
    %swap3A_199 = arith.constant 448 : index
    %swap3A_200 = tpu.vector_load %arg6[%swap3A_199] {strides = array<i32>} : memref<640xf32, #tpu.memory_space<vmem>>, vector<16xf32>,
    %swap3A_201 = vector.shape_cast %swap3A_200 : vector<16xf32> to vector<16xf32>
    %swap3A_202 = vector.shape_cast %broadcast_in_dim3A_198 : vector<16xf32> to vector<16xf32>
    tpu.vector_store %arg6[%swap3A_199], %swap3A_202 {strides = array<i32>} : memref<640xf32, #tpu.memory_space<vmem>>, vector<16xf32>,
    %broadcast_in_dim3A_203 = arith.constant 0.000000e+00 : f32
    %broadcast_in_dim3A_204 = vector.broadcast %broadcast_in_dim3A_203 : f32 to vector<16xf32>
    %swap3A_205 = arith.constant 464 : index
    %swap3A_206 = tpu.vector_load %arg6[%swap3A_205] {strides = array<i32>} : memref<640xf32, #tpu.memory_space<vmem>>, vector<16xf32>,
    %swap3A_207 = vector.shape_cast %swap3A_206 : vector<16xf32> to vector<16xf32>
    %swap3A_208 = vector.shape_cast %broadcast_in_dim3A_204 : vector<16xf32> to vector<16xf32>
    tpu.vector_store %arg6[%swap3A_205], %swap3A_208 {strides = array<i32>} : memref<640xf32, #tpu.memory_space<vmem>>, vector<16xf32>,
    %broadcast_in_dim3A_209 = arith.constant 0.000000e+00 : f32
    %broadcast_in_dim3A_210 = vector.broadcast %broadcast_in_dim3A_209 : f32 to vector<16xf32>
    %swap3A_211 = arith.constant 480 : index
    %swap3A_212 = tpu.vector_load %arg6[%swap3A_211] {strides = array<i32>} : memref<640xf32, #tpu.memory_space<vmem>>, vector<16xf32>,
    %swap3A_213 = vector.shape_cast %swap3A_212 : vector<16xf32> to vector<16xf32>
    %swap3A_214 = vector.shape_cast %broadcast_in_dim3A_210 : vector<16xf32> to vector<16xf32>
    tpu.vector_store %arg6[%swap3A_211], %swap3A_214 {strides = array<i32>} : memref<640xf32, #tpu.memory_space<vmem>>, vector<16xf32>,
    %broadcast_in_dim3A_215 = arith.constant 0.000000e+00 : f32
    %broadcast_in_dim3A_216 = vector.broadcast %broadcast_in_dim3A_215 : f32 to vector<16xf32>
    %swap3A_217 = arith.constant 496 : index
    %swap3A_218 = tpu.vector_load %arg6[%swap3A_217] {strides = array<i32>} : memref<640xf32, #tpu.memory_space<vmem>>, vector<16xf32>,
    %swap3A_219 = vector.shape_cast %swap3A_218 : vector<16xf32> to vector<16xf32>
    %swap3A_220 = vector.shape_cast %broadcast_in_dim3A_216 : vector<16xf32> to vector<16xf32>
    tpu.vector_store %arg6[%swap3A_217], %swap3A_220 {strides = array<i32>} : memref<640xf32, #tpu.memory_space<vmem>>, vector<16xf32>,
    %broadcast_in_dim3A_221 = arith.constant 0.000000e+00 : f32
    %broadcast_in_dim3A_222 = vector.broadcast %broadcast_in_dim3A_221 : f32 to vector<16xf32>
    %swap3A_223 = arith.constant 512 : index
    %swap3A_224 = tpu.vector_load %arg6[%swap3A_223] {strides = array<i32>} : memref<640xf32, #tpu.memory_space<vmem>>, vector<16xf32>,
    %swap3A_225 = vector.shape_cast %swap3A_224 : vector<16xf32> to vector<16xf32>
    %swap3A_226 = vector.shape_cast %broadcast_in_dim3A_222 : vector<16xf32> to vector<16xf32>
    tpu.vector_store %arg6[%swap3A_223], %swap3A_226 {strides = array<i32>} : memref<640xf32, #tpu.memory_space<vmem>>, vector<16xf32>,
    %broadcast_in_dim3A_227 = arith.constant 0.000000e+00 : f32
    %broadcast_in_dim3A_228 = vector.broadcast %broadcast_in_dim3A_227 : f32 to vector<16xf32>
    %swap3A_229 = arith.constant 528 : index
    %swap3A_230 = tpu.vector_load %arg6[%swap3A_229] {strides = array<i32>} : memref<640xf32, #tpu.memory_space<vmem>>, vector<16xf32>,
    %swap3A_231 = vector.shape_cast %swap3A_230 : vector<16xf32> to vector<16xf32>
    %swap3A_232 = vector.shape_cast %broadcast_in_dim3A_228 : vector<16xf32> to vector<16xf32>
    tpu.vector_store %arg6[%swap3A_229], %swap3A_232 {strides = array<i32>} : memref<640xf32, #tpu.memory_space<vmem>>, vector<16xf32>,
    %broadcast_in_dim3A_233 = arith.constant 0.000000e+00 : f32
    %broadcast_in_dim3A_234 = vector.broadcast %broadcast_in_dim3A_233 : f32 to vector<16xf32>
    %swap3A_235 = arith.constant 544 : index
    %swap3A_236 = tpu.vector_load %arg6[%swap3A_235] {strides = array<i32>} : memref<640xf32, #tpu.memory_space<vmem>>, vector<16xf32>,
    %swap3A_237 = vector.shape_cast %swap3A_236 : vector<16xf32> to vector<16xf32>
    %swap3A_238 = vector.shape_cast %broadcast_in_dim3A_234 : vector<16xf32> to vector<16xf32>
    tpu.vector_store %arg6[%swap3A_235], %swap3A_238 {strides = array<i32>} : memref<640xf32, #tpu.memory_space<vmem>>, vector<16xf32>,
    %broadcast_in_dim3A_239 = arith.constant 0.000000e+00 : f32
    %broadcast_in_dim3A_240 = vector.broadcast %broadcast_in_dim3A_239 : f32 to vector<16xf32>
    %swap3A_241 = arith.constant 560 : index
    %swap3A_242 = tpu.vector_load %arg6[%swap3A_241] {strides = array<i32>} : memref<640xf32, #tpu.memory_space<vmem>>, vector<16xf32>,
    %swap3A_243 = vector.shape_cast %swap3A_242 : vector<16xf32> to vector<16xf32>
    %swap3A_244 = vector.shape_cast %broadcast_in_dim3A_240 : vector<16xf32> to vector<16xf32>
    tpu.vector_store %arg6[%swap3A_241], %swap3A_244 {strides = array<i32>} : memref<640xf32, #tpu.memory_space<vmem>>, vector<16xf32>,
    %broadcast_in_dim3A_245 = arith.constant 0.000000e+00 : f32
    %broadcast_in_dim3A_246 = vector.broadcast %broadcast_in_dim3A_245 : f32 to vector<16xf32>
    %swap3A_247 = arith.constant 576 : index
    %swap3A_248 = tpu.vector_load %arg6[%swap3A_247] {strides = array<i32>} : memref<640xf32, #tpu.memory_space<vmem>>, vector<16xf32>,
    %swap3A_249 = vector.shape_cast %swap3A_248 : vector<16xf32> to vector<16xf32>
    %swap3A_250 = vector.shape_cast %broadcast_in_dim3A_246 : vector<16xf32> to vector<16xf32>
    tpu.vector_store %arg6[%swap3A_247], %swap3A_250 {strides = array<i32>} : memref<640xf32, #tpu.memory_space<vmem>>, vector<16xf32>,
    %broadcast_in_dim3A_251 = arith.constant 0.000000e+00 : f32
    %broadcast_in_dim3A_252 = vector.broadcast %broadcast_in_dim3A_251 : f32 to vector<16xf32>
    %swap3A_253 = arith.constant 592 : index
    %swap3A_254 = tpu.vector_load %arg6[%swap3A_253] {strides = array<i32>} : memref<640xf32, #tpu.memory_space<vmem>>, vector<16xf32>,
    %swap3A_255 = vector.shape_cast %swap3A_254 : vector<16xf32> to vector<16xf32>
    %swap3A_256 = vector.shape_cast %broadcast_in_dim3A_252 : vector<16xf32> to vector<16xf32>
    tpu.vector_store %arg6[%swap3A_253], %swap3A_256 {strides = array<i32>} : memref<640xf32, #tpu.memory_space<vmem>>, vector<16xf32>,
    %broadcast_in_dim3A_257 = arith.constant 0.000000e+00 : f32
    %broadcast_in_dim3A_258 = vector.broadcast %broadcast_in_dim3A_257 : f32 to vector<16xf32>
    %swap3A_259 = arith.constant 608 : index
    %swap3A_260 = tpu.vector_load %arg6[%swap3A_259] {strides = array<i32>} : memref<640xf32, #tpu.memory_space<vmem>>, vector<16xf32>,
    %swap3A_261 = vector.shape_cast %swap3A_260 : vector<16xf32> to vector<16xf32>
    %swap3A_262 = vector.shape_cast %broadcast_in_dim3A_258 : vector<16xf32> to vector<16xf32>
    tpu.vector_store %arg6[%swap3A_259], %swap3A_262 {strides = array<i32>} : memref<640xf32, #tpu.memory_space<vmem>>, vector<16xf32>,
    %broadcast_in_dim3A_263 = arith.constant 0.000000e+00 : f32
    %broadcast_in_dim3A_264 = vector.broadcast %broadcast_in_dim3A_263 : f32 to vector<16xf32>
    %swap3A_265 = arith.constant 624 : index
    %swap3A_266 = tpu.vector_load %arg6[%swap3A_265] {strides = array<i32>} : memref<640xf32, #tpu.memory_space<vmem>>, vector<16xf32>,
    %swap3A_267 = vector.shape_cast %swap3A_266 : vector<16xf32> to vector<16xf32>
    %swap3A_268 = vector.shape_cast %broadcast_in_dim3A_264 : vector<16xf32> to vector<16xf32>
    tpu.vector_store %arg6[%swap3A_265], %swap3A_268 {strides = array<i32>} : memref<640xf32, #tpu.memory_space<vmem>>, vector<16xf32>,
    %mul3A_269 = arith.constant 640 : i32
    %mul3A_270 = arith.muli %arg1, %mul3A_269 : i32
    "tpu.region"() ({
      %run_scoped3A_302 = tpu.sem_alloc : memref<!tpu.dma_semaphore, #tpu.memory_space<semaphore_mem>>
      %dma_start3A = tpu.memref_slice %arg7[%mul3A_270] : memref<10240xf32, #tpu.memory_space<vmem_shared>> -> memref<640xf32, #tpu.memory_space<vmem_shared>>
      %dma_start3A_303 = tpu.memref_slice %arg7[%mul3A_270] : memref<10240xf32, #tpu.memory_space<vmem_shared>> -> memref<640xf32, #tpu.memory_space<vmem_shared>>
      tpu.enqueue_dma source(%arg6 : memref<640xf32, #tpu.memory_space<vmem>>) target(%dma_start3A_303 : memref<640xf32, #tpu.memory_space<vmem_shared>>) target_semaphore(%run_scoped3A_302 : memref<!tpu.dma_semaphore, #tpu.memory_space<semaphore_mem>>)
      %dma_wait3A = tpu.memref_slice %arg7[%mul3A_270] : memref<10240xf32, #tpu.memory_space<vmem_shared>> -> memref<640xf32, #tpu.memory_space<vmem_shared>>
      %dma_wait3A_304 = tpu.memref_slice %arg7[%mul3A_270] : memref<10240xf32, #tpu.memory_space<vmem_shared>> -> memref<640xf32, #tpu.memory_space<vmem_shared>>
      tpu.wait_dma2 semaphore(%run_scoped3A_302 : memref<!tpu.dma_semaphore, #tpu.memory_space<semaphore_mem>>) src(%arg6 : memref<640xf32, #tpu.memory_space<vmem>>) dst(%dma_wait3A_304 : memref<640xf32, #tpu.memory_space<vmem_shared>>)
      tpu.yield
    }) : () -> ()
    %mul3A_271 = arith.constant 640 : i32
    %mul3A_272 = arith.muli %arg1, %mul3A_271 : i32
    "tpu.region"() ({
      %run_scoped3A_302 = tpu.sem_alloc : memref<!tpu.dma_semaphore, #tpu.memory_space<semaphore_mem>>
      %dma_start3A = tpu.memref_slice %arg8[%mul3A_272] : memref<10240xf32, #tpu.memory_space<vmem_shared>> -> memref<640xf32, #tpu.memory_space<vmem_shared>>
      %dma_start3A_303 = tpu.memref_slice %arg8[%mul3A_272] : memref<10240xf32, #tpu.memory_space<vmem_shared>> -> memref<640xf32, #tpu.memory_space<vmem_shared>>
      tpu.enqueue_dma source(%arg6 : memref<640xf32, #tpu.memory_space<vmem>>) target(%dma_start3A_303 : memref<640xf32, #tpu.memory_space<vmem_shared>>) target_semaphore(%run_scoped3A_302 : memref<!tpu.dma_semaphore, #tpu.memory_space<semaphore_mem>>)
      %dma_wait3A = tpu.memref_slice %arg8[%mul3A_272] : memref<10240xf32, #tpu.memory_space<vmem_shared>> -> memref<640xf32, #tpu.memory_space<vmem_shared>>
      %dma_wait3A_304 = tpu.memref_slice %arg8[%mul3A_272] : memref<10240xf32, #tpu.memory_space<vmem_shared>> -> memref<640xf32, #tpu.memory_space<vmem_shared>>
      tpu.wait_dma2 semaphore(%run_scoped3A_302 : memref<!tpu.dma_semaphore, #tpu.memory_space<semaphore_mem>>) src(%arg6 : memref<640xf32, #tpu.memory_space<vmem>>) dst(%dma_wait3A_304 : memref<640xf32, #tpu.memory_space<vmem_shared>>)
      tpu.yield
    }) : () -> ()
    %barrier3A = arith.constant 0 : index
    tpu.barrier barrier_id(%barrier3A)
    %run_scoped3A = arith.constant 0 : i32
    "tpu.region"() ({
      %run_scoped3A_302 = tpu.sem_alloc : memref<!tpu.dma_semaphore, #tpu.memory_space<semaphore_mem>>
      %dma_start3A = arith.constant 0 : i32
      %dma_start3A_303 = arith.constant 0 : i32
      %dma_start3A_304 = tpu.memref_slice %arg2[%run_scoped3A, %add3A, %dma_start3A, %dma_start3A_303] : memref<2x32x125x80xi32, #tpu.memory_space<hbm>> -> memref<1x1x125x80xi32, #tpu.memory_space<hbm>>
      %dma_start3A_305 = tpu.memref_squeeze %dma_start3A_304 : memref<1x1x125x80xi32, #tpu.memory_space<hbm>> -> memref<125x80xi32, #tpu.memory_space<hbm>>
      %dma_start3A_306 = arith.constant 0 : i32
      %dma_start3A_307 = arith.constant 0 : i32
      %dma_start3A_308 = tpu.memref_slice %arg2[%run_scoped3A, %add3A, %dma_start3A_306, %dma_start3A_307] : memref<2x32x125x80xi32, #tpu.memory_space<hbm>> -> memref<1x1x125x80xi32, #tpu.memory_space<hbm>>
      %dma_start3A_309 = tpu.memref_squeeze %dma_start3A_308 : memref<1x1x125x80xi32, #tpu.memory_space<hbm>> -> memref<125x80xi32, #tpu.memory_space<hbm>>
      tpu.enqueue_dma source(%dma_start3A_309 : memref<125x80xi32, #tpu.memory_space<hbm>>) target(%arg4 : memref<125x80xi32, #tpu.memory_space<vmem>>) target_semaphore(%run_scoped3A_302 : memref<!tpu.dma_semaphore, #tpu.memory_space<semaphore_mem>>)
      %dma_wait3A = arith.constant 0 : i32
      %dma_wait3A_310 = arith.constant 0 : i32
      %dma_wait3A_311 = tpu.memref_slice %arg2[%run_scoped3A, %add3A, %dma_wait3A, %dma_wait3A_310] : memref<2x32x125x80xi32, #tpu.memory_space<hbm>> -> memref<1x1x125x80xi32, #tpu.memory_space<hbm>>
      %dma_wait3A_312 = tpu.memref_squeeze %dma_wait3A_311 : memref<1x1x125x80xi32, #tpu.memory_space<hbm>> -> memref<125x80xi32, #tpu.memory_space<hbm>>
      %dma_wait3A_313 = arith.constant 0 : i32
      %dma_wait3A_314 = arith.constant 0 : i32
      %dma_wait3A_315 = tpu.memref_slice %arg2[%run_scoped3A, %add3A, %dma_wait3A_313, %dma_wait3A_314] : memref<2x32x125x80xi32, #tpu.memory_space<hbm>> -> memref<1x1x125x80xi32, #tpu.memory_space<hbm>>
      %dma_wait3A_316 = tpu.memref_squeeze %dma_wait3A_315 : memref<1x1x125x80xi32, #tpu.memory_space<hbm>> -> memref<125x80xi32, #tpu.memory_space<hbm>>
      tpu.wait_dma2 semaphore(%run_scoped3A_302 : memref<!tpu.dma_semaphore, #tpu.memory_space<semaphore_mem>>) src(%dma_wait3A_316 : memref<125x80xi32, #tpu.memory_space<hbm>>) dst(%arg4 : memref<125x80xi32, #tpu.memory_space<vmem>>)
      tpu.yield
    }) : () -> ()
    %scan3A = arith.constant 0 : i32
    %scan3A_273 = arith.constant 125 : i32
    %scan3A_274 = arith.addi %scan3A, %scan3A_273 : i32
    %scan3A_275 = arith.constant 1 : i32
    scf.for %scan3A_302 = %scan3A to %scan3A_274 step %scan3A_275  : i32 {
      "tpu.region"() ({
        %run_scoped3A_303 = tpu.sem_alloc : memref<!tpu.dma_semaphore, #tpu.memory_space<semaphore_mem>>
        %dma_start3A = arith.constant 0 : i32
        %dma_start3A_304 = tpu.memref_slice %arg4[%scan3A_302, %dma_start3A] : memref<125x80xi32, #tpu.memory_space<vmem>> -> memref<1x80xi32, #tpu.memory_space<vmem>>
        %dma_start3A_305 = tpu.memref_squeeze %dma_start3A_304 : memref<1x80xi32, #tpu.memory_space<vmem>> -> memref<80xi32, #tpu.memory_space<vmem>>
        %dma_start3A_306 = arith.constant 0 : i32
        %dma_start3A_307 = tpu.memref_slice %arg7[%dma_start3A_306] : memref<10240xf32, #tpu.memory_space<vmem_shared>> -> memref<10240xf32, #tpu.memory_space<vmem_shared>>
        tpu.enqueue_indirect_dma source(%arg5 : memref<80xf32, #tpu.memory_space<vmem>>) target(%dma_start3A_307 : memref<10240xf32, #tpu.memory_space<vmem_shared>>) offsets(%dma_start3A_305 : memref<80xi32, #tpu.memory_space<vmem>>) semaphore(%run_scoped3A_303 : memref<!tpu.dma_semaphore, #tpu.memory_space<semaphore_mem>>) {add = true}
        %dma_wait3A = arith.constant 0 : i32
        %dma_wait3A_308 = tpu.memref_slice %arg4[%scan3A_302, %dma_wait3A] : memref<125x80xi32, #tpu.memory_space<vmem>> -> memref<1x80xi32, #tpu.memory_space<vmem>>
        %dma_wait3A_309 = tpu.memref_squeeze %dma_wait3A_308 : memref<1x80xi32, #tpu.memory_space<vmem>> -> memref<80xi32, #tpu.memory_space<vmem>>
        %dma_wait3A_310 = arith.constant 0 : i32
        %dma_wait3A_311 = tpu.memref_slice %arg7[%dma_wait3A_310] : memref<10240xf32, #tpu.memory_space<vmem_shared>> -> memref<10240xf32, #tpu.memory_space<vmem_shared>>
        tpu.wait_indirect_dma semaphore(%run_scoped3A_303 : memref<!tpu.dma_semaphore, #tpu.memory_space<semaphore_mem>>) src(%arg5 : memref<80xf32, #tpu.memory_space<vmem>>) dst(%dma_wait3A_311 : memref<10240xf32, #tpu.memory_space<vmem_shared>>)
        tpu.yield
      }) : () -> ()
    }
    %scan3A_276 = arith.constant 125 : i32
    %run_scoped3A_277 = arith.constant 1 : i32
    "tpu.region"() ({
      %run_scoped3A_302 = tpu.sem_alloc : memref<!tpu.dma_semaphore, #tpu.memory_space<semaphore_mem>>
      %dma_start3A = arith.constant 0 : i32
      %dma_start3A_303 = arith.constant 0 : i32
      %dma_start3A_304 = tpu.memref_slice %arg2[%run_scoped3A_277, %add3A, %dma_start3A, %dma_start3A_303] : memref<2x32x125x80xi32, #tpu.memory_space<hbm>> -> memref<1x1x125x80xi32, #tpu.memory_space<hbm>>
      %dma_start3A_305 = tpu.memref_squeeze %dma_start3A_304 : memref<1x1x125x80xi32, #tpu.memory_space<hbm>> -> memref<125x80xi32, #tpu.memory_space<hbm>>
      %dma_start3A_306 = arith.constant 0 : i32
      %dma_start3A_307 = arith.constant 0 : i32
      %dma_start3A_308 = tpu.memref_slice %arg2[%run_scoped3A_277, %add3A, %dma_start3A_306, %dma_start3A_307] : memref<2x32x125x80xi32, #tpu.memory_space<hbm>> -> memref<1x1x125x80xi32, #tpu.memory_space<hbm>>
      %dma_start3A_309 = tpu.memref_squeeze %dma_start3A_308 : memref<1x1x125x80xi32, #tpu.memory_space<hbm>> -> memref<125x80xi32, #tpu.memory_space<hbm>>
      tpu.enqueue_dma source(%dma_start3A_309 : memref<125x80xi32, #tpu.memory_space<hbm>>) target(%arg4 : memref<125x80xi32, #tpu.memory_space<vmem>>) target_semaphore(%run_scoped3A_302 : memref<!tpu.dma_semaphore, #tpu.memory_space<semaphore_mem>>)
      %dma_wait3A = arith.constant 0 : i32
      %dma_wait3A_310 = arith.constant 0 : i32
      %dma_wait3A_311 = tpu.memref_slice %arg2[%run_scoped3A_277, %add3A, %dma_wait3A, %dma_wait3A_310] : memref<2x32x125x80xi32, #tpu.memory_space<hbm>> -> memref<1x1x125x80xi32, #tpu.memory_space<hbm>>
      %dma_wait3A_312 = tpu.memref_squeeze %dma_wait3A_311 : memref<1x1x125x80xi32, #tpu.memory_space<hbm>> -> memref<125x80xi32, #tpu.memory_space<hbm>>
      %dma_wait3A_313 = arith.constant 0 : i32
      %dma_wait3A_314 = arith.constant 0 : i32
      %dma_wait3A_315 = tpu.memref_slice %arg2[%run_scoped3A_277, %add3A, %dma_wait3A_313, %dma_wait3A_314] : memref<2x32x125x80xi32, #tpu.memory_space<hbm>> -> memref<1x1x125x80xi32, #tpu.memory_space<hbm>>
      %dma_wait3A_316 = tpu.memref_squeeze %dma_wait3A_315 : memref<1x1x125x80xi32, #tpu.memory_space<hbm>> -> memref<125x80xi32, #tpu.memory_space<hbm>>
      tpu.wait_dma2 semaphore(%run_scoped3A_302 : memref<!tpu.dma_semaphore, #tpu.memory_space<semaphore_mem>>) src(%dma_wait3A_316 : memref<125x80xi32, #tpu.memory_space<hbm>>) dst(%arg4 : memref<125x80xi32, #tpu.memory_space<vmem>>)
      tpu.yield
    }) : () -> ()
    %scan3A_278 = arith.constant 0 : i32
    %scan3A_279 = arith.constant 125 : i32
    %scan3A_280 = arith.addi %scan3A_278, %scan3A_279 : i32
    %scan3A_281 = arith.constant 1 : i32
    scf.for %scan3A_302 = %scan3A_278 to %scan3A_280 step %scan3A_281  : i32 {
      "tpu.region"() ({
        %run_scoped3A_303 = tpu.sem_alloc : memref<!tpu.dma_semaphore, #tpu.memory_space<semaphore_mem>>
        %dma_start3A = arith.constant 0 : i32
        %dma_start3A_304 = tpu.memref_slice %arg4[%scan3A_302, %dma_start3A] : memref<125x80xi32, #tpu.memory_space<vmem>> -> memref<1x80xi32, #tpu.memory_space<vmem>>
        %dma_start3A_305 = tpu.memref_squeeze %dma_start3A_304 : memref<1x80xi32, #tpu.memory_space<vmem>> -> memref<80xi32, #tpu.memory_space<vmem>>
        %dma_start3A_306 = arith.constant 0 : i32
        %dma_start3A_307 = tpu.memref_slice %arg8[%dma_start3A_306] : memref<10240xf32, #tpu.memory_space<vmem_shared>> -> memref<10240xf32, #tpu.memory_space<vmem_shared>>
        tpu.enqueue_indirect_dma source(%arg5 : memref<80xf32, #tpu.memory_space<vmem>>) target(%dma_start3A_307 : memref<10240xf32, #tpu.memory_space<vmem_shared>>) offsets(%dma_start3A_305 : memref<80xi32, #tpu.memory_space<vmem>>) semaphore(%run_scoped3A_303 : memref<!tpu.dma_semaphore, #tpu.memory_space<semaphore_mem>>) {add = true}
        %dma_wait3A = arith.constant 0 : i32
        %dma_wait3A_308 = tpu.memref_slice %arg4[%scan3A_302, %dma_wait3A] : memref<125x80xi32, #tpu.memory_space<vmem>> -> memref<1x80xi32, #tpu.memory_space<vmem>>
        %dma_wait3A_309 = tpu.memref_squeeze %dma_wait3A_308 : memref<1x80xi32, #tpu.memory_space<vmem>> -> memref<80xi32, #tpu.memory_space<vmem>>
        %dma_wait3A_310 = arith.constant 0 : i32
        %dma_wait3A_311 = tpu.memref_slice %arg8[%dma_wait3A_310] : memref<10240xf32, #tpu.memory_space<vmem_shared>> -> memref<10240xf32, #tpu.memory_space<vmem_shared>>
        tpu.wait_indirect_dma semaphore(%run_scoped3A_303 : memref<!tpu.dma_semaphore, #tpu.memory_space<semaphore_mem>>) src(%arg5 : memref<80xf32, #tpu.memory_space<vmem>>) dst(%dma_wait3A_311 : memref<10240xf32, #tpu.memory_space<vmem_shared>>)
        tpu.yield
      }) : () -> ()
    }
    %scan3A_282 = arith.constant 125 : i32
    %barrier3A_283 = arith.constant 0 : index
    tpu.barrier barrier_id(%barrier3A_283)
    %mul3A_284 = arith.constant 640 : i32
    %mul3A_285 = arith.muli %arg1, %mul3A_284 : i32
    %mul3A_286 = arith.constant 2 : i32
    %mul3A_287 = arith.muli %arg0, %mul3A_286 : i32
    %add3A_288 = arith.constant 0 : i32
    %add3A_289 = arith.addi %mul3A_287, %add3A_288 : i32
    %mul3A_290 = arith.constant 640 : i32
    %mul3A_291 = arith.muli %arg1, %mul3A_290 : i32
    %run_scoped3A_292 = arith.constant 0 : i32
    "tpu.region"() ({
      %run_scoped3A_302 = tpu.sem_alloc : memref<!tpu.dma_semaphore, #tpu.memory_space<semaphore_mem>>
      %dma_start3A = tpu.memref_slice %arg3[%add3A_289, %run_scoped3A_292, %mul3A_291] : memref<4x1x10240xf32, #tpu.memory_space<hbm>> -> memref<1x1x640xf32, #tpu.memory_space<hbm>>
      %dma_start3A_303 = tpu.memref_squeeze %dma_start3A : memref<1x1x640xf32, #tpu.memory_space<hbm>> -> memref<640xf32, #tpu.memory_space<hbm>>
      %dma_start3A_304 = tpu.memref_slice %arg7[%mul3A_285] : memref<10240xf32, #tpu.memory_space<vmem_shared>> -> memref<640xf32, #tpu.memory_space<vmem_shared>>
      tpu.enqueue_dma source(%dma_start3A_304 : memref<640xf32, #tpu.memory_space<vmem_shared>>) target(%dma_start3A_303 : memref<640xf32, #tpu.memory_space<hbm>>) target_semaphore(%run_scoped3A_302 : memref<!tpu.dma_semaphore, #tpu.memory_space<semaphore_mem>>)
      %dma_wait3A = tpu.memref_slice %arg3[%add3A_289, %run_scoped3A_292, %mul3A_291] : memref<4x1x10240xf32, #tpu.memory_space<hbm>> -> memref<1x1x640xf32, #tpu.memory_space<hbm>>
      %dma_wait3A_305 = tpu.memref_squeeze %dma_wait3A : memref<1x1x640xf32, #tpu.memory_space<hbm>> -> memref<640xf32, #tpu.memory_space<hbm>>
      %dma_wait3A_306 = tpu.memref_slice %arg7[%mul3A_285] : memref<10240xf32, #tpu.memory_space<vmem_shared>> -> memref<640xf32, #tpu.memory_space<vmem_shared>>
      tpu.wait_dma2 semaphore(%run_scoped3A_302 : memref<!tpu.dma_semaphore, #tpu.memory_space<semaphore_mem>>) src(%dma_wait3A_306 : memref<640xf32, #tpu.memory_space<vmem_shared>>) dst(%dma_wait3A_305 : memref<640xf32, #tpu.memory_space<hbm>>)
      tpu.yield
    }) : () -> ()
    %mul3A_293 = arith.constant 640 : i32
    %mul3A_294 = arith.muli %arg1, %mul3A_293 : i32
    %mul3A_295 = arith.constant 2 : i32
    %mul3A_296 = arith.muli %arg0, %mul3A_295 : i32
    %add3A_297 = arith.constant 1 : i32
    %add3A_298 = arith.addi %mul3A_296, %add3A_297 : i32
    %mul3A_299 = arith.constant 640 : i32
    %mul3A_300 = arith.muli %arg1, %mul3A_299 : i32
    %run_scoped3A_301 = arith.constant 0 : i32
    "tpu.region"() ({
      %run_scoped3A_302 = tpu.sem_alloc : memref<!tpu.dma_semaphore, #tpu.memory_space<semaphore_mem>>
      %dma_start3A = tpu.memref_slice %arg3[%add3A_298, %run_scoped3A_301, %mul3A_300] : memref<4x1x10240xf32, #tpu.memory_space<hbm>> -> memref<1x1x640xf32, #tpu.memory_space<hbm>>
      %dma_start3A_303 = tpu.memref_squeeze %dma_start3A : memref<1x1x640xf32, #tpu.memory_space<hbm>> -> memref<640xf32, #tpu.memory_space<hbm>>
      %dma_start3A_304 = tpu.memref_slice %arg8[%mul3A_294] : memref<10240xf32, #tpu.memory_space<vmem_shared>> -> memref<640xf32, #tpu.memory_space<vmem_shared>>
      tpu.enqueue_dma source(%dma_start3A_304 : memref<640xf32, #tpu.memory_space<vmem_shared>>) target(%dma_start3A_303 : memref<640xf32, #tpu.memory_space<hbm>>) target_semaphore(%run_scoped3A_302 : memref<!tpu.dma_semaphore, #tpu.memory_space<semaphore_mem>>)
      %dma_wait3A = tpu.memref_slice %arg3[%add3A_298, %run_scoped3A_301, %mul3A_300] : memref<4x1x10240xf32, #tpu.memory_space<hbm>> -> memref<1x1x640xf32, #tpu.memory_space<hbm>>
      %dma_wait3A_305 = tpu.memref_squeeze %dma_wait3A : memref<1x1x640xf32, #tpu.memory_space<hbm>> -> memref<640xf32, #tpu.memory_space<hbm>>
      %dma_wait3A_306 = tpu.memref_slice %arg8[%mul3A_294] : memref<10240xf32, #tpu.memory_space<vmem_shared>> -> memref<640xf32, #tpu.memory_space<vmem_shared>>
      tpu.wait_dma2 semaphore(%run_scoped3A_302 : memref<!tpu.dma_semaphore, #tpu.memory_space<semaphore_mem>>) src(%dma_wait3A_306 : memref<640xf32, #tpu.memory_space<vmem_shared>>) dst(%dma_wait3A_305 : memref<640xf32, #tpu.memory_space<hbm>>)
      tpu.yield
    }) : () -> ()
    return
  }
}

#map = affine_map<(d0, d1) -> (0, 0)>
#map1 = affine_map<(d0, d1) -> (0, 0, 0)>
module attributes {stable_mosaic.version = 14 : i64} {
  func.func @_agg_kernel(%arg0: i32, %arg1: i32, %arg2: memref<10000x128xf32, #tpu.memory_space<hbm>>, %arg3: memref<10000x128xf32, #tpu.memory_space<hbm>>, %arg4: memref<32x125x80xi32, #tpu.memory_space<hbm>>, %arg5: memref<32x125x80xi32, #tpu.memory_space<hbm>>, %arg6: memref<2x10000x128xf32, #tpu.memory_space<hbm>>, %arg7: memref<125x80xi32, #tpu.memory_space<vmem>>, %arg8: memref<125x80xi32, #tpu.memory_space<vmem>>, %arg9: memref<80x128xf32, #tpu.memory_space<vmem>>, %arg10: memref<10000x128xf32, #tpu.memory_space<vmem_shared>>) attributes {dimension_semantics = [#tpu.dimension_semantics<core_parallel>, #tpu.dimension_semantics<subcore_parallel>], iteration_bounds = array<i64: 2, 16>, scalar_prefetch = 0 : i64, scratch_operands = 4 : i64, tpu.core_type = #tpu.core_type<sc_vector_subcore>, window_params = [{transform_indices = #map}, {transform_indices = #map}, {transform_indices = #map1}, {transform_indices = #map1}, {transform_indices = #map1}]} {
    %mul3A = arith.constant 16 : i32
    %mul3A_0 = arith.muli %arg0, %mul3A : i32
    %add3A = arith.addi %mul3A_0, %arg1 : i32
    %lt3A = arith.constant 15 : i32
    %lt3A_1 = arith.cmpi slt, %arg1, %lt3A : i32
    %convert_element_type3A = arith.extui %lt3A_1 : i1 to i32
    %cond3A = arith.constant 0 : i32
    %cond3A_2 = arith.cmpi ne, %convert_element_type3A, %cond3A : i32
    scf.if %cond3A_2 {
      %mul3A_22 = arith.constant 640 : i32
      %mul3A_23 = arith.muli %arg1, %mul3A_22 : i32
      %eq3A_24 = arith.constant 0 : i32
      %eq3A_25 = arith.cmpi eq, %arg0, %eq3A_24 : i32
      %convert_element_type3A_26 = arith.extui %eq3A_25 : i1 to i32
      %cond3A_27 = arith.constant 0 : i32
      %cond3A_28 = arith.cmpi ne, %convert_element_type3A_26, %cond3A_27 : i32
      scf.if %cond3A_28 {
        "tpu.region"() ({
          %run_scoped3A = tpu.sem_alloc : memref<!tpu.dma_semaphore, #tpu.memory_space<semaphore_mem>>
          %dma_start3A = arith.constant 0 : i32
          %dma_start3A_33 = tpu.memref_slice %arg10[%mul3A_23, %dma_start3A] : memref<10000x128xf32, #tpu.memory_space<vmem_shared>> -> memref<640x128xf32, #tpu.memory_space<vmem_shared>>
          %dma_start3A_34 = arith.constant 0 : i32
          %dma_start3A_35 = tpu.memref_slice %arg2[%mul3A_23, %dma_start3A_34] : memref<10000x128xf32, #tpu.memory_space<hbm>> -> memref<640x128xf32, #tpu.memory_space<hbm>>
          tpu.enqueue_dma source(%dma_start3A_35 : memref<640x128xf32, #tpu.memory_space<hbm>>) target(%dma_start3A_33 : memref<640x128xf32, #tpu.memory_space<vmem_shared>>) target_semaphore(%run_scoped3A : memref<!tpu.dma_semaphore, #tpu.memory_space<semaphore_mem>>)
          %dma_wait3A = arith.constant 0 : i32
          %dma_wait3A_36 = tpu.memref_slice %arg10[%mul3A_23, %dma_wait3A] : memref<10000x128xf32, #tpu.memory_space<vmem_shared>> -> memref<640x128xf32, #tpu.memory_space<vmem_shared>>
          %dma_wait3A_37 = arith.constant 0 : i32
          %dma_wait3A_38 = tpu.memref_slice %arg2[%mul3A_23, %dma_wait3A_37] : memref<10000x128xf32, #tpu.memory_space<hbm>> -> memref<640x128xf32, #tpu.memory_space<hbm>>
          tpu.wait_dma2 semaphore(%run_scoped3A : memref<!tpu.dma_semaphore, #tpu.memory_space<semaphore_mem>>) src(%dma_wait3A_38 : memref<640x128xf32, #tpu.memory_space<hbm>>) dst(%dma_wait3A_36 : memref<640x128xf32, #tpu.memory_space<vmem_shared>>)
          tpu.yield
        }) : () -> ()
      } else {
      }
      %ne3A = arith.constant 0 : i32
      %ne3A_29 = arith.cmpi ne, %arg0, %ne3A : i32
      %convert_element_type3A_30 = arith.extui %ne3A_29 : i1 to i32
      %cond3A_31 = arith.constant 0 : i32
      %cond3A_32 = arith.cmpi ne, %convert_element_type3A_30, %cond3A_31 : i32
      scf.if %cond3A_32 {
        "tpu.region"() ({
          %run_scoped3A = tpu.sem_alloc : memref<!tpu.dma_semaphore, #tpu.memory_space<semaphore_mem>>
          %dma_start3A = arith.constant 0 : i32
          %dma_start3A_33 = tpu.memref_slice %arg10[%mul3A_23, %dma_start3A] : memref<10000x128xf32, #tpu.memory_space<vmem_shared>> -> memref<640x128xf32, #tpu.memory_space<vmem_shared>>
          %dma_start3A_34 = arith.constant 0 : i32
          %dma_start3A_35 = tpu.memref_slice %arg3[%mul3A_23, %dma_start3A_34] : memref<10000x128xf32, #tpu.memory_space<hbm>> -> memref<640x128xf32, #tpu.memory_space<hbm>>
          tpu.enqueue_dma source(%dma_start3A_35 : memref<640x128xf32, #tpu.memory_space<hbm>>) target(%dma_start3A_33 : memref<640x128xf32, #tpu.memory_space<vmem_shared>>) target_semaphore(%run_scoped3A : memref<!tpu.dma_semaphore, #tpu.memory_space<semaphore_mem>>)
          %dma_wait3A = arith.constant 0 : i32
          %dma_wait3A_36 = tpu.memref_slice %arg10[%mul3A_23, %dma_wait3A] : memref<10000x128xf32, #tpu.memory_space<vmem_shared>> -> memref<640x128xf32, #tpu.memory_space<vmem_shared>>
          %dma_wait3A_37 = arith.constant 0 : i32
          %dma_wait3A_38 = tpu.memref_slice %arg3[%mul3A_23, %dma_wait3A_37] : memref<10000x128xf32, #tpu.memory_space<hbm>> -> memref<640x128xf32, #tpu.memory_space<hbm>>
          tpu.wait_dma2 semaphore(%run_scoped3A : memref<!tpu.dma_semaphore, #tpu.memory_space<semaphore_mem>>) src(%dma_wait3A_38 : memref<640x128xf32, #tpu.memory_space<hbm>>) dst(%dma_wait3A_36 : memref<640x128xf32, #tpu.memory_space<vmem_shared>>)
          tpu.yield
        }) : () -> ()
      } else {
      }
    } else {
    }
    %eq3A = arith.constant 15 : i32
    %eq3A_3 = arith.cmpi eq, %arg1, %eq3A : i32
    %convert_element_type3A_4 = arith.extui %eq3A_3 : i1 to i32
    %cond3A_5 = arith.constant 0 : i32
    %cond3A_6 = arith.cmpi ne, %convert_element_type3A_4, %cond3A_5 : i32
    scf.if %cond3A_6 {
      %eq3A_22 = arith.constant 0 : i32
      %eq3A_23 = arith.cmpi eq, %arg0, %eq3A_22 : i32
      %convert_element_type3A_24 = arith.extui %eq3A_23 : i1 to i32
      %cond3A_25 = arith.constant 0 : i32
      %cond3A_26 = arith.cmpi ne, %convert_element_type3A_24, %cond3A_25 : i32
      scf.if %cond3A_26 {
        "tpu.region"() ({
          %run_scoped3A = tpu.sem_alloc : memref<!tpu.dma_semaphore, #tpu.memory_space<semaphore_mem>>
          %dma_start3A = arith.constant 9600 : i32
          %dma_start3A_31 = arith.constant 0 : i32
          %dma_start3A_32 = tpu.memref_slice %arg10[%dma_start3A, %dma_start3A_31] : memref<10000x128xf32, #tpu.memory_space<vmem_shared>> -> memref<400x128xf32, #tpu.memory_space<vmem_shared>>
          %dma_start3A_33 = arith.constant 9600 : i32
          %dma_start3A_34 = arith.constant 0 : i32
          %dma_start3A_35 = tpu.memref_slice %arg2[%dma_start3A_33, %dma_start3A_34] : memref<10000x128xf32, #tpu.memory_space<hbm>> -> memref<400x128xf32, #tpu.memory_space<hbm>>
          tpu.enqueue_dma source(%dma_start3A_35 : memref<400x128xf32, #tpu.memory_space<hbm>>) target(%dma_start3A_32 : memref<400x128xf32, #tpu.memory_space<vmem_shared>>) target_semaphore(%run_scoped3A : memref<!tpu.dma_semaphore, #tpu.memory_space<semaphore_mem>>)
          %dma_wait3A = arith.constant 9600 : i32
          %dma_wait3A_36 = arith.constant 0 : i32
          %dma_wait3A_37 = tpu.memref_slice %arg10[%dma_wait3A, %dma_wait3A_36] : memref<10000x128xf32, #tpu.memory_space<vmem_shared>> -> memref<400x128xf32, #tpu.memory_space<vmem_shared>>
          %dma_wait3A_38 = arith.constant 9600 : i32
          %dma_wait3A_39 = arith.constant 0 : i32
          %dma_wait3A_40 = tpu.memref_slice %arg2[%dma_wait3A_38, %dma_wait3A_39] : memref<10000x128xf32, #tpu.memory_space<hbm>> -> memref<400x128xf32, #tpu.memory_space<hbm>>
          tpu.wait_dma2 semaphore(%run_scoped3A : memref<!tpu.dma_semaphore, #tpu.memory_space<semaphore_mem>>) src(%dma_wait3A_40 : memref<400x128xf32, #tpu.memory_space<hbm>>) dst(%dma_wait3A_37 : memref<400x128xf32, #tpu.memory_space<vmem_shared>>)
          tpu.yield
        }) : () -> ()
      } else {
      }
      %ne3A = arith.constant 0 : i32
      %ne3A_27 = arith.cmpi ne, %arg0, %ne3A : i32
      %convert_element_type3A_28 = arith.extui %ne3A_27 : i1 to i32
      %cond3A_29 = arith.constant 0 : i32
      %cond3A_30 = arith.cmpi ne, %convert_element_type3A_28, %cond3A_29 : i32
      scf.if %cond3A_30 {
        "tpu.region"() ({
          %run_scoped3A = tpu.sem_alloc : memref<!tpu.dma_semaphore, #tpu.memory_space<semaphore_mem>>
          %dma_start3A = arith.constant 9600 : i32
          %dma_start3A_31 = arith.constant 0 : i32
          %dma_start3A_32 = tpu.memref_slice %arg10[%dma_start3A, %dma_start3A_31] : memref<10000x128xf32, #tpu.memory_space<vmem_shared>> -> memref<400x128xf32, #tpu.memory_space<vmem_shared>>
          %dma_start3A_33 = arith.constant 9600 : i32
          %dma_start3A_34 = arith.constant 0 : i32
          %dma_start3A_35 = tpu.memref_slice %arg3[%dma_start3A_33, %dma_start3A_34] : memref<10000x128xf32, #tpu.memory_space<hbm>> -> memref<400x128xf32, #tpu.memory_space<hbm>>
          tpu.enqueue_dma source(%dma_start3A_35 : memref<400x128xf32, #tpu.memory_space<hbm>>) target(%dma_start3A_32 : memref<400x128xf32, #tpu.memory_space<vmem_shared>>) target_semaphore(%run_scoped3A : memref<!tpu.dma_semaphore, #tpu.memory_space<semaphore_mem>>)
          %dma_wait3A = arith.constant 9600 : i32
          %dma_wait3A_36 = arith.constant 0 : i32
          %dma_wait3A_37 = tpu.memref_slice %arg10[%dma_wait3A, %dma_wait3A_36] : memref<10000x128xf32, #tpu.memory_space<vmem_shared>> -> memref<400x128xf32, #tpu.memory_space<vmem_shared>>
          %dma_wait3A_38 = arith.constant 9600 : i32
          %dma_wait3A_39 = arith.constant 0 : i32
          %dma_wait3A_40 = tpu.memref_slice %arg3[%dma_wait3A_38, %dma_wait3A_39] : memref<10000x128xf32, #tpu.memory_space<hbm>> -> memref<400x128xf32, #tpu.memory_space<hbm>>
          tpu.wait_dma2 semaphore(%run_scoped3A : memref<!tpu.dma_semaphore, #tpu.memory_space<semaphore_mem>>) src(%dma_wait3A_40 : memref<400x128xf32, #tpu.memory_space<hbm>>) dst(%dma_wait3A_37 : memref<400x128xf32, #tpu.memory_space<vmem_shared>>)
          tpu.yield
        }) : () -> ()
      } else {
      }
    } else {
    }
    "tpu.region"() ({
      %run_scoped3A = tpu.sem_alloc : memref<!tpu.dma_semaphore, #tpu.memory_space<semaphore_mem>>
      %dma_start3A = arith.constant 0 : i32
      %dma_start3A_22 = arith.constant 0 : i32
      %dma_start3A_23 = tpu.memref_slice %arg4[%add3A, %dma_start3A, %dma_start3A_22] : memref<32x125x80xi32, #tpu.memory_space<hbm>> -> memref<1x125x80xi32, #tpu.memory_space<hbm>>
      %dma_start3A_24 = tpu.memref_squeeze %dma_start3A_23 : memref<1x125x80xi32, #tpu.memory_space<hbm>> -> memref<125x80xi32, #tpu.memory_space<hbm>>
      %dma_start3A_25 = arith.constant 0 : i32
      %dma_start3A_26 = arith.constant 0 : i32
      %dma_start3A_27 = tpu.memref_slice %arg4[%add3A, %dma_start3A_25, %dma_start3A_26] : memref<32x125x80xi32, #tpu.memory_space<hbm>> -> memref<1x125x80xi32, #tpu.memory_space<hbm>>
      %dma_start3A_28 = tpu.memref_squeeze %dma_start3A_27 : memref<1x125x80xi32, #tpu.memory_space<hbm>> -> memref<125x80xi32, #tpu.memory_space<hbm>>
      tpu.enqueue_dma source(%dma_start3A_28 : memref<125x80xi32, #tpu.memory_space<hbm>>) target(%arg7 : memref<125x80xi32, #tpu.memory_space<vmem>>) target_semaphore(%run_scoped3A : memref<!tpu.dma_semaphore, #tpu.memory_space<semaphore_mem>>)
      %dma_wait3A = arith.constant 0 : i32
      %dma_wait3A_29 = arith.constant 0 : i32
      %dma_wait3A_30 = tpu.memref_slice %arg4[%add3A, %dma_wait3A, %dma_wait3A_29] : memref<32x125x80xi32, #tpu.memory_space<hbm>> -> memref<1x125x80xi32, #tpu.memory_space<hbm>>
      %dma_wait3A_31 = tpu.memref_squeeze %dma_wait3A_30 : memref<1x125x80xi32, #tpu.memory_space<hbm>> -> memref<125x80xi32, #tpu.memory_space<hbm>>
      %dma_wait3A_32 = arith.constant 0 : i32
      %dma_wait3A_33 = arith.constant 0 : i32
      %dma_wait3A_34 = tpu.memref_slice %arg4[%add3A, %dma_wait3A_32, %dma_wait3A_33] : memref<32x125x80xi32, #tpu.memory_space<hbm>> -> memref<1x125x80xi32, #tpu.memory_space<hbm>>
      %dma_wait3A_35 = tpu.memref_squeeze %dma_wait3A_34 : memref<1x125x80xi32, #tpu.memory_space<hbm>> -> memref<125x80xi32, #tpu.memory_space<hbm>>
      tpu.wait_dma2 semaphore(%run_scoped3A : memref<!tpu.dma_semaphore, #tpu.memory_space<semaphore_mem>>) src(%dma_wait3A_35 : memref<125x80xi32, #tpu.memory_space<hbm>>) dst(%arg7 : memref<125x80xi32, #tpu.memory_space<vmem>>)
      tpu.yield
    }) : () -> ()
    "tpu.region"() ({
      %run_scoped3A = tpu.sem_alloc : memref<!tpu.dma_semaphore, #tpu.memory_space<semaphore_mem>>
      %dma_start3A = arith.constant 0 : i32
      %dma_start3A_22 = arith.constant 0 : i32
      %dma_start3A_23 = tpu.memref_slice %arg5[%add3A, %dma_start3A, %dma_start3A_22] : memref<32x125x80xi32, #tpu.memory_space<hbm>> -> memref<1x125x80xi32, #tpu.memory_space<hbm>>
      %dma_start3A_24 = tpu.memref_squeeze %dma_start3A_23 : memref<1x125x80xi32, #tpu.memory_space<hbm>> -> memref<125x80xi32, #tpu.memory_space<hbm>>
      %dma_start3A_25 = arith.constant 0 : i32
      %dma_start3A_26 = arith.constant 0 : i32
      %dma_start3A_27 = tpu.memref_slice %arg5[%add3A, %dma_start3A_25, %dma_start3A_26] : memref<32x125x80xi32, #tpu.memory_space<hbm>> -> memref<1x125x80xi32, #tpu.memory_space<hbm>>
      %dma_start3A_28 = tpu.memref_squeeze %dma_start3A_27 : memref<1x125x80xi32, #tpu.memory_space<hbm>> -> memref<125x80xi32, #tpu.memory_space<hbm>>
      tpu.enqueue_dma source(%dma_start3A_28 : memref<125x80xi32, #tpu.memory_space<hbm>>) target(%arg8 : memref<125x80xi32, #tpu.memory_space<vmem>>) target_semaphore(%run_scoped3A : memref<!tpu.dma_semaphore, #tpu.memory_space<semaphore_mem>>)
      %dma_wait3A = arith.constant 0 : i32
      %dma_wait3A_29 = arith.constant 0 : i32
      %dma_wait3A_30 = tpu.memref_slice %arg5[%add3A, %dma_wait3A, %dma_wait3A_29] : memref<32x125x80xi32, #tpu.memory_space<hbm>> -> memref<1x125x80xi32, #tpu.memory_space<hbm>>
      %dma_wait3A_31 = tpu.memref_squeeze %dma_wait3A_30 : memref<1x125x80xi32, #tpu.memory_space<hbm>> -> memref<125x80xi32, #tpu.memory_space<hbm>>
      %dma_wait3A_32 = arith.constant 0 : i32
      %dma_wait3A_33 = arith.constant 0 : i32
      %dma_wait3A_34 = tpu.memref_slice %arg5[%add3A, %dma_wait3A_32, %dma_wait3A_33] : memref<32x125x80xi32, #tpu.memory_space<hbm>> -> memref<1x125x80xi32, #tpu.memory_space<hbm>>
      %dma_wait3A_35 = tpu.memref_squeeze %dma_wait3A_34 : memref<1x125x80xi32, #tpu.memory_space<hbm>> -> memref<125x80xi32, #tpu.memory_space<hbm>>
      tpu.wait_dma2 semaphore(%run_scoped3A : memref<!tpu.dma_semaphore, #tpu.memory_space<semaphore_mem>>) src(%dma_wait3A_35 : memref<125x80xi32, #tpu.memory_space<hbm>>) dst(%arg8 : memref<125x80xi32, #tpu.memory_space<vmem>>)
      tpu.yield
    }) : () -> ()
    %barrier3A = arith.constant 0 : index
    tpu.barrier barrier_id(%barrier3A)
    %scan3A = arith.constant 0 : i32
    %scan3A_7 = arith.constant 125 : i32
    %scan3A_8 = arith.addi %scan3A, %scan3A_7 : i32
    %scan3A_9 = arith.constant 1 : i32
    scf.for %scan3A_22 = %scan3A to %scan3A_8 step %scan3A_9  : i32 {
      "tpu.region"() ({
        %run_scoped3A = tpu.sem_alloc : memref<!tpu.dma_semaphore, #tpu.memory_space<semaphore_mem>>
        %dma_start3A = arith.constant 0 : i32
        %dma_start3A_23 = tpu.memref_slice %arg7[%scan3A_22, %dma_start3A] : memref<125x80xi32, #tpu.memory_space<vmem>> -> memref<1x80xi32, #tpu.memory_space<vmem>>
        %dma_start3A_24 = tpu.memref_squeeze %dma_start3A_23 : memref<1x80xi32, #tpu.memory_space<vmem>> -> memref<80xi32, #tpu.memory_space<vmem>>
        %dma_start3A_25 = arith.constant 0 : i32
        %dma_start3A_26 = arith.constant 0 : i32
        %dma_start3A_27 = tpu.memref_slice %arg2[%dma_start3A_25, %dma_start3A_26] : memref<10000x128xf32, #tpu.memory_space<hbm>> -> memref<10000x128xf32, #tpu.memory_space<hbm>>
        tpu.enqueue_indirect_dma source(%dma_start3A_27 : memref<10000x128xf32, #tpu.memory_space<hbm>>) target(%arg9 : memref<80x128xf32, #tpu.memory_space<vmem>>) offsets(%dma_start3A_24 : memref<80xi32, #tpu.memory_space<vmem>>) semaphore(%run_scoped3A : memref<!tpu.dma_semaphore, #tpu.memory_space<semaphore_mem>>)
        %dma_wait3A = arith.constant 0 : i32
        %dma_wait3A_28 = tpu.memref_slice %arg7[%scan3A_22, %dma_wait3A] : memref<125x80xi32, #tpu.memory_space<vmem>> -> memref<1x80xi32, #tpu.memory_space<vmem>>
        %dma_wait3A_29 = tpu.memref_squeeze %dma_wait3A_28 : memref<1x80xi32, #tpu.memory_space<vmem>> -> memref<80xi32, #tpu.memory_space<vmem>>
        %dma_wait3A_30 = arith.constant 0 : i32
        %dma_wait3A_31 = arith.constant 0 : i32
        %dma_wait3A_32 = tpu.memref_slice %arg2[%dma_wait3A_30, %dma_wait3A_31] : memref<10000x128xf32, #tpu.memory_space<hbm>> -> memref<10000x128xf32, #tpu.memory_space<hbm>>
        tpu.wait_indirect_dma semaphore(%run_scoped3A : memref<!tpu.dma_semaphore, #tpu.memory_space<semaphore_mem>>) src(%dma_wait3A_32 : memref<10000x128xf32, #tpu.memory_space<hbm>>) dst(%arg9 : memref<80x128xf32, #tpu.memory_space<vmem>>)
        tpu.yield
      }) : () -> ()
      "tpu.region"() ({
        %run_scoped3A = tpu.sem_alloc : memref<!tpu.dma_semaphore, #tpu.memory_space<semaphore_mem>>
        %dma_start3A = arith.constant 0 : i32
        %dma_start3A_23 = tpu.memref_slice %arg8[%scan3A_22, %dma_start3A] : memref<125x80xi32, #tpu.memory_space<vmem>> -> memref<1x80xi32, #tpu.memory_space<vmem>>
        %dma_start3A_24 = tpu.memref_squeeze %dma_start3A_23 : memref<1x80xi32, #tpu.memory_space<vmem>> -> memref<80xi32, #tpu.memory_space<vmem>>
        %dma_start3A_25 = arith.constant 0 : i32
        %dma_start3A_26 = arith.constant 0 : i32
        %dma_start3A_27 = tpu.memref_slice %arg10[%dma_start3A_25, %dma_start3A_26] : memref<10000x128xf32, #tpu.memory_space<vmem_shared>> -> memref<10000x128xf32, #tpu.memory_space<vmem_shared>>
        tpu.enqueue_indirect_dma source(%arg9 : memref<80x128xf32, #tpu.memory_space<vmem>>) target(%dma_start3A_27 : memref<10000x128xf32, #tpu.memory_space<vmem_shared>>) offsets(%dma_start3A_24 : memref<80xi32, #tpu.memory_space<vmem>>) semaphore(%run_scoped3A : memref<!tpu.dma_semaphore, #tpu.memory_space<semaphore_mem>>) {add = true}
        %dma_wait3A = arith.constant 0 : i32
        %dma_wait3A_28 = tpu.memref_slice %arg8[%scan3A_22, %dma_wait3A] : memref<125x80xi32, #tpu.memory_space<vmem>> -> memref<1x80xi32, #tpu.memory_space<vmem>>
        %dma_wait3A_29 = tpu.memref_squeeze %dma_wait3A_28 : memref<1x80xi32, #tpu.memory_space<vmem>> -> memref<80xi32, #tpu.memory_space<vmem>>
        %dma_wait3A_30 = arith.constant 0 : i32
        %dma_wait3A_31 = arith.constant 0 : i32
        %dma_wait3A_32 = tpu.memref_slice %arg10[%dma_wait3A_30, %dma_wait3A_31] : memref<10000x128xf32, #tpu.memory_space<vmem_shared>> -> memref<10000x128xf32, #tpu.memory_space<vmem_shared>>
        tpu.wait_indirect_dma semaphore(%run_scoped3A : memref<!tpu.dma_semaphore, #tpu.memory_space<semaphore_mem>>) src(%arg9 : memref<80x128xf32, #tpu.memory_space<vmem>>) dst(%dma_wait3A_32 : memref<10000x128xf32, #tpu.memory_space<vmem_shared>>)
        tpu.yield
      }) : () -> ()
    }
    %scan3A_10 = arith.constant 125 : i32
    %barrier3A_11 = arith.constant 0 : index
    tpu.barrier barrier_id(%barrier3A_11)
    %lt3A_12 = arith.constant 15 : i32
    %lt3A_13 = arith.cmpi slt, %arg1, %lt3A_12 : i32
    %convert_element_type3A_14 = arith.extui %lt3A_13 : i1 to i32
    %cond3A_15 = arith.constant 0 : i32
    %cond3A_16 = arith.cmpi ne, %convert_element_type3A_14, %cond3A_15 : i32
    scf.if %cond3A_16 {
      %mul3A_22 = arith.constant 640 : i32
      %mul3A_23 = arith.muli %arg1, %mul3A_22 : i32
      "tpu.region"() ({
        %run_scoped3A = tpu.sem_alloc : memref<!tpu.dma_semaphore, #tpu.memory_space<semaphore_mem>>
        %dma_start3A = arith.constant 0 : i32
        %dma_start3A_24 = tpu.memref_slice %arg6[%arg0, %mul3A_23, %dma_start3A] : memref<2x10000x128xf32, #tpu.memory_space<hbm>> -> memref<1x640x128xf32, #tpu.memory_space<hbm>>
        %dma_start3A_25 = tpu.memref_squeeze %dma_start3A_24 : memref<1x640x128xf32, #tpu.memory_space<hbm>> -> memref<640x128xf32, #tpu.memory_space<hbm>>
        %dma_start3A_26 = arith.constant 0 : i32
        %dma_start3A_27 = tpu.memref_slice %arg10[%mul3A_23, %dma_start3A_26] : memref<10000x128xf32, #tpu.memory_space<vmem_shared>> -> memref<640x128xf32, #tpu.memory_space<vmem_shared>>
        tpu.enqueue_dma source(%dma_start3A_27 : memref<640x128xf32, #tpu.memory_space<vmem_shared>>) target(%dma_start3A_25 : memref<640x128xf32, #tpu.memory_space<hbm>>) target_semaphore(%run_scoped3A : memref<!tpu.dma_semaphore, #tpu.memory_space<semaphore_mem>>)
        %dma_wait3A = arith.constant 0 : i32
        %dma_wait3A_28 = tpu.memref_slice %arg6[%arg0, %mul3A_23, %dma_wait3A] : memref<2x10000x128xf32, #tpu.memory_space<hbm>> -> memref<1x640x128xf32, #tpu.memory_space<hbm>>
        %dma_wait3A_29 = tpu.memref_squeeze %dma_wait3A_28 : memref<1x640x128xf32, #tpu.memory_space<hbm>> -> memref<640x128xf32, #tpu.memory_space<hbm>>
        %dma_wait3A_30 = arith.constant 0 : i32
        %dma_wait3A_31 = tpu.memref_slice %arg10[%mul3A_23, %dma_wait3A_30] : memref<10000x128xf32, #tpu.memory_space<vmem_shared>> -> memref<640x128xf32, #tpu.memory_space<vmem_shared>>
        tpu.wait_dma2 semaphore(%run_scoped3A : memref<!tpu.dma_semaphore, #tpu.memory_space<semaphore_mem>>) src(%dma_wait3A_31 : memref<640x128xf32, #tpu.memory_space<vmem_shared>>) dst(%dma_wait3A_29 : memref<640x128xf32, #tpu.memory_space<hbm>>)
        tpu.yield
      }) : () -> ()
    } else {
    }
    %eq3A_17 = arith.constant 15 : i32
    %eq3A_18 = arith.cmpi eq, %arg1, %eq3A_17 : i32
    %convert_element_type3A_19 = arith.extui %eq3A_18 : i1 to i32
    %cond3A_20 = arith.constant 0 : i32
    %cond3A_21 = arith.cmpi ne, %convert_element_type3A_19, %cond3A_20 : i32
    scf.if %cond3A_21 {
      "tpu.region"() ({
        %run_scoped3A = tpu.sem_alloc : memref<!tpu.dma_semaphore, #tpu.memory_space<semaphore_mem>>
        %dma_start3A = arith.constant 9600 : i32
        %dma_start3A_22 = arith.constant 0 : i32
        %dma_start3A_23 = tpu.memref_slice %arg6[%arg0, %dma_start3A, %dma_start3A_22] : memref<2x10000x128xf32, #tpu.memory_space<hbm>> -> memref<1x400x128xf32, #tpu.memory_space<hbm>>
        %dma_start3A_24 = tpu.memref_squeeze %dma_start3A_23 : memref<1x400x128xf32, #tpu.memory_space<hbm>> -> memref<400x128xf32, #tpu.memory_space<hbm>>
        %dma_start3A_25 = arith.constant 9600 : i32
        %dma_start3A_26 = arith.constant 0 : i32
        %dma_start3A_27 = tpu.memref_slice %arg10[%dma_start3A_25, %dma_start3A_26] : memref<10000x128xf32, #tpu.memory_space<vmem_shared>> -> memref<400x128xf32, #tpu.memory_space<vmem_shared>>
        tpu.enqueue_dma source(%dma_start3A_27 : memref<400x128xf32, #tpu.memory_space<vmem_shared>>) target(%dma_start3A_24 : memref<400x128xf32, #tpu.memory_space<hbm>>) target_semaphore(%run_scoped3A : memref<!tpu.dma_semaphore, #tpu.memory_space<semaphore_mem>>)
        %dma_wait3A = arith.constant 9600 : i32
        %dma_wait3A_28 = arith.constant 0 : i32
        %dma_wait3A_29 = tpu.memref_slice %arg6[%arg0, %dma_wait3A, %dma_wait3A_28] : memref<2x10000x128xf32, #tpu.memory_space<hbm>> -> memref<1x400x128xf32, #tpu.memory_space<hbm>>
        %dma_wait3A_30 = tpu.memref_squeeze %dma_wait3A_29 : memref<1x400x128xf32, #tpu.memory_space<hbm>> -> memref<400x128xf32, #tpu.memory_space<hbm>>
        %dma_wait3A_31 = arith.constant 9600 : i32
        %dma_wait3A_32 = arith.constant 0 : i32
        %dma_wait3A_33 = tpu.memref_slice %arg10[%dma_wait3A_31, %dma_wait3A_32] : memref<10000x128xf32, #tpu.memory_space<vmem_shared>> -> memref<400x128xf32, #tpu.memory_space<vmem_shared>>
        tpu.wait_dma2 semaphore(%run_scoped3A : memref<!tpu.dma_semaphore, #tpu.memory_space<semaphore_mem>>) src(%dma_wait3A_33 : memref<400x128xf32, #tpu.memory_space<vmem_shared>>) dst(%dma_wait3A_30 : memref<400x128xf32, #tpu.memory_space<hbm>>)
        tpu.yield
      }) : () -> ()
    } else {
    }
    return
  }
}

#map = affine_map<(d0, d1) -> (0, 0)>
#map1 = affine_map<(d0, d1) -> (0, 0, 0)>
module attributes {stable_mosaic.version = 14 : i64} {
  func.func @_agg_kernel(%arg0: i32, %arg1: i32, %arg2: memref<10000x128xf32, #tpu.memory_space<hbm>>, %arg3: memref<10000x128xf32, #tpu.memory_space<hbm>>, %arg4: memref<32x125x80xi32, #tpu.memory_space<hbm>>, %arg5: memref<32x125x80xi32, #tpu.memory_space<hbm>>, %arg6: memref<2x10000x128xf32, #tpu.memory_space<hbm>>, %arg7: memref<125x80xi32, #tpu.memory_space<vmem>>, %arg8: memref<125x80xi32, #tpu.memory_space<vmem>>, %arg9: memref<80x128xf32, #tpu.memory_space<vmem>>, %arg10: memref<10000x128xf32, #tpu.memory_space<vmem_shared>>) attributes {dimension_semantics = [#tpu.dimension_semantics<core_parallel>, #tpu.dimension_semantics<subcore_parallel>], iteration_bounds = array<i64: 2, 16>, scalar_prefetch = 0 : i64, scratch_operands = 4 : i64, tpu.core_type = #tpu.core_type<sc_vector_subcore>, window_params = [{transform_indices = #map}, {transform_indices = #map}, {transform_indices = #map1}, {transform_indices = #map1}, {transform_indices = #map1}]} {
    %mul3A = arith.constant 16 : i32
    %mul3A_0 = arith.muli %arg0, %mul3A : i32
    %add3A = arith.addi %mul3A_0, %arg1 : i32
    %lt3A = arith.constant 15 : i32
    %lt3A_1 = arith.cmpi slt, %arg1, %lt3A : i32
    %convert_element_type3A = arith.extui %lt3A_1 : i1 to i32
    %cond3A = arith.constant 0 : i32
    %cond3A_2 = arith.cmpi ne, %convert_element_type3A, %cond3A : i32
    scf.if %cond3A_2 {
      %mul3A_22 = arith.constant 640 : i32
      %mul3A_23 = arith.muli %arg1, %mul3A_22 : i32
      %eq3A_24 = arith.constant 0 : i32
      %eq3A_25 = arith.cmpi eq, %arg0, %eq3A_24 : i32
      %convert_element_type3A_26 = arith.extui %eq3A_25 : i1 to i32
      %cond3A_27 = arith.constant 0 : i32
      %cond3A_28 = arith.cmpi ne, %convert_element_type3A_26, %cond3A_27 : i32
      scf.if %cond3A_28 {
        "tpu.region"() ({
          %run_scoped3A = tpu.sem_alloc : memref<!tpu.dma_semaphore, #tpu.memory_space<semaphore_mem>>
          %dma_start3A = arith.constant 0 : i32
          %dma_start3A_33 = tpu.memref_slice %arg10[%mul3A_23, %dma_start3A] : memref<10000x128xf32, #tpu.memory_space<vmem_shared>> -> memref<640x128xf32, #tpu.memory_space<vmem_shared>>
          %dma_start3A_34 = arith.constant 0 : i32
          %dma_start3A_35 = tpu.memref_slice %arg2[%mul3A_23, %dma_start3A_34] : memref<10000x128xf32, #tpu.memory_space<hbm>> -> memref<640x128xf32, #tpu.memory_space<hbm>>
          tpu.enqueue_dma source(%dma_start3A_35 : memref<640x128xf32, #tpu.memory_space<hbm>>) target(%dma_start3A_33 : memref<640x128xf32, #tpu.memory_space<vmem_shared>>) target_semaphore(%run_scoped3A : memref<!tpu.dma_semaphore, #tpu.memory_space<semaphore_mem>>)
          %dma_wait3A = arith.constant 0 : i32
          %dma_wait3A_36 = tpu.memref_slice %arg10[%mul3A_23, %dma_wait3A] : memref<10000x128xf32, #tpu.memory_space<vmem_shared>> -> memref<640x128xf32, #tpu.memory_space<vmem_shared>>
          %dma_wait3A_37 = arith.constant 0 : i32
          %dma_wait3A_38 = tpu.memref_slice %arg2[%mul3A_23, %dma_wait3A_37] : memref<10000x128xf32, #tpu.memory_space<hbm>> -> memref<640x128xf32, #tpu.memory_space<hbm>>
          tpu.wait_dma2 semaphore(%run_scoped3A : memref<!tpu.dma_semaphore, #tpu.memory_space<semaphore_mem>>) src(%dma_wait3A_38 : memref<640x128xf32, #tpu.memory_space<hbm>>) dst(%dma_wait3A_36 : memref<640x128xf32, #tpu.memory_space<vmem_shared>>)
          tpu.yield
        }) : () -> ()
      } else {
      }
      %ne3A = arith.constant 0 : i32
      %ne3A_29 = arith.cmpi ne, %arg0, %ne3A : i32
      %convert_element_type3A_30 = arith.extui %ne3A_29 : i1 to i32
      %cond3A_31 = arith.constant 0 : i32
      %cond3A_32 = arith.cmpi ne, %convert_element_type3A_30, %cond3A_31 : i32
      scf.if %cond3A_32 {
        "tpu.region"() ({
          %run_scoped3A = tpu.sem_alloc : memref<!tpu.dma_semaphore, #tpu.memory_space<semaphore_mem>>
          %dma_start3A = arith.constant 0 : i32
          %dma_start3A_33 = tpu.memref_slice %arg10[%mul3A_23, %dma_start3A] : memref<10000x128xf32, #tpu.memory_space<vmem_shared>> -> memref<640x128xf32, #tpu.memory_space<vmem_shared>>
          %dma_start3A_34 = arith.constant 0 : i32
          %dma_start3A_35 = tpu.memref_slice %arg3[%mul3A_23, %dma_start3A_34] : memref<10000x128xf32, #tpu.memory_space<hbm>> -> memref<640x128xf32, #tpu.memory_space<hbm>>
          tpu.enqueue_dma source(%dma_start3A_35 : memref<640x128xf32, #tpu.memory_space<hbm>>) target(%dma_start3A_33 : memref<640x128xf32, #tpu.memory_space<vmem_shared>>) target_semaphore(%run_scoped3A : memref<!tpu.dma_semaphore, #tpu.memory_space<semaphore_mem>>)
          %dma_wait3A = arith.constant 0 : i32
          %dma_wait3A_36 = tpu.memref_slice %arg10[%mul3A_23, %dma_wait3A] : memref<10000x128xf32, #tpu.memory_space<vmem_shared>> -> memref<640x128xf32, #tpu.memory_space<vmem_shared>>
          %dma_wait3A_37 = arith.constant 0 : i32
          %dma_wait3A_38 = tpu.memref_slice %arg3[%mul3A_23, %dma_wait3A_37] : memref<10000x128xf32, #tpu.memory_space<hbm>> -> memref<640x128xf32, #tpu.memory_space<hbm>>
          tpu.wait_dma2 semaphore(%run_scoped3A : memref<!tpu.dma_semaphore, #tpu.memory_space<semaphore_mem>>) src(%dma_wait3A_38 : memref<640x128xf32, #tpu.memory_space<hbm>>) dst(%dma_wait3A_36 : memref<640x128xf32, #tpu.memory_space<vmem_shared>>)
          tpu.yield
        }) : () -> ()
      } else {
      }
    } else {
    }
    %eq3A = arith.constant 15 : i32
    %eq3A_3 = arith.cmpi eq, %arg1, %eq3A : i32
    %convert_element_type3A_4 = arith.extui %eq3A_3 : i1 to i32
    %cond3A_5 = arith.constant 0 : i32
    %cond3A_6 = arith.cmpi ne, %convert_element_type3A_4, %cond3A_5 : i32
    scf.if %cond3A_6 {
      %eq3A_22 = arith.constant 0 : i32
      %eq3A_23 = arith.cmpi eq, %arg0, %eq3A_22 : i32
      %convert_element_type3A_24 = arith.extui %eq3A_23 : i1 to i32
      %cond3A_25 = arith.constant 0 : i32
      %cond3A_26 = arith.cmpi ne, %convert_element_type3A_24, %cond3A_25 : i32
      scf.if %cond3A_26 {
        "tpu.region"() ({
          %run_scoped3A = tpu.sem_alloc : memref<!tpu.dma_semaphore, #tpu.memory_space<semaphore_mem>>
          %dma_start3A = arith.constant 9600 : i32
          %dma_start3A_31 = arith.constant 0 : i32
          %dma_start3A_32 = tpu.memref_slice %arg10[%dma_start3A, %dma_start3A_31] : memref<10000x128xf32, #tpu.memory_space<vmem_shared>> -> memref<400x128xf32, #tpu.memory_space<vmem_shared>>
          %dma_start3A_33 = arith.constant 9600 : i32
          %dma_start3A_34 = arith.constant 0 : i32
          %dma_start3A_35 = tpu.memref_slice %arg2[%dma_start3A_33, %dma_start3A_34] : memref<10000x128xf32, #tpu.memory_space<hbm>> -> memref<400x128xf32, #tpu.memory_space<hbm>>
          tpu.enqueue_dma source(%dma_start3A_35 : memref<400x128xf32, #tpu.memory_space<hbm>>) target(%dma_start3A_32 : memref<400x128xf32, #tpu.memory_space<vmem_shared>>) target_semaphore(%run_scoped3A : memref<!tpu.dma_semaphore, #tpu.memory_space<semaphore_mem>>)
          %dma_wait3A = arith.constant 9600 : i32
          %dma_wait3A_36 = arith.constant 0 : i32
          %dma_wait3A_37 = tpu.memref_slice %arg10[%dma_wait3A, %dma_wait3A_36] : memref<10000x128xf32, #tpu.memory_space<vmem_shared>> -> memref<400x128xf32, #tpu.memory_space<vmem_shared>>
          %dma_wait3A_38 = arith.constant 9600 : i32
          %dma_wait3A_39 = arith.constant 0 : i32
          %dma_wait3A_40 = tpu.memref_slice %arg2[%dma_wait3A_38, %dma_wait3A_39] : memref<10000x128xf32, #tpu.memory_space<hbm>> -> memref<400x128xf32, #tpu.memory_space<hbm>>
          tpu.wait_dma2 semaphore(%run_scoped3A : memref<!tpu.dma_semaphore, #tpu.memory_space<semaphore_mem>>) src(%dma_wait3A_40 : memref<400x128xf32, #tpu.memory_space<hbm>>) dst(%dma_wait3A_37 : memref<400x128xf32, #tpu.memory_space<vmem_shared>>)
          tpu.yield
        }) : () -> ()
      } else {
      }
      %ne3A = arith.constant 0 : i32
      %ne3A_27 = arith.cmpi ne, %arg0, %ne3A : i32
      %convert_element_type3A_28 = arith.extui %ne3A_27 : i1 to i32
      %cond3A_29 = arith.constant 0 : i32
      %cond3A_30 = arith.cmpi ne, %convert_element_type3A_28, %cond3A_29 : i32
      scf.if %cond3A_30 {
        "tpu.region"() ({
          %run_scoped3A = tpu.sem_alloc : memref<!tpu.dma_semaphore, #tpu.memory_space<semaphore_mem>>
          %dma_start3A = arith.constant 9600 : i32
          %dma_start3A_31 = arith.constant 0 : i32
          %dma_start3A_32 = tpu.memref_slice %arg10[%dma_start3A, %dma_start3A_31] : memref<10000x128xf32, #tpu.memory_space<vmem_shared>> -> memref<400x128xf32, #tpu.memory_space<vmem_shared>>
          %dma_start3A_33 = arith.constant 9600 : i32
          %dma_start3A_34 = arith.constant 0 : i32
          %dma_start3A_35 = tpu.memref_slice %arg3[%dma_start3A_33, %dma_start3A_34] : memref<10000x128xf32, #tpu.memory_space<hbm>> -> memref<400x128xf32, #tpu.memory_space<hbm>>
          tpu.enqueue_dma source(%dma_start3A_35 : memref<400x128xf32, #tpu.memory_space<hbm>>) target(%dma_start3A_32 : memref<400x128xf32, #tpu.memory_space<vmem_shared>>) target_semaphore(%run_scoped3A : memref<!tpu.dma_semaphore, #tpu.memory_space<semaphore_mem>>)
          %dma_wait3A = arith.constant 9600 : i32
          %dma_wait3A_36 = arith.constant 0 : i32
          %dma_wait3A_37 = tpu.memref_slice %arg10[%dma_wait3A, %dma_wait3A_36] : memref<10000x128xf32, #tpu.memory_space<vmem_shared>> -> memref<400x128xf32, #tpu.memory_space<vmem_shared>>
          %dma_wait3A_38 = arith.constant 9600 : i32
          %dma_wait3A_39 = arith.constant 0 : i32
          %dma_wait3A_40 = tpu.memref_slice %arg3[%dma_wait3A_38, %dma_wait3A_39] : memref<10000x128xf32, #tpu.memory_space<hbm>> -> memref<400x128xf32, #tpu.memory_space<hbm>>
          tpu.wait_dma2 semaphore(%run_scoped3A : memref<!tpu.dma_semaphore, #tpu.memory_space<semaphore_mem>>) src(%dma_wait3A_40 : memref<400x128xf32, #tpu.memory_space<hbm>>) dst(%dma_wait3A_37 : memref<400x128xf32, #tpu.memory_space<vmem_shared>>)
          tpu.yield
        }) : () -> ()
      } else {
      }
    } else {
    }
    "tpu.region"() ({
      %run_scoped3A = tpu.sem_alloc : memref<!tpu.dma_semaphore, #tpu.memory_space<semaphore_mem>>
      %dma_start3A = arith.constant 0 : i32
      %dma_start3A_22 = arith.constant 0 : i32
      %dma_start3A_23 = tpu.memref_slice %arg4[%add3A, %dma_start3A, %dma_start3A_22] : memref<32x125x80xi32, #tpu.memory_space<hbm>> -> memref<1x125x80xi32, #tpu.memory_space<hbm>>
      %dma_start3A_24 = tpu.memref_squeeze %dma_start3A_23 : memref<1x125x80xi32, #tpu.memory_space<hbm>> -> memref<125x80xi32, #tpu.memory_space<hbm>>
      %dma_start3A_25 = arith.constant 0 : i32
      %dma_start3A_26 = arith.constant 0 : i32
      %dma_start3A_27 = tpu.memref_slice %arg4[%add3A, %dma_start3A_25, %dma_start3A_26] : memref<32x125x80xi32, #tpu.memory_space<hbm>> -> memref<1x125x80xi32, #tpu.memory_space<hbm>>
      %dma_start3A_28 = tpu.memref_squeeze %dma_start3A_27 : memref<1x125x80xi32, #tpu.memory_space<hbm>> -> memref<125x80xi32, #tpu.memory_space<hbm>>
      tpu.enqueue_dma source(%dma_start3A_28 : memref<125x80xi32, #tpu.memory_space<hbm>>) target(%arg7 : memref<125x80xi32, #tpu.memory_space<vmem>>) target_semaphore(%run_scoped3A : memref<!tpu.dma_semaphore, #tpu.memory_space<semaphore_mem>>)
      %dma_wait3A = arith.constant 0 : i32
      %dma_wait3A_29 = arith.constant 0 : i32
      %dma_wait3A_30 = tpu.memref_slice %arg4[%add3A, %dma_wait3A, %dma_wait3A_29] : memref<32x125x80xi32, #tpu.memory_space<hbm>> -> memref<1x125x80xi32, #tpu.memory_space<hbm>>
      %dma_wait3A_31 = tpu.memref_squeeze %dma_wait3A_30 : memref<1x125x80xi32, #tpu.memory_space<hbm>> -> memref<125x80xi32, #tpu.memory_space<hbm>>
      %dma_wait3A_32 = arith.constant 0 : i32
      %dma_wait3A_33 = arith.constant 0 : i32
      %dma_wait3A_34 = tpu.memref_slice %arg4[%add3A, %dma_wait3A_32, %dma_wait3A_33] : memref<32x125x80xi32, #tpu.memory_space<hbm>> -> memref<1x125x80xi32, #tpu.memory_space<hbm>>
      %dma_wait3A_35 = tpu.memref_squeeze %dma_wait3A_34 : memref<1x125x80xi32, #tpu.memory_space<hbm>> -> memref<125x80xi32, #tpu.memory_space<hbm>>
      tpu.wait_dma2 semaphore(%run_scoped3A : memref<!tpu.dma_semaphore, #tpu.memory_space<semaphore_mem>>) src(%dma_wait3A_35 : memref<125x80xi32, #tpu.memory_space<hbm>>) dst(%arg7 : memref<125x80xi32, #tpu.memory_space<vmem>>)
      tpu.yield
    }) : () -> ()
    "tpu.region"() ({
      %run_scoped3A = tpu.sem_alloc : memref<!tpu.dma_semaphore, #tpu.memory_space<semaphore_mem>>
      %dma_start3A = arith.constant 0 : i32
      %dma_start3A_22 = arith.constant 0 : i32
      %dma_start3A_23 = tpu.memref_slice %arg5[%add3A, %dma_start3A, %dma_start3A_22] : memref<32x125x80xi32, #tpu.memory_space<hbm>> -> memref<1x125x80xi32, #tpu.memory_space<hbm>>
      %dma_start3A_24 = tpu.memref_squeeze %dma_start3A_23 : memref<1x125x80xi32, #tpu.memory_space<hbm>> -> memref<125x80xi32, #tpu.memory_space<hbm>>
      %dma_start3A_25 = arith.constant 0 : i32
      %dma_start3A_26 = arith.constant 0 : i32
      %dma_start3A_27 = tpu.memref_slice %arg5[%add3A, %dma_start3A_25, %dma_start3A_26] : memref<32x125x80xi32, #tpu.memory_space<hbm>> -> memref<1x125x80xi32, #tpu.memory_space<hbm>>
      %dma_start3A_28 = tpu.memref_squeeze %dma_start3A_27 : memref<1x125x80xi32, #tpu.memory_space<hbm>> -> memref<125x80xi32, #tpu.memory_space<hbm>>
      tpu.enqueue_dma source(%dma_start3A_28 : memref<125x80xi32, #tpu.memory_space<hbm>>) target(%arg8 : memref<125x80xi32, #tpu.memory_space<vmem>>) target_semaphore(%run_scoped3A : memref<!tpu.dma_semaphore, #tpu.memory_space<semaphore_mem>>)
      %dma_wait3A = arith.constant 0 : i32
      %dma_wait3A_29 = arith.constant 0 : i32
      %dma_wait3A_30 = tpu.memref_slice %arg5[%add3A, %dma_wait3A, %dma_wait3A_29] : memref<32x125x80xi32, #tpu.memory_space<hbm>> -> memref<1x125x80xi32, #tpu.memory_space<hbm>>
      %dma_wait3A_31 = tpu.memref_squeeze %dma_wait3A_30 : memref<1x125x80xi32, #tpu.memory_space<hbm>> -> memref<125x80xi32, #tpu.memory_space<hbm>>
      %dma_wait3A_32 = arith.constant 0 : i32
      %dma_wait3A_33 = arith.constant 0 : i32
      %dma_wait3A_34 = tpu.memref_slice %arg5[%add3A, %dma_wait3A_32, %dma_wait3A_33] : memref<32x125x80xi32, #tpu.memory_space<hbm>> -> memref<1x125x80xi32, #tpu.memory_space<hbm>>
      %dma_wait3A_35 = tpu.memref_squeeze %dma_wait3A_34 : memref<1x125x80xi32, #tpu.memory_space<hbm>> -> memref<125x80xi32, #tpu.memory_space<hbm>>
      tpu.wait_dma2 semaphore(%run_scoped3A : memref<!tpu.dma_semaphore, #tpu.memory_space<semaphore_mem>>) src(%dma_wait3A_35 : memref<125x80xi32, #tpu.memory_space<hbm>>) dst(%arg8 : memref<125x80xi32, #tpu.memory_space<vmem>>)
      tpu.yield
    }) : () -> ()
    %barrier3A = arith.constant 0 : index
    tpu.barrier barrier_id(%barrier3A)
    %scan3A = arith.constant 0 : i32
    %scan3A_7 = arith.constant 125 : i32
    %scan3A_8 = arith.addi %scan3A, %scan3A_7 : i32
    %scan3A_9 = arith.constant 1 : i32
    scf.for %scan3A_22 = %scan3A to %scan3A_8 step %scan3A_9  : i32 {
      "tpu.region"() ({
        %run_scoped3A = tpu.sem_alloc : memref<!tpu.dma_semaphore, #tpu.memory_space<semaphore_mem>>
        %dma_start3A = arith.constant 0 : i32
        %dma_start3A_23 = tpu.memref_slice %arg7[%scan3A_22, %dma_start3A] : memref<125x80xi32, #tpu.memory_space<vmem>> -> memref<1x80xi32, #tpu.memory_space<vmem>>
        %dma_start3A_24 = tpu.memref_squeeze %dma_start3A_23 : memref<1x80xi32, #tpu.memory_space<vmem>> -> memref<80xi32, #tpu.memory_space<vmem>>
        %dma_start3A_25 = arith.constant 0 : i32
        %dma_start3A_26 = arith.constant 0 : i32
        %dma_start3A_27 = tpu.memref_slice %arg2[%dma_start3A_25, %dma_start3A_26] : memref<10000x128xf32, #tpu.memory_space<hbm>> -> memref<10000x128xf32, #tpu.memory_space<hbm>>
        tpu.enqueue_indirect_dma source(%dma_start3A_27 : memref<10000x128xf32, #tpu.memory_space<hbm>>) target(%arg9 : memref<80x128xf32, #tpu.memory_space<vmem>>) offsets(%dma_start3A_24 : memref<80xi32, #tpu.memory_space<vmem>>) semaphore(%run_scoped3A : memref<!tpu.dma_semaphore, #tpu.memory_space<semaphore_mem>>)
        %dma_wait3A = arith.constant 0 : i32
        %dma_wait3A_28 = tpu.memref_slice %arg7[%scan3A_22, %dma_wait3A] : memref<125x80xi32, #tpu.memory_space<vmem>> -> memref<1x80xi32, #tpu.memory_space<vmem>>
        %dma_wait3A_29 = tpu.memref_squeeze %dma_wait3A_28 : memref<1x80xi32, #tpu.memory_space<vmem>> -> memref<80xi32, #tpu.memory_space<vmem>>
        %dma_wait3A_30 = arith.constant 0 : i32
        %dma_wait3A_31 = arith.constant 0 : i32
        %dma_wait3A_32 = tpu.memref_slice %arg2[%dma_wait3A_30, %dma_wait3A_31] : memref<10000x128xf32, #tpu.memory_space<hbm>> -> memref<10000x128xf32, #tpu.memory_space<hbm>>
        tpu.wait_indirect_dma semaphore(%run_scoped3A : memref<!tpu.dma_semaphore, #tpu.memory_space<semaphore_mem>>) src(%dma_wait3A_32 : memref<10000x128xf32, #tpu.memory_space<hbm>>) dst(%arg9 : memref<80x128xf32, #tpu.memory_space<vmem>>)
        tpu.yield
      }) : () -> ()
      "tpu.region"() ({
        %run_scoped3A = tpu.sem_alloc : memref<!tpu.dma_semaphore, #tpu.memory_space<semaphore_mem>>
        %dma_start3A = arith.constant 0 : i32
        %dma_start3A_23 = tpu.memref_slice %arg8[%scan3A_22, %dma_start3A] : memref<125x80xi32, #tpu.memory_space<vmem>> -> memref<1x80xi32, #tpu.memory_space<vmem>>
        %dma_start3A_24 = tpu.memref_squeeze %dma_start3A_23 : memref<1x80xi32, #tpu.memory_space<vmem>> -> memref<80xi32, #tpu.memory_space<vmem>>
        %dma_start3A_25 = arith.constant 0 : i32
        %dma_start3A_26 = arith.constant 0 : i32
        %dma_start3A_27 = tpu.memref_slice %arg10[%dma_start3A_25, %dma_start3A_26] : memref<10000x128xf32, #tpu.memory_space<vmem_shared>> -> memref<10000x128xf32, #tpu.memory_space<vmem_shared>>
        tpu.enqueue_indirect_dma source(%arg9 : memref<80x128xf32, #tpu.memory_space<vmem>>) target(%dma_start3A_27 : memref<10000x128xf32, #tpu.memory_space<vmem_shared>>) offsets(%dma_start3A_24 : memref<80xi32, #tpu.memory_space<vmem>>) semaphore(%run_scoped3A : memref<!tpu.dma_semaphore, #tpu.memory_space<semaphore_mem>>) {add = true}
        %dma_wait3A = arith.constant 0 : i32
        %dma_wait3A_28 = tpu.memref_slice %arg8[%scan3A_22, %dma_wait3A] : memref<125x80xi32, #tpu.memory_space<vmem>> -> memref<1x80xi32, #tpu.memory_space<vmem>>
        %dma_wait3A_29 = tpu.memref_squeeze %dma_wait3A_28 : memref<1x80xi32, #tpu.memory_space<vmem>> -> memref<80xi32, #tpu.memory_space<vmem>>
        %dma_wait3A_30 = arith.constant 0 : i32
        %dma_wait3A_31 = arith.constant 0 : i32
        %dma_wait3A_32 = tpu.memref_slice %arg10[%dma_wait3A_30, %dma_wait3A_31] : memref<10000x128xf32, #tpu.memory_space<vmem_shared>> -> memref<10000x128xf32, #tpu.memory_space<vmem_shared>>
        tpu.wait_indirect_dma semaphore(%run_scoped3A : memref<!tpu.dma_semaphore, #tpu.memory_space<semaphore_mem>>) src(%arg9 : memref<80x128xf32, #tpu.memory_space<vmem>>) dst(%dma_wait3A_32 : memref<10000x128xf32, #tpu.memory_space<vmem_shared>>)
        tpu.yield
      }) : () -> ()
    }
    %scan3A_10 = arith.constant 125 : i32
    %barrier3A_11 = arith.constant 0 : index
    tpu.barrier barrier_id(%barrier3A_11)
    %lt3A_12 = arith.constant 15 : i32
    %lt3A_13 = arith.cmpi slt, %arg1, %lt3A_12 : i32
    %convert_element_type3A_14 = arith.extui %lt3A_13 : i1 to i32
    %cond3A_15 = arith.constant 0 : i32
    %cond3A_16 = arith.cmpi ne, %convert_element_type3A_14, %cond3A_15 : i32
    scf.if %cond3A_16 {
      %mul3A_22 = arith.constant 640 : i32
      %mul3A_23 = arith.muli %arg1, %mul3A_22 : i32
      "tpu.region"() ({
        %run_scoped3A = tpu.sem_alloc : memref<!tpu.dma_semaphore, #tpu.memory_space<semaphore_mem>>
        %dma_start3A = arith.constant 0 : i32
        %dma_start3A_24 = tpu.memref_slice %arg6[%arg0, %mul3A_23, %dma_start3A] : memref<2x10000x128xf32, #tpu.memory_space<hbm>> -> memref<1x640x128xf32, #tpu.memory_space<hbm>>
        %dma_start3A_25 = tpu.memref_squeeze %dma_start3A_24 : memref<1x640x128xf32, #tpu.memory_space<hbm>> -> memref<640x128xf32, #tpu.memory_space<hbm>>
        %dma_start3A_26 = arith.constant 0 : i32
        %dma_start3A_27 = tpu.memref_slice %arg10[%mul3A_23, %dma_start3A_26] : memref<10000x128xf32, #tpu.memory_space<vmem_shared>> -> memref<640x128xf32, #tpu.memory_space<vmem_shared>>
        tpu.enqueue_dma source(%dma_start3A_27 : memref<640x128xf32, #tpu.memory_space<vmem_shared>>) target(%dma_start3A_25 : memref<640x128xf32, #tpu.memory_space<hbm>>) target_semaphore(%run_scoped3A : memref<!tpu.dma_semaphore, #tpu.memory_space<semaphore_mem>>)
        %dma_wait3A = arith.constant 0 : i32
        %dma_wait3A_28 = tpu.memref_slice %arg6[%arg0, %mul3A_23, %dma_wait3A] : memref<2x10000x128xf32, #tpu.memory_space<hbm>> -> memref<1x640x128xf32, #tpu.memory_space<hbm>>
        %dma_wait3A_29 = tpu.memref_squeeze %dma_wait3A_28 : memref<1x640x128xf32, #tpu.memory_space<hbm>> -> memref<640x128xf32, #tpu.memory_space<hbm>>
        %dma_wait3A_30 = arith.constant 0 : i32
        %dma_wait3A_31 = tpu.memref_slice %arg10[%mul3A_23, %dma_wait3A_30] : memref<10000x128xf32, #tpu.memory_space<vmem_shared>> -> memref<640x128xf32, #tpu.memory_space<vmem_shared>>
        tpu.wait_dma2 semaphore(%run_scoped3A : memref<!tpu.dma_semaphore, #tpu.memory_space<semaphore_mem>>) src(%dma_wait3A_31 : memref<640x128xf32, #tpu.memory_space<vmem_shared>>) dst(%dma_wait3A_29 : memref<640x128xf32, #tpu.memory_space<hbm>>)
        tpu.yield
      }) : () -> ()
    } else {
    }
    %eq3A_17 = arith.constant 15 : i32
    %eq3A_18 = arith.cmpi eq, %arg1, %eq3A_17 : i32
    %convert_element_type3A_19 = arith.extui %eq3A_18 : i1 to i32
    %cond3A_20 = arith.constant 0 : i32
    %cond3A_21 = arith.cmpi ne, %convert_element_type3A_19, %cond3A_20 : i32
    scf.if %cond3A_21 {
      "tpu.region"() ({
        %run_scoped3A = tpu.sem_alloc : memref<!tpu.dma_semaphore, #tpu.memory_space<semaphore_mem>>
        %dma_start3A = arith.constant 9600 : i32
        %dma_start3A_22 = arith.constant 0 : i32
        %dma_start3A_23 = tpu.memref_slice %arg6[%arg0, %dma_start3A, %dma_start3A_22] : memref<2x10000x128xf32, #tpu.memory_space<hbm>> -> memref<1x400x128xf32, #tpu.memory_space<hbm>>
        %dma_start3A_24 = tpu.memref_squeeze %dma_start3A_23 : memref<1x400x128xf32, #tpu.memory_space<hbm>> -> memref<400x128xf32, #tpu.memory_space<hbm>>
        %dma_start3A_25 = arith.constant 9600 : i32
        %dma_start3A_26 = arith.constant 0 : i32
        %dma_start3A_27 = tpu.memref_slice %arg10[%dma_start3A_25, %dma_start3A_26] : memref<10000x128xf32, #tpu.memory_space<vmem_shared>> -> memref<400x128xf32, #tpu.memory_space<vmem_shared>>
        tpu.enqueue_dma source(%dma_start3A_27 : memref<400x128xf32, #tpu.memory_space<vmem_shared>>) target(%dma_start3A_24 : memref<400x128xf32, #tpu.memory_space<hbm>>) target_semaphore(%run_scoped3A : memref<!tpu.dma_semaphore, #tpu.memory_space<semaphore_mem>>)
        %dma_wait3A = arith.constant 9600 : i32
        %dma_wait3A_28 = arith.constant 0 : i32
        %dma_wait3A_29 = tpu.memref_slice %arg6[%arg0, %dma_wait3A, %dma_wait3A_28] : memref<2x10000x128xf32, #tpu.memory_space<hbm>> -> memref<1x400x128xf32, #tpu.memory_space<hbm>>
        %dma_wait3A_30 = tpu.memref_squeeze %dma_wait3A_29 : memref<1x400x128xf32, #tpu.memory_space<hbm>> -> memref<400x128xf32, #tpu.memory_space<hbm>>
        %dma_wait3A_31 = arith.constant 9600 : i32
        %dma_wait3A_32 = arith.constant 0 : i32
        %dma_wait3A_33 = tpu.memref_slice %arg10[%dma_wait3A_31, %dma_wait3A_32] : memref<10000x128xf32, #tpu.memory_space<vmem_shared>> -> memref<400x128xf32, #tpu.memory_space<vmem_shared>>
        tpu.wait_dma2 semaphore(%run_scoped3A : memref<!tpu.dma_semaphore, #tpu.memory_space<semaphore_mem>>) src(%dma_wait3A_33 : memref<400x128xf32, #tpu.memory_space<vmem_shared>>) dst(%dma_wait3A_30 : memref<400x128xf32, #tpu.memory_space<hbm>>)
        tpu.yield
      }) : () -> ()
    } else {
    }
    return
  }
}

#map = affine_map<(d0, d1) -> (0, 0)>
#map1 = affine_map<(d0, d1) -> (0, 0, 0)>
module attributes {stable_mosaic.version = 14 : i64} {
  func.func @_agg_kernel(%arg0: i32, %arg1: i32, %arg2: memref<10000x128xf32, #tpu.memory_space<hbm>>, %arg3: memref<10000x128xf32, #tpu.memory_space<hbm>>, %arg4: memref<32x125x80xi32, #tpu.memory_space<hbm>>, %arg5: memref<32x125x80xi32, #tpu.memory_space<hbm>>, %arg6: memref<2x10000x128xf32, #tpu.memory_space<hbm>>, %arg7: memref<125x80xi32, #tpu.memory_space<vmem>>, %arg8: memref<125x80xi32, #tpu.memory_space<vmem>>, %arg9: memref<80x128xf32, #tpu.memory_space<vmem>>, %arg10: memref<10000x128xf32, #tpu.memory_space<vmem_shared>>) attributes {dimension_semantics = [#tpu.dimension_semantics<core_parallel>, #tpu.dimension_semantics<subcore_parallel>], iteration_bounds = array<i64: 2, 16>, scalar_prefetch = 0 : i64, scratch_operands = 4 : i64, tpu.core_type = #tpu.core_type<sc_vector_subcore>, window_params = [{transform_indices = #map}, {transform_indices = #map}, {transform_indices = #map1}, {transform_indices = #map1}, {transform_indices = #map1}]} {
    %mul3A = arith.constant 16 : i32
    %mul3A_0 = arith.muli %arg0, %mul3A : i32
    %add3A = arith.addi %mul3A_0, %arg1 : i32
    %lt3A = arith.constant 15 : i32
    %lt3A_1 = arith.cmpi slt, %arg1, %lt3A : i32
    %convert_element_type3A = arith.extui %lt3A_1 : i1 to i32
    %cond3A = arith.constant 0 : i32
    %cond3A_2 = arith.cmpi ne, %convert_element_type3A, %cond3A : i32
    scf.if %cond3A_2 {
      %mul3A_22 = arith.constant 640 : i32
      %mul3A_23 = arith.muli %arg1, %mul3A_22 : i32
      %eq3A_24 = arith.constant 0 : i32
      %eq3A_25 = arith.cmpi eq, %arg0, %eq3A_24 : i32
      %convert_element_type3A_26 = arith.extui %eq3A_25 : i1 to i32
      %cond3A_27 = arith.constant 0 : i32
      %cond3A_28 = arith.cmpi ne, %convert_element_type3A_26, %cond3A_27 : i32
      scf.if %cond3A_28 {
        "tpu.region"() ({
          %run_scoped3A = tpu.sem_alloc : memref<!tpu.dma_semaphore, #tpu.memory_space<semaphore_mem>>
          %dma_start3A = arith.constant 0 : i32
          %dma_start3A_33 = tpu.memref_slice %arg10[%mul3A_23, %dma_start3A] : memref<10000x128xf32, #tpu.memory_space<vmem_shared>> -> memref<640x128xf32, #tpu.memory_space<vmem_shared>>
          %dma_start3A_34 = arith.constant 0 : i32
          %dma_start3A_35 = tpu.memref_slice %arg2[%mul3A_23, %dma_start3A_34] : memref<10000x128xf32, #tpu.memory_space<hbm>> -> memref<640x128xf32, #tpu.memory_space<hbm>>
          tpu.enqueue_dma source(%dma_start3A_35 : memref<640x128xf32, #tpu.memory_space<hbm>>) target(%dma_start3A_33 : memref<640x128xf32, #tpu.memory_space<vmem_shared>>) target_semaphore(%run_scoped3A : memref<!tpu.dma_semaphore, #tpu.memory_space<semaphore_mem>>)
          %dma_wait3A = arith.constant 0 : i32
          %dma_wait3A_36 = tpu.memref_slice %arg10[%mul3A_23, %dma_wait3A] : memref<10000x128xf32, #tpu.memory_space<vmem_shared>> -> memref<640x128xf32, #tpu.memory_space<vmem_shared>>
          %dma_wait3A_37 = arith.constant 0 : i32
          %dma_wait3A_38 = tpu.memref_slice %arg2[%mul3A_23, %dma_wait3A_37] : memref<10000x128xf32, #tpu.memory_space<hbm>> -> memref<640x128xf32, #tpu.memory_space<hbm>>
          tpu.wait_dma2 semaphore(%run_scoped3A : memref<!tpu.dma_semaphore, #tpu.memory_space<semaphore_mem>>) src(%dma_wait3A_38 : memref<640x128xf32, #tpu.memory_space<hbm>>) dst(%dma_wait3A_36 : memref<640x128xf32, #tpu.memory_space<vmem_shared>>)
          tpu.yield
        }) : () -> ()
      } else {
      }
      %ne3A = arith.constant 0 : i32
      %ne3A_29 = arith.cmpi ne, %arg0, %ne3A : i32
      %convert_element_type3A_30 = arith.extui %ne3A_29 : i1 to i32
      %cond3A_31 = arith.constant 0 : i32
      %cond3A_32 = arith.cmpi ne, %convert_element_type3A_30, %cond3A_31 : i32
      scf.if %cond3A_32 {
        "tpu.region"() ({
          %run_scoped3A = tpu.sem_alloc : memref<!tpu.dma_semaphore, #tpu.memory_space<semaphore_mem>>
          %dma_start3A = arith.constant 0 : i32
          %dma_start3A_33 = tpu.memref_slice %arg10[%mul3A_23, %dma_start3A] : memref<10000x128xf32, #tpu.memory_space<vmem_shared>> -> memref<640x128xf32, #tpu.memory_space<vmem_shared>>
          %dma_start3A_34 = arith.constant 0 : i32
          %dma_start3A_35 = tpu.memref_slice %arg3[%mul3A_23, %dma_start3A_34] : memref<10000x128xf32, #tpu.memory_space<hbm>> -> memref<640x128xf32, #tpu.memory_space<hbm>>
          tpu.enqueue_dma source(%dma_start3A_35 : memref<640x128xf32, #tpu.memory_space<hbm>>) target(%dma_start3A_33 : memref<640x128xf32, #tpu.memory_space<vmem_shared>>) target_semaphore(%run_scoped3A : memref<!tpu.dma_semaphore, #tpu.memory_space<semaphore_mem>>)
          %dma_wait3A = arith.constant 0 : i32
          %dma_wait3A_36 = tpu.memref_slice %arg10[%mul3A_23, %dma_wait3A] : memref<10000x128xf32, #tpu.memory_space<vmem_shared>> -> memref<640x128xf32, #tpu.memory_space<vmem_shared>>
          %dma_wait3A_37 = arith.constant 0 : i32
          %dma_wait3A_38 = tpu.memref_slice %arg3[%mul3A_23, %dma_wait3A_37] : memref<10000x128xf32, #tpu.memory_space<hbm>> -> memref<640x128xf32, #tpu.memory_space<hbm>>
          tpu.wait_dma2 semaphore(%run_scoped3A : memref<!tpu.dma_semaphore, #tpu.memory_space<semaphore_mem>>) src(%dma_wait3A_38 : memref<640x128xf32, #tpu.memory_space<hbm>>) dst(%dma_wait3A_36 : memref<640x128xf32, #tpu.memory_space<vmem_shared>>)
          tpu.yield
        }) : () -> ()
      } else {
      }
    } else {
    }
    %eq3A = arith.constant 15 : i32
    %eq3A_3 = arith.cmpi eq, %arg1, %eq3A : i32
    %convert_element_type3A_4 = arith.extui %eq3A_3 : i1 to i32
    %cond3A_5 = arith.constant 0 : i32
    %cond3A_6 = arith.cmpi ne, %convert_element_type3A_4, %cond3A_5 : i32
    scf.if %cond3A_6 {
      %eq3A_22 = arith.constant 0 : i32
      %eq3A_23 = arith.cmpi eq, %arg0, %eq3A_22 : i32
      %convert_element_type3A_24 = arith.extui %eq3A_23 : i1 to i32
      %cond3A_25 = arith.constant 0 : i32
      %cond3A_26 = arith.cmpi ne, %convert_element_type3A_24, %cond3A_25 : i32
      scf.if %cond3A_26 {
        "tpu.region"() ({
          %run_scoped3A = tpu.sem_alloc : memref<!tpu.dma_semaphore, #tpu.memory_space<semaphore_mem>>
          %dma_start3A = arith.constant 9600 : i32
          %dma_start3A_31 = arith.constant 0 : i32
          %dma_start3A_32 = tpu.memref_slice %arg10[%dma_start3A, %dma_start3A_31] : memref<10000x128xf32, #tpu.memory_space<vmem_shared>> -> memref<400x128xf32, #tpu.memory_space<vmem_shared>>
          %dma_start3A_33 = arith.constant 9600 : i32
          %dma_start3A_34 = arith.constant 0 : i32
          %dma_start3A_35 = tpu.memref_slice %arg2[%dma_start3A_33, %dma_start3A_34] : memref<10000x128xf32, #tpu.memory_space<hbm>> -> memref<400x128xf32, #tpu.memory_space<hbm>>
          tpu.enqueue_dma source(%dma_start3A_35 : memref<400x128xf32, #tpu.memory_space<hbm>>) target(%dma_start3A_32 : memref<400x128xf32, #tpu.memory_space<vmem_shared>>) target_semaphore(%run_scoped3A : memref<!tpu.dma_semaphore, #tpu.memory_space<semaphore_mem>>)
          %dma_wait3A = arith.constant 9600 : i32
          %dma_wait3A_36 = arith.constant 0 : i32
          %dma_wait3A_37 = tpu.memref_slice %arg10[%dma_wait3A, %dma_wait3A_36] : memref<10000x128xf32, #tpu.memory_space<vmem_shared>> -> memref<400x128xf32, #tpu.memory_space<vmem_shared>>
          %dma_wait3A_38 = arith.constant 9600 : i32
          %dma_wait3A_39 = arith.constant 0 : i32
          %dma_wait3A_40 = tpu.memref_slice %arg2[%dma_wait3A_38, %dma_wait3A_39] : memref<10000x128xf32, #tpu.memory_space<hbm>> -> memref<400x128xf32, #tpu.memory_space<hbm>>
          tpu.wait_dma2 semaphore(%run_scoped3A : memref<!tpu.dma_semaphore, #tpu.memory_space<semaphore_mem>>) src(%dma_wait3A_40 : memref<400x128xf32, #tpu.memory_space<hbm>>) dst(%dma_wait3A_37 : memref<400x128xf32, #tpu.memory_space<vmem_shared>>)
          tpu.yield
        }) : () -> ()
      } else {
      }
      %ne3A = arith.constant 0 : i32
      %ne3A_27 = arith.cmpi ne, %arg0, %ne3A : i32
      %convert_element_type3A_28 = arith.extui %ne3A_27 : i1 to i32
      %cond3A_29 = arith.constant 0 : i32
      %cond3A_30 = arith.cmpi ne, %convert_element_type3A_28, %cond3A_29 : i32
      scf.if %cond3A_30 {
        "tpu.region"() ({
          %run_scoped3A = tpu.sem_alloc : memref<!tpu.dma_semaphore, #tpu.memory_space<semaphore_mem>>
          %dma_start3A = arith.constant 9600 : i32
          %dma_start3A_31 = arith.constant 0 : i32
          %dma_start3A_32 = tpu.memref_slice %arg10[%dma_start3A, %dma_start3A_31] : memref<10000x128xf32, #tpu.memory_space<vmem_shared>> -> memref<400x128xf32, #tpu.memory_space<vmem_shared>>
          %dma_start3A_33 = arith.constant 9600 : i32
          %dma_start3A_34 = arith.constant 0 : i32
          %dma_start3A_35 = tpu.memref_slice %arg3[%dma_start3A_33, %dma_start3A_34] : memref<10000x128xf32, #tpu.memory_space<hbm>> -> memref<400x128xf32, #tpu.memory_space<hbm>>
          tpu.enqueue_dma source(%dma_start3A_35 : memref<400x128xf32, #tpu.memory_space<hbm>>) target(%dma_start3A_32 : memref<400x128xf32, #tpu.memory_space<vmem_shared>>) target_semaphore(%run_scoped3A : memref<!tpu.dma_semaphore, #tpu.memory_space<semaphore_mem>>)
          %dma_wait3A = arith.constant 9600 : i32
          %dma_wait3A_36 = arith.constant 0 : i32
          %dma_wait3A_37 = tpu.memref_slice %arg10[%dma_wait3A, %dma_wait3A_36] : memref<10000x128xf32, #tpu.memory_space<vmem_shared>> -> memref<400x128xf32, #tpu.memory_space<vmem_shared>>
          %dma_wait3A_38 = arith.constant 9600 : i32
          %dma_wait3A_39 = arith.constant 0 : i32
          %dma_wait3A_40 = tpu.memref_slice %arg3[%dma_wait3A_38, %dma_wait3A_39] : memref<10000x128xf32, #tpu.memory_space<hbm>> -> memref<400x128xf32, #tpu.memory_space<hbm>>
          tpu.wait_dma2 semaphore(%run_scoped3A : memref<!tpu.dma_semaphore, #tpu.memory_space<semaphore_mem>>) src(%dma_wait3A_40 : memref<400x128xf32, #tpu.memory_space<hbm>>) dst(%dma_wait3A_37 : memref<400x128xf32, #tpu.memory_space<vmem_shared>>)
          tpu.yield
        }) : () -> ()
      } else {
      }
    } else {
    }
    "tpu.region"() ({
      %run_scoped3A = tpu.sem_alloc : memref<!tpu.dma_semaphore, #tpu.memory_space<semaphore_mem>>
      %dma_start3A = arith.constant 0 : i32
      %dma_start3A_22 = arith.constant 0 : i32
      %dma_start3A_23 = tpu.memref_slice %arg4[%add3A, %dma_start3A, %dma_start3A_22] : memref<32x125x80xi32, #tpu.memory_space<hbm>> -> memref<1x125x80xi32, #tpu.memory_space<hbm>>
      %dma_start3A_24 = tpu.memref_squeeze %dma_start3A_23 : memref<1x125x80xi32, #tpu.memory_space<hbm>> -> memref<125x80xi32, #tpu.memory_space<hbm>>
      %dma_start3A_25 = arith.constant 0 : i32
      %dma_start3A_26 = arith.constant 0 : i32
      %dma_start3A_27 = tpu.memref_slice %arg4[%add3A, %dma_start3A_25, %dma_start3A_26] : memref<32x125x80xi32, #tpu.memory_space<hbm>> -> memref<1x125x80xi32, #tpu.memory_space<hbm>>
      %dma_start3A_28 = tpu.memref_squeeze %dma_start3A_27 : memref<1x125x80xi32, #tpu.memory_space<hbm>> -> memref<125x80xi32, #tpu.memory_space<hbm>>
      tpu.enqueue_dma source(%dma_start3A_28 : memref<125x80xi32, #tpu.memory_space<hbm>>) target(%arg7 : memref<125x80xi32, #tpu.memory_space<vmem>>) target_semaphore(%run_scoped3A : memref<!tpu.dma_semaphore, #tpu.memory_space<semaphore_mem>>)
      %dma_wait3A = arith.constant 0 : i32
      %dma_wait3A_29 = arith.constant 0 : i32
      %dma_wait3A_30 = tpu.memref_slice %arg4[%add3A, %dma_wait3A, %dma_wait3A_29] : memref<32x125x80xi32, #tpu.memory_space<hbm>> -> memref<1x125x80xi32, #tpu.memory_space<hbm>>
      %dma_wait3A_31 = tpu.memref_squeeze %dma_wait3A_30 : memref<1x125x80xi32, #tpu.memory_space<hbm>> -> memref<125x80xi32, #tpu.memory_space<hbm>>
      %dma_wait3A_32 = arith.constant 0 : i32
      %dma_wait3A_33 = arith.constant 0 : i32
      %dma_wait3A_34 = tpu.memref_slice %arg4[%add3A, %dma_wait3A_32, %dma_wait3A_33] : memref<32x125x80xi32, #tpu.memory_space<hbm>> -> memref<1x125x80xi32, #tpu.memory_space<hbm>>
      %dma_wait3A_35 = tpu.memref_squeeze %dma_wait3A_34 : memref<1x125x80xi32, #tpu.memory_space<hbm>> -> memref<125x80xi32, #tpu.memory_space<hbm>>
      tpu.wait_dma2 semaphore(%run_scoped3A : memref<!tpu.dma_semaphore, #tpu.memory_space<semaphore_mem>>) src(%dma_wait3A_35 : memref<125x80xi32, #tpu.memory_space<hbm>>) dst(%arg7 : memref<125x80xi32, #tpu.memory_space<vmem>>)
      tpu.yield
    }) : () -> ()
    "tpu.region"() ({
      %run_scoped3A = tpu.sem_alloc : memref<!tpu.dma_semaphore, #tpu.memory_space<semaphore_mem>>
      %dma_start3A = arith.constant 0 : i32
      %dma_start3A_22 = arith.constant 0 : i32
      %dma_start3A_23 = tpu.memref_slice %arg5[%add3A, %dma_start3A, %dma_start3A_22] : memref<32x125x80xi32, #tpu.memory_space<hbm>> -> memref<1x125x80xi32, #tpu.memory_space<hbm>>
      %dma_start3A_24 = tpu.memref_squeeze %dma_start3A_23 : memref<1x125x80xi32, #tpu.memory_space<hbm>> -> memref<125x80xi32, #tpu.memory_space<hbm>>
      %dma_start3A_25 = arith.constant 0 : i32
      %dma_start3A_26 = arith.constant 0 : i32
      %dma_start3A_27 = tpu.memref_slice %arg5[%add3A, %dma_start3A_25, %dma_start3A_26] : memref<32x125x80xi32, #tpu.memory_space<hbm>> -> memref<1x125x80xi32, #tpu.memory_space<hbm>>
      %dma_start3A_28 = tpu.memref_squeeze %dma_start3A_27 : memref<1x125x80xi32, #tpu.memory_space<hbm>> -> memref<125x80xi32, #tpu.memory_space<hbm>>
      tpu.enqueue_dma source(%dma_start3A_28 : memref<125x80xi32, #tpu.memory_space<hbm>>) target(%arg8 : memref<125x80xi32, #tpu.memory_space<vmem>>) target_semaphore(%run_scoped3A : memref<!tpu.dma_semaphore, #tpu.memory_space<semaphore_mem>>)
      %dma_wait3A = arith.constant 0 : i32
      %dma_wait3A_29 = arith.constant 0 : i32
      %dma_wait3A_30 = tpu.memref_slice %arg5[%add3A, %dma_wait3A, %dma_wait3A_29] : memref<32x125x80xi32, #tpu.memory_space<hbm>> -> memref<1x125x80xi32, #tpu.memory_space<hbm>>
      %dma_wait3A_31 = tpu.memref_squeeze %dma_wait3A_30 : memref<1x125x80xi32, #tpu.memory_space<hbm>> -> memref<125x80xi32, #tpu.memory_space<hbm>>
      %dma_wait3A_32 = arith.constant 0 : i32
      %dma_wait3A_33 = arith.constant 0 : i32
      %dma_wait3A_34 = tpu.memref_slice %arg5[%add3A, %dma_wait3A_32, %dma_wait3A_33] : memref<32x125x80xi32, #tpu.memory_space<hbm>> -> memref<1x125x80xi32, #tpu.memory_space<hbm>>
      %dma_wait3A_35 = tpu.memref_squeeze %dma_wait3A_34 : memref<1x125x80xi32, #tpu.memory_space<hbm>> -> memref<125x80xi32, #tpu.memory_space<hbm>>
      tpu.wait_dma2 semaphore(%run_scoped3A : memref<!tpu.dma_semaphore, #tpu.memory_space<semaphore_mem>>) src(%dma_wait3A_35 : memref<125x80xi32, #tpu.memory_space<hbm>>) dst(%arg8 : memref<125x80xi32, #tpu.memory_space<vmem>>)
      tpu.yield
    }) : () -> ()
    %barrier3A = arith.constant 0 : index
    tpu.barrier barrier_id(%barrier3A)
    %scan3A = arith.constant 0 : i32
    %scan3A_7 = arith.constant 125 : i32
    %scan3A_8 = arith.addi %scan3A, %scan3A_7 : i32
    %scan3A_9 = arith.constant 1 : i32
    scf.for %scan3A_22 = %scan3A to %scan3A_8 step %scan3A_9  : i32 {
      "tpu.region"() ({
        %run_scoped3A = tpu.sem_alloc : memref<!tpu.dma_semaphore, #tpu.memory_space<semaphore_mem>>
        %dma_start3A = arith.constant 0 : i32
        %dma_start3A_23 = tpu.memref_slice %arg7[%scan3A_22, %dma_start3A] : memref<125x80xi32, #tpu.memory_space<vmem>> -> memref<1x80xi32, #tpu.memory_space<vmem>>
        %dma_start3A_24 = tpu.memref_squeeze %dma_start3A_23 : memref<1x80xi32, #tpu.memory_space<vmem>> -> memref<80xi32, #tpu.memory_space<vmem>>
        %dma_start3A_25 = arith.constant 0 : i32
        %dma_start3A_26 = arith.constant 0 : i32
        %dma_start3A_27 = tpu.memref_slice %arg2[%dma_start3A_25, %dma_start3A_26] : memref<10000x128xf32, #tpu.memory_space<hbm>> -> memref<10000x128xf32, #tpu.memory_space<hbm>>
        tpu.enqueue_indirect_dma source(%dma_start3A_27 : memref<10000x128xf32, #tpu.memory_space<hbm>>) target(%arg9 : memref<80x128xf32, #tpu.memory_space<vmem>>) offsets(%dma_start3A_24 : memref<80xi32, #tpu.memory_space<vmem>>) semaphore(%run_scoped3A : memref<!tpu.dma_semaphore, #tpu.memory_space<semaphore_mem>>)
        %dma_wait3A = arith.constant 0 : i32
        %dma_wait3A_28 = tpu.memref_slice %arg7[%scan3A_22, %dma_wait3A] : memref<125x80xi32, #tpu.memory_space<vmem>> -> memref<1x80xi32, #tpu.memory_space<vmem>>
        %dma_wait3A_29 = tpu.memref_squeeze %dma_wait3A_28 : memref<1x80xi32, #tpu.memory_space<vmem>> -> memref<80xi32, #tpu.memory_space<vmem>>
        %dma_wait3A_30 = arith.constant 0 : i32
        %dma_wait3A_31 = arith.constant 0 : i32
        %dma_wait3A_32 = tpu.memref_slice %arg2[%dma_wait3A_30, %dma_wait3A_31] : memref<10000x128xf32, #tpu.memory_space<hbm>> -> memref<10000x128xf32, #tpu.memory_space<hbm>>
        tpu.wait_indirect_dma semaphore(%run_scoped3A : memref<!tpu.dma_semaphore, #tpu.memory_space<semaphore_mem>>) src(%dma_wait3A_32 : memref<10000x128xf32, #tpu.memory_space<hbm>>) dst(%arg9 : memref<80x128xf32, #tpu.memory_space<vmem>>)
        tpu.yield
      }) : () -> ()
      "tpu.region"() ({
        %run_scoped3A = tpu.sem_alloc : memref<!tpu.dma_semaphore, #tpu.memory_space<semaphore_mem>>
        %dma_start3A = arith.constant 0 : i32
        %dma_start3A_23 = tpu.memref_slice %arg8[%scan3A_22, %dma_start3A] : memref<125x80xi32, #tpu.memory_space<vmem>> -> memref<1x80xi32, #tpu.memory_space<vmem>>
        %dma_start3A_24 = tpu.memref_squeeze %dma_start3A_23 : memref<1x80xi32, #tpu.memory_space<vmem>> -> memref<80xi32, #tpu.memory_space<vmem>>
        %dma_start3A_25 = arith.constant 0 : i32
        %dma_start3A_26 = arith.constant 0 : i32
        %dma_start3A_27 = tpu.memref_slice %arg10[%dma_start3A_25, %dma_start3A_26] : memref<10000x128xf32, #tpu.memory_space<vmem_shared>> -> memref<10000x128xf32, #tpu.memory_space<vmem_shared>>
        tpu.enqueue_indirect_dma source(%arg9 : memref<80x128xf32, #tpu.memory_space<vmem>>) target(%dma_start3A_27 : memref<10000x128xf32, #tpu.memory_space<vmem_shared>>) offsets(%dma_start3A_24 : memref<80xi32, #tpu.memory_space<vmem>>) semaphore(%run_scoped3A : memref<!tpu.dma_semaphore, #tpu.memory_space<semaphore_mem>>) {add = true}
        %dma_wait3A = arith.constant 0 : i32
        %dma_wait3A_28 = tpu.memref_slice %arg8[%scan3A_22, %dma_wait3A] : memref<125x80xi32, #tpu.memory_space<vmem>> -> memref<1x80xi32, #tpu.memory_space<vmem>>
        %dma_wait3A_29 = tpu.memref_squeeze %dma_wait3A_28 : memref<1x80xi32, #tpu.memory_space<vmem>> -> memref<80xi32, #tpu.memory_space<vmem>>
        %dma_wait3A_30 = arith.constant 0 : i32
        %dma_wait3A_31 = arith.constant 0 : i32
        %dma_wait3A_32 = tpu.memref_slice %arg10[%dma_wait3A_30, %dma_wait3A_31] : memref<10000x128xf32, #tpu.memory_space<vmem_shared>> -> memref<10000x128xf32, #tpu.memory_space<vmem_shared>>
        tpu.wait_indirect_dma semaphore(%run_scoped3A : memref<!tpu.dma_semaphore, #tpu.memory_space<semaphore_mem>>) src(%arg9 : memref<80x128xf32, #tpu.memory_space<vmem>>) dst(%dma_wait3A_32 : memref<10000x128xf32, #tpu.memory_space<vmem_shared>>)
        tpu.yield
      }) : () -> ()
    }
    %scan3A_10 = arith.constant 125 : i32
    %barrier3A_11 = arith.constant 0 : index
    tpu.barrier barrier_id(%barrier3A_11)
    %lt3A_12 = arith.constant 15 : i32
    %lt3A_13 = arith.cmpi slt, %arg1, %lt3A_12 : i32
    %convert_element_type3A_14 = arith.extui %lt3A_13 : i1 to i32
    %cond3A_15 = arith.constant 0 : i32
    %cond3A_16 = arith.cmpi ne, %convert_element_type3A_14, %cond3A_15 : i32
    scf.if %cond3A_16 {
      %mul3A_22 = arith.constant 640 : i32
      %mul3A_23 = arith.muli %arg1, %mul3A_22 : i32
      "tpu.region"() ({
        %run_scoped3A = tpu.sem_alloc : memref<!tpu.dma_semaphore, #tpu.memory_space<semaphore_mem>>
        %dma_start3A = arith.constant 0 : i32
        %dma_start3A_24 = tpu.memref_slice %arg6[%arg0, %mul3A_23, %dma_start3A] : memref<2x10000x128xf32, #tpu.memory_space<hbm>> -> memref<1x640x128xf32, #tpu.memory_space<hbm>>
        %dma_start3A_25 = tpu.memref_squeeze %dma_start3A_24 : memref<1x640x128xf32, #tpu.memory_space<hbm>> -> memref<640x128xf32, #tpu.memory_space<hbm>>
        %dma_start3A_26 = arith.constant 0 : i32
        %dma_start3A_27 = tpu.memref_slice %arg10[%mul3A_23, %dma_start3A_26] : memref<10000x128xf32, #tpu.memory_space<vmem_shared>> -> memref<640x128xf32, #tpu.memory_space<vmem_shared>>
        tpu.enqueue_dma source(%dma_start3A_27 : memref<640x128xf32, #tpu.memory_space<vmem_shared>>) target(%dma_start3A_25 : memref<640x128xf32, #tpu.memory_space<hbm>>) target_semaphore(%run_scoped3A : memref<!tpu.dma_semaphore, #tpu.memory_space<semaphore_mem>>)
        %dma_wait3A = arith.constant 0 : i32
        %dma_wait3A_28 = tpu.memref_slice %arg6[%arg0, %mul3A_23, %dma_wait3A] : memref<2x10000x128xf32, #tpu.memory_space<hbm>> -> memref<1x640x128xf32, #tpu.memory_space<hbm>>
        %dma_wait3A_29 = tpu.memref_squeeze %dma_wait3A_28 : memref<1x640x128xf32, #tpu.memory_space<hbm>> -> memref<640x128xf32, #tpu.memory_space<hbm>>
        %dma_wait3A_30 = arith.constant 0 : i32
        %dma_wait3A_31 = tpu.memref_slice %arg10[%mul3A_23, %dma_wait3A_30] : memref<10000x128xf32, #tpu.memory_space<vmem_shared>> -> memref<640x128xf32, #tpu.memory_space<vmem_shared>>
        tpu.wait_dma2 semaphore(%run_scoped3A : memref<!tpu.dma_semaphore, #tpu.memory_space<semaphore_mem>>) src(%dma_wait3A_31 : memref<640x128xf32, #tpu.memory_space<vmem_shared>>) dst(%dma_wait3A_29 : memref<640x128xf32, #tpu.memory_space<hbm>>)
        tpu.yield
      }) : () -> ()
    } else {
    }
    %eq3A_17 = arith.constant 15 : i32
    %eq3A_18 = arith.cmpi eq, %arg1, %eq3A_17 : i32
    %convert_element_type3A_19 = arith.extui %eq3A_18 : i1 to i32
    %cond3A_20 = arith.constant 0 : i32
    %cond3A_21 = arith.cmpi ne, %convert_element_type3A_19, %cond3A_20 : i32
    scf.if %cond3A_21 {
      "tpu.region"() ({
        %run_scoped3A = tpu.sem_alloc : memref<!tpu.dma_semaphore, #tpu.memory_space<semaphore_mem>>
        %dma_start3A = arith.constant 9600 : i32
        %dma_start3A_22 = arith.constant 0 : i32
        %dma_start3A_23 = tpu.memref_slice %arg6[%arg0, %dma_start3A, %dma_start3A_22] : memref<2x10000x128xf32, #tpu.memory_space<hbm>> -> memref<1x400x128xf32, #tpu.memory_space<hbm>>
        %dma_start3A_24 = tpu.memref_squeeze %dma_start3A_23 : memref<1x400x128xf32, #tpu.memory_space<hbm>> -> memref<400x128xf32, #tpu.memory_space<hbm>>
        %dma_start3A_25 = arith.constant 9600 : i32
        %dma_start3A_26 = arith.constant 0 : i32
        %dma_start3A_27 = tpu.memref_slice %arg10[%dma_start3A_25, %dma_start3A_26] : memref<10000x128xf32, #tpu.memory_space<vmem_shared>> -> memref<400x128xf32, #tpu.memory_space<vmem_shared>>
        tpu.enqueue_dma source(%dma_start3A_27 : memref<400x128xf32, #tpu.memory_space<vmem_shared>>) target(%dma_start3A_24 : memref<400x128xf32, #tpu.memory_space<hbm>>) target_semaphore(%run_scoped3A : memref<!tpu.dma_semaphore, #tpu.memory_space<semaphore_mem>>)
        %dma_wait3A = arith.constant 9600 : i32
        %dma_wait3A_28 = arith.constant 0 : i32
        %dma_wait3A_29 = tpu.memref_slice %arg6[%arg0, %dma_wait3A, %dma_wait3A_28] : memref<2x10000x128xf32, #tpu.memory_space<hbm>> -> memref<1x400x128xf32, #tpu.memory_space<hbm>>
        %dma_wait3A_30 = tpu.memref_squeeze %dma_wait3A_29 : memref<1x400x128xf32, #tpu.memory_space<hbm>> -> memref<400x128xf32, #tpu.memory_space<hbm>>
        %dma_wait3A_31 = arith.constant 9600 : i32
        %dma_wait3A_32 = arith.constant 0 : i32
        %dma_wait3A_33 = tpu.memref_slice %arg10[%dma_wait3A_31, %dma_wait3A_32] : memref<10000x128xf32, #tpu.memory_space<vmem_shared>> -> memref<400x128xf32, #tpu.memory_space<vmem_shared>>
        tpu.wait_dma2 semaphore(%run_scoped3A : memref<!tpu.dma_semaphore, #tpu.memory_space<semaphore_mem>>) src(%dma_wait3A_33 : memref<400x128xf32, #tpu.memory_space<vmem_shared>>) dst(%dma_wait3A_30 : memref<400x128xf32, #tpu.memory_space<hbm>>)
        tpu.yield
      }) : () -> ()
    } else {
    }
    return
  }
}

#map = affine_map<(d0, d1) -> (0, 0)>
#map1 = affine_map<(d0, d1) -> (0, 0, 0)>
module attributes {stable_mosaic.version = 14 : i64} {
  func.func @_agg_kernel(%arg0: i32, %arg1: i32, %arg2: memref<10000x128xf32, #tpu.memory_space<hbm>>, %arg3: memref<10000x128xf32, #tpu.memory_space<hbm>>, %arg4: memref<32x125x80xi32, #tpu.memory_space<hbm>>, %arg5: memref<32x125x80xi32, #tpu.memory_space<hbm>>, %arg6: memref<2x10000x128xf32, #tpu.memory_space<hbm>>, %arg7: memref<125x80xi32, #tpu.memory_space<vmem>>, %arg8: memref<125x80xi32, #tpu.memory_space<vmem>>, %arg9: memref<80x128xf32, #tpu.memory_space<vmem>>, %arg10: memref<10000x128xf32, #tpu.memory_space<vmem_shared>>) attributes {dimension_semantics = [#tpu.dimension_semantics<core_parallel>, #tpu.dimension_semantics<subcore_parallel>], iteration_bounds = array<i64: 2, 16>, scalar_prefetch = 0 : i64, scratch_operands = 4 : i64, tpu.core_type = #tpu.core_type<sc_vector_subcore>, window_params = [{transform_indices = #map}, {transform_indices = #map}, {transform_indices = #map1}, {transform_indices = #map1}, {transform_indices = #map1}]} {
    %mul3A = arith.constant 16 : i32
    %mul3A_0 = arith.muli %arg0, %mul3A : i32
    %add3A = arith.addi %mul3A_0, %arg1 : i32
    %lt3A = arith.constant 15 : i32
    %lt3A_1 = arith.cmpi slt, %arg1, %lt3A : i32
    %convert_element_type3A = arith.extui %lt3A_1 : i1 to i32
    %cond3A = arith.constant 0 : i32
    %cond3A_2 = arith.cmpi ne, %convert_element_type3A, %cond3A : i32
    scf.if %cond3A_2 {
      %mul3A_22 = arith.constant 640 : i32
      %mul3A_23 = arith.muli %arg1, %mul3A_22 : i32
      %eq3A_24 = arith.constant 0 : i32
      %eq3A_25 = arith.cmpi eq, %arg0, %eq3A_24 : i32
      %convert_element_type3A_26 = arith.extui %eq3A_25 : i1 to i32
      %cond3A_27 = arith.constant 0 : i32
      %cond3A_28 = arith.cmpi ne, %convert_element_type3A_26, %cond3A_27 : i32
      scf.if %cond3A_28 {
        "tpu.region"() ({
          %run_scoped3A = tpu.sem_alloc : memref<!tpu.dma_semaphore, #tpu.memory_space<semaphore_mem>>
          %dma_start3A = arith.constant 0 : i32
          %dma_start3A_33 = tpu.memref_slice %arg10[%mul3A_23, %dma_start3A] : memref<10000x128xf32, #tpu.memory_space<vmem_shared>> -> memref<640x128xf32, #tpu.memory_space<vmem_shared>>
          %dma_start3A_34 = arith.constant 0 : i32
          %dma_start3A_35 = tpu.memref_slice %arg2[%mul3A_23, %dma_start3A_34] : memref<10000x128xf32, #tpu.memory_space<hbm>> -> memref<640x128xf32, #tpu.memory_space<hbm>>
          tpu.enqueue_dma source(%dma_start3A_35 : memref<640x128xf32, #tpu.memory_space<hbm>>) target(%dma_start3A_33 : memref<640x128xf32, #tpu.memory_space<vmem_shared>>) target_semaphore(%run_scoped3A : memref<!tpu.dma_semaphore, #tpu.memory_space<semaphore_mem>>)
          %dma_wait3A = arith.constant 0 : i32
          %dma_wait3A_36 = tpu.memref_slice %arg10[%mul3A_23, %dma_wait3A] : memref<10000x128xf32, #tpu.memory_space<vmem_shared>> -> memref<640x128xf32, #tpu.memory_space<vmem_shared>>
          %dma_wait3A_37 = arith.constant 0 : i32
          %dma_wait3A_38 = tpu.memref_slice %arg2[%mul3A_23, %dma_wait3A_37] : memref<10000x128xf32, #tpu.memory_space<hbm>> -> memref<640x128xf32, #tpu.memory_space<hbm>>
          tpu.wait_dma2 semaphore(%run_scoped3A : memref<!tpu.dma_semaphore, #tpu.memory_space<semaphore_mem>>) src(%dma_wait3A_38 : memref<640x128xf32, #tpu.memory_space<hbm>>) dst(%dma_wait3A_36 : memref<640x128xf32, #tpu.memory_space<vmem_shared>>)
          tpu.yield
        }) : () -> ()
      } else {
      }
      %ne3A = arith.constant 0 : i32
      %ne3A_29 = arith.cmpi ne, %arg0, %ne3A : i32
      %convert_element_type3A_30 = arith.extui %ne3A_29 : i1 to i32
      %cond3A_31 = arith.constant 0 : i32
      %cond3A_32 = arith.cmpi ne, %convert_element_type3A_30, %cond3A_31 : i32
      scf.if %cond3A_32 {
        "tpu.region"() ({
          %run_scoped3A = tpu.sem_alloc : memref<!tpu.dma_semaphore, #tpu.memory_space<semaphore_mem>>
          %dma_start3A = arith.constant 0 : i32
          %dma_start3A_33 = tpu.memref_slice %arg10[%mul3A_23, %dma_start3A] : memref<10000x128xf32, #tpu.memory_space<vmem_shared>> -> memref<640x128xf32, #tpu.memory_space<vmem_shared>>
          %dma_start3A_34 = arith.constant 0 : i32
          %dma_start3A_35 = tpu.memref_slice %arg3[%mul3A_23, %dma_start3A_34] : memref<10000x128xf32, #tpu.memory_space<hbm>> -> memref<640x128xf32, #tpu.memory_space<hbm>>
          tpu.enqueue_dma source(%dma_start3A_35 : memref<640x128xf32, #tpu.memory_space<hbm>>) target(%dma_start3A_33 : memref<640x128xf32, #tpu.memory_space<vmem_shared>>) target_semaphore(%run_scoped3A : memref<!tpu.dma_semaphore, #tpu.memory_space<semaphore_mem>>)
          %dma_wait3A = arith.constant 0 : i32
          %dma_wait3A_36 = tpu.memref_slice %arg10[%mul3A_23, %dma_wait3A] : memref<10000x128xf32, #tpu.memory_space<vmem_shared>> -> memref<640x128xf32, #tpu.memory_space<vmem_shared>>
          %dma_wait3A_37 = arith.constant 0 : i32
          %dma_wait3A_38 = tpu.memref_slice %arg3[%mul3A_23, %dma_wait3A_37] : memref<10000x128xf32, #tpu.memory_space<hbm>> -> memref<640x128xf32, #tpu.memory_space<hbm>>
          tpu.wait_dma2 semaphore(%run_scoped3A : memref<!tpu.dma_semaphore, #tpu.memory_space<semaphore_mem>>) src(%dma_wait3A_38 : memref<640x128xf32, #tpu.memory_space<hbm>>) dst(%dma_wait3A_36 : memref<640x128xf32, #tpu.memory_space<vmem_shared>>)
          tpu.yield
        }) : () -> ()
      } else {
      }
    } else {
    }
    %eq3A = arith.constant 15 : i32
    %eq3A_3 = arith.cmpi eq, %arg1, %eq3A : i32
    %convert_element_type3A_4 = arith.extui %eq3A_3 : i1 to i32
    %cond3A_5 = arith.constant 0 : i32
    %cond3A_6 = arith.cmpi ne, %convert_element_type3A_4, %cond3A_5 : i32
    scf.if %cond3A_6 {
      %eq3A_22 = arith.constant 0 : i32
      %eq3A_23 = arith.cmpi eq, %arg0, %eq3A_22 : i32
      %convert_element_type3A_24 = arith.extui %eq3A_23 : i1 to i32
      %cond3A_25 = arith.constant 0 : i32
      %cond3A_26 = arith.cmpi ne, %convert_element_type3A_24, %cond3A_25 : i32
      scf.if %cond3A_26 {
        "tpu.region"() ({
          %run_scoped3A = tpu.sem_alloc : memref<!tpu.dma_semaphore, #tpu.memory_space<semaphore_mem>>
          %dma_start3A = arith.constant 9600 : i32
          %dma_start3A_31 = arith.constant 0 : i32
          %dma_start3A_32 = tpu.memref_slice %arg10[%dma_start3A, %dma_start3A_31] : memref<10000x128xf32, #tpu.memory_space<vmem_shared>> -> memref<400x128xf32, #tpu.memory_space<vmem_shared>>
          %dma_start3A_33 = arith.constant 9600 : i32
          %dma_start3A_34 = arith.constant 0 : i32
          %dma_start3A_35 = tpu.memref_slice %arg2[%dma_start3A_33, %dma_start3A_34] : memref<10000x128xf32, #tpu.memory_space<hbm>> -> memref<400x128xf32, #tpu.memory_space<hbm>>
          tpu.enqueue_dma source(%dma_start3A_35 : memref<400x128xf32, #tpu.memory_space<hbm>>) target(%dma_start3A_32 : memref<400x128xf32, #tpu.memory_space<vmem_shared>>) target_semaphore(%run_scoped3A : memref<!tpu.dma_semaphore, #tpu.memory_space<semaphore_mem>>)
          %dma_wait3A = arith.constant 9600 : i32
          %dma_wait3A_36 = arith.constant 0 : i32
          %dma_wait3A_37 = tpu.memref_slice %arg10[%dma_wait3A, %dma_wait3A_36] : memref<10000x128xf32, #tpu.memory_space<vmem_shared>> -> memref<400x128xf32, #tpu.memory_space<vmem_shared>>
          %dma_wait3A_38 = arith.constant 9600 : i32
          %dma_wait3A_39 = arith.constant 0 : i32
          %dma_wait3A_40 = tpu.memref_slice %arg2[%dma_wait3A_38, %dma_wait3A_39] : memref<10000x128xf32, #tpu.memory_space<hbm>> -> memref<400x128xf32, #tpu.memory_space<hbm>>
          tpu.wait_dma2 semaphore(%run_scoped3A : memref<!tpu.dma_semaphore, #tpu.memory_space<semaphore_mem>>) src(%dma_wait3A_40 : memref<400x128xf32, #tpu.memory_space<hbm>>) dst(%dma_wait3A_37 : memref<400x128xf32, #tpu.memory_space<vmem_shared>>)
          tpu.yield
        }) : () -> ()
      } else {
      }
      %ne3A = arith.constant 0 : i32
      %ne3A_27 = arith.cmpi ne, %arg0, %ne3A : i32
      %convert_element_type3A_28 = arith.extui %ne3A_27 : i1 to i32
      %cond3A_29 = arith.constant 0 : i32
      %cond3A_30 = arith.cmpi ne, %convert_element_type3A_28, %cond3A_29 : i32
      scf.if %cond3A_30 {
        "tpu.region"() ({
          %run_scoped3A = tpu.sem_alloc : memref<!tpu.dma_semaphore, #tpu.memory_space<semaphore_mem>>
          %dma_start3A = arith.constant 9600 : i32
          %dma_start3A_31 = arith.constant 0 : i32
          %dma_start3A_32 = tpu.memref_slice %arg10[%dma_start3A, %dma_start3A_31] : memref<10000x128xf32, #tpu.memory_space<vmem_shared>> -> memref<400x128xf32, #tpu.memory_space<vmem_shared>>
          %dma_start3A_33 = arith.constant 9600 : i32
          %dma_start3A_34 = arith.constant 0 : i32
          %dma_start3A_35 = tpu.memref_slice %arg3[%dma_start3A_33, %dma_start3A_34] : memref<10000x128xf32, #tpu.memory_space<hbm>> -> memref<400x128xf32, #tpu.memory_space<hbm>>
          tpu.enqueue_dma source(%dma_start3A_35 : memref<400x128xf32, #tpu.memory_space<hbm>>) target(%dma_start3A_32 : memref<400x128xf32, #tpu.memory_space<vmem_shared>>) target_semaphore(%run_scoped3A : memref<!tpu.dma_semaphore, #tpu.memory_space<semaphore_mem>>)
          %dma_wait3A = arith.constant 9600 : i32
          %dma_wait3A_36 = arith.constant 0 : i32
          %dma_wait3A_37 = tpu.memref_slice %arg10[%dma_wait3A, %dma_wait3A_36] : memref<10000x128xf32, #tpu.memory_space<vmem_shared>> -> memref<400x128xf32, #tpu.memory_space<vmem_shared>>
          %dma_wait3A_38 = arith.constant 9600 : i32
          %dma_wait3A_39 = arith.constant 0 : i32
          %dma_wait3A_40 = tpu.memref_slice %arg3[%dma_wait3A_38, %dma_wait3A_39] : memref<10000x128xf32, #tpu.memory_space<hbm>> -> memref<400x128xf32, #tpu.memory_space<hbm>>
          tpu.wait_dma2 semaphore(%run_scoped3A : memref<!tpu.dma_semaphore, #tpu.memory_space<semaphore_mem>>) src(%dma_wait3A_40 : memref<400x128xf32, #tpu.memory_space<hbm>>) dst(%dma_wait3A_37 : memref<400x128xf32, #tpu.memory_space<vmem_shared>>)
          tpu.yield
        }) : () -> ()
      } else {
      }
    } else {
    }
    "tpu.region"() ({
      %run_scoped3A = tpu.sem_alloc : memref<!tpu.dma_semaphore, #tpu.memory_space<semaphore_mem>>
      %dma_start3A = arith.constant 0 : i32
      %dma_start3A_22 = arith.constant 0 : i32
      %dma_start3A_23 = tpu.memref_slice %arg4[%add3A, %dma_start3A, %dma_start3A_22] : memref<32x125x80xi32, #tpu.memory_space<hbm>> -> memref<1x125x80xi32, #tpu.memory_space<hbm>>
      %dma_start3A_24 = tpu.memref_squeeze %dma_start3A_23 : memref<1x125x80xi32, #tpu.memory_space<hbm>> -> memref<125x80xi32, #tpu.memory_space<hbm>>
      %dma_start3A_25 = arith.constant 0 : i32
      %dma_start3A_26 = arith.constant 0 : i32
      %dma_start3A_27 = tpu.memref_slice %arg4[%add3A, %dma_start3A_25, %dma_start3A_26] : memref<32x125x80xi32, #tpu.memory_space<hbm>> -> memref<1x125x80xi32, #tpu.memory_space<hbm>>
      %dma_start3A_28 = tpu.memref_squeeze %dma_start3A_27 : memref<1x125x80xi32, #tpu.memory_space<hbm>> -> memref<125x80xi32, #tpu.memory_space<hbm>>
      tpu.enqueue_dma source(%dma_start3A_28 : memref<125x80xi32, #tpu.memory_space<hbm>>) target(%arg7 : memref<125x80xi32, #tpu.memory_space<vmem>>) target_semaphore(%run_scoped3A : memref<!tpu.dma_semaphore, #tpu.memory_space<semaphore_mem>>)
      %dma_wait3A = arith.constant 0 : i32
      %dma_wait3A_29 = arith.constant 0 : i32
      %dma_wait3A_30 = tpu.memref_slice %arg4[%add3A, %dma_wait3A, %dma_wait3A_29] : memref<32x125x80xi32, #tpu.memory_space<hbm>> -> memref<1x125x80xi32, #tpu.memory_space<hbm>>
      %dma_wait3A_31 = tpu.memref_squeeze %dma_wait3A_30 : memref<1x125x80xi32, #tpu.memory_space<hbm>> -> memref<125x80xi32, #tpu.memory_space<hbm>>
      %dma_wait3A_32 = arith.constant 0 : i32
      %dma_wait3A_33 = arith.constant 0 : i32
      %dma_wait3A_34 = tpu.memref_slice %arg4[%add3A, %dma_wait3A_32, %dma_wait3A_33] : memref<32x125x80xi32, #tpu.memory_space<hbm>> -> memref<1x125x80xi32, #tpu.memory_space<hbm>>
      %dma_wait3A_35 = tpu.memref_squeeze %dma_wait3A_34 : memref<1x125x80xi32, #tpu.memory_space<hbm>> -> memref<125x80xi32, #tpu.memory_space<hbm>>
      tpu.wait_dma2 semaphore(%run_scoped3A : memref<!tpu.dma_semaphore, #tpu.memory_space<semaphore_mem>>) src(%dma_wait3A_35 : memref<125x80xi32, #tpu.memory_space<hbm>>) dst(%arg7 : memref<125x80xi32, #tpu.memory_space<vmem>>)
      tpu.yield
    }) : () -> ()
    "tpu.region"() ({
      %run_scoped3A = tpu.sem_alloc : memref<!tpu.dma_semaphore, #tpu.memory_space<semaphore_mem>>
      %dma_start3A = arith.constant 0 : i32
      %dma_start3A_22 = arith.constant 0 : i32
      %dma_start3A_23 = tpu.memref_slice %arg5[%add3A, %dma_start3A, %dma_start3A_22] : memref<32x125x80xi32, #tpu.memory_space<hbm>> -> memref<1x125x80xi32, #tpu.memory_space<hbm>>
      %dma_start3A_24 = tpu.memref_squeeze %dma_start3A_23 : memref<1x125x80xi32, #tpu.memory_space<hbm>> -> memref<125x80xi32, #tpu.memory_space<hbm>>
      %dma_start3A_25 = arith.constant 0 : i32
      %dma_start3A_26 = arith.constant 0 : i32
      %dma_start3A_27 = tpu.memref_slice %arg5[%add3A, %dma_start3A_25, %dma_start3A_26] : memref<32x125x80xi32, #tpu.memory_space<hbm>> -> memref<1x125x80xi32, #tpu.memory_space<hbm>>
      %dma_start3A_28 = tpu.memref_squeeze %dma_start3A_27 : memref<1x125x80xi32, #tpu.memory_space<hbm>> -> memref<125x80xi32, #tpu.memory_space<hbm>>
      tpu.enqueue_dma source(%dma_start3A_28 : memref<125x80xi32, #tpu.memory_space<hbm>>) target(%arg8 : memref<125x80xi32, #tpu.memory_space<vmem>>) target_semaphore(%run_scoped3A : memref<!tpu.dma_semaphore, #tpu.memory_space<semaphore_mem>>)
      %dma_wait3A = arith.constant 0 : i32
      %dma_wait3A_29 = arith.constant 0 : i32
      %dma_wait3A_30 = tpu.memref_slice %arg5[%add3A, %dma_wait3A, %dma_wait3A_29] : memref<32x125x80xi32, #tpu.memory_space<hbm>> -> memref<1x125x80xi32, #tpu.memory_space<hbm>>
      %dma_wait3A_31 = tpu.memref_squeeze %dma_wait3A_30 : memref<1x125x80xi32, #tpu.memory_space<hbm>> -> memref<125x80xi32, #tpu.memory_space<hbm>>
      %dma_wait3A_32 = arith.constant 0 : i32
      %dma_wait3A_33 = arith.constant 0 : i32
      %dma_wait3A_34 = tpu.memref_slice %arg5[%add3A, %dma_wait3A_32, %dma_wait3A_33] : memref<32x125x80xi32, #tpu.memory_space<hbm>> -> memref<1x125x80xi32, #tpu.memory_space<hbm>>
      %dma_wait3A_35 = tpu.memref_squeeze %dma_wait3A_34 : memref<1x125x80xi32, #tpu.memory_space<hbm>> -> memref<125x80xi32, #tpu.memory_space<hbm>>
      tpu.wait_dma2 semaphore(%run_scoped3A : memref<!tpu.dma_semaphore, #tpu.memory_space<semaphore_mem>>) src(%dma_wait3A_35 : memref<125x80xi32, #tpu.memory_space<hbm>>) dst(%arg8 : memref<125x80xi32, #tpu.memory_space<vmem>>)
      tpu.yield
    }) : () -> ()
    %barrier3A = arith.constant 0 : index
    tpu.barrier barrier_id(%barrier3A)
    %scan3A = arith.constant 0 : i32
    %scan3A_7 = arith.constant 125 : i32
    %scan3A_8 = arith.addi %scan3A, %scan3A_7 : i32
    %scan3A_9 = arith.constant 1 : i32
    scf.for %scan3A_22 = %scan3A to %scan3A_8 step %scan3A_9  : i32 {
      "tpu.region"() ({
        %run_scoped3A = tpu.sem_alloc : memref<!tpu.dma_semaphore, #tpu.memory_space<semaphore_mem>>
        %dma_start3A = arith.constant 0 : i32
        %dma_start3A_23 = tpu.memref_slice %arg7[%scan3A_22, %dma_start3A] : memref<125x80xi32, #tpu.memory_space<vmem>> -> memref<1x80xi32, #tpu.memory_space<vmem>>
        %dma_start3A_24 = tpu.memref_squeeze %dma_start3A_23 : memref<1x80xi32, #tpu.memory_space<vmem>> -> memref<80xi32, #tpu.memory_space<vmem>>
        %dma_start3A_25 = arith.constant 0 : i32
        %dma_start3A_26 = arith.constant 0 : i32
        %dma_start3A_27 = tpu.memref_slice %arg2[%dma_start3A_25, %dma_start3A_26] : memref<10000x128xf32, #tpu.memory_space<hbm>> -> memref<10000x128xf32, #tpu.memory_space<hbm>>
        tpu.enqueue_indirect_dma source(%dma_start3A_27 : memref<10000x128xf32, #tpu.memory_space<hbm>>) target(%arg9 : memref<80x128xf32, #tpu.memory_space<vmem>>) offsets(%dma_start3A_24 : memref<80xi32, #tpu.memory_space<vmem>>) semaphore(%run_scoped3A : memref<!tpu.dma_semaphore, #tpu.memory_space<semaphore_mem>>)
        %dma_wait3A = arith.constant 0 : i32
        %dma_wait3A_28 = tpu.memref_slice %arg7[%scan3A_22, %dma_wait3A] : memref<125x80xi32, #tpu.memory_space<vmem>> -> memref<1x80xi32, #tpu.memory_space<vmem>>
        %dma_wait3A_29 = tpu.memref_squeeze %dma_wait3A_28 : memref<1x80xi32, #tpu.memory_space<vmem>> -> memref<80xi32, #tpu.memory_space<vmem>>
        %dma_wait3A_30 = arith.constant 0 : i32
        %dma_wait3A_31 = arith.constant 0 : i32
        %dma_wait3A_32 = tpu.memref_slice %arg2[%dma_wait3A_30, %dma_wait3A_31] : memref<10000x128xf32, #tpu.memory_space<hbm>> -> memref<10000x128xf32, #tpu.memory_space<hbm>>
        tpu.wait_indirect_dma semaphore(%run_scoped3A : memref<!tpu.dma_semaphore, #tpu.memory_space<semaphore_mem>>) src(%dma_wait3A_32 : memref<10000x128xf32, #tpu.memory_space<hbm>>) dst(%arg9 : memref<80x128xf32, #tpu.memory_space<vmem>>)
        tpu.yield
      }) : () -> ()
      "tpu.region"() ({
        %run_scoped3A = tpu.sem_alloc : memref<!tpu.dma_semaphore, #tpu.memory_space<semaphore_mem>>
        %dma_start3A = arith.constant 0 : i32
        %dma_start3A_23 = tpu.memref_slice %arg8[%scan3A_22, %dma_start3A] : memref<125x80xi32, #tpu.memory_space<vmem>> -> memref<1x80xi32, #tpu.memory_space<vmem>>
        %dma_start3A_24 = tpu.memref_squeeze %dma_start3A_23 : memref<1x80xi32, #tpu.memory_space<vmem>> -> memref<80xi32, #tpu.memory_space<vmem>>
        %dma_start3A_25 = arith.constant 0 : i32
        %dma_start3A_26 = arith.constant 0 : i32
        %dma_start3A_27 = tpu.memref_slice %arg10[%dma_start3A_25, %dma_start3A_26] : memref<10000x128xf32, #tpu.memory_space<vmem_shared>> -> memref<10000x128xf32, #tpu.memory_space<vmem_shared>>
        tpu.enqueue_indirect_dma source(%arg9 : memref<80x128xf32, #tpu.memory_space<vmem>>) target(%dma_start3A_27 : memref<10000x128xf32, #tpu.memory_space<vmem_shared>>) offsets(%dma_start3A_24 : memref<80xi32, #tpu.memory_space<vmem>>) semaphore(%run_scoped3A : memref<!tpu.dma_semaphore, #tpu.memory_space<semaphore_mem>>) {add = true}
        %dma_wait3A = arith.constant 0 : i32
        %dma_wait3A_28 = tpu.memref_slice %arg8[%scan3A_22, %dma_wait3A] : memref<125x80xi32, #tpu.memory_space<vmem>> -> memref<1x80xi32, #tpu.memory_space<vmem>>
        %dma_wait3A_29 = tpu.memref_squeeze %dma_wait3A_28 : memref<1x80xi32, #tpu.memory_space<vmem>> -> memref<80xi32, #tpu.memory_space<vmem>>
        %dma_wait3A_30 = arith.constant 0 : i32
        %dma_wait3A_31 = arith.constant 0 : i32
        %dma_wait3A_32 = tpu.memref_slice %arg10[%dma_wait3A_30, %dma_wait3A_31] : memref<10000x128xf32, #tpu.memory_space<vmem_shared>> -> memref<10000x128xf32, #tpu.memory_space<vmem_shared>>
        tpu.wait_indirect_dma semaphore(%run_scoped3A : memref<!tpu.dma_semaphore, #tpu.memory_space<semaphore_mem>>) src(%arg9 : memref<80x128xf32, #tpu.memory_space<vmem>>) dst(%dma_wait3A_32 : memref<10000x128xf32, #tpu.memory_space<vmem_shared>>)
        tpu.yield
      }) : () -> ()
    }
    %scan3A_10 = arith.constant 125 : i32
    %barrier3A_11 = arith.constant 0 : index
    tpu.barrier barrier_id(%barrier3A_11)
    %lt3A_12 = arith.constant 15 : i32
    %lt3A_13 = arith.cmpi slt, %arg1, %lt3A_12 : i32
    %convert_element_type3A_14 = arith.extui %lt3A_13 : i1 to i32
    %cond3A_15 = arith.constant 0 : i32
    %cond3A_16 = arith.cmpi ne, %convert_element_type3A_14, %cond3A_15 : i32
    scf.if %cond3A_16 {
      %mul3A_22 = arith.constant 640 : i32
      %mul3A_23 = arith.muli %arg1, %mul3A_22 : i32
      "tpu.region"() ({
        %run_scoped3A = tpu.sem_alloc : memref<!tpu.dma_semaphore, #tpu.memory_space<semaphore_mem>>
        %dma_start3A = arith.constant 0 : i32
        %dma_start3A_24 = tpu.memref_slice %arg6[%arg0, %mul3A_23, %dma_start3A] : memref<2x10000x128xf32, #tpu.memory_space<hbm>> -> memref<1x640x128xf32, #tpu.memory_space<hbm>>
        %dma_start3A_25 = tpu.memref_squeeze %dma_start3A_24 : memref<1x640x128xf32, #tpu.memory_space<hbm>> -> memref<640x128xf32, #tpu.memory_space<hbm>>
        %dma_start3A_26 = arith.constant 0 : i32
        %dma_start3A_27 = tpu.memref_slice %arg10[%mul3A_23, %dma_start3A_26] : memref<10000x128xf32, #tpu.memory_space<vmem_shared>> -> memref<640x128xf32, #tpu.memory_space<vmem_shared>>
        tpu.enqueue_dma source(%dma_start3A_27 : memref<640x128xf32, #tpu.memory_space<vmem_shared>>) target(%dma_start3A_25 : memref<640x128xf32, #tpu.memory_space<hbm>>) target_semaphore(%run_scoped3A : memref<!tpu.dma_semaphore, #tpu.memory_space<semaphore_mem>>)
        %dma_wait3A = arith.constant 0 : i32
        %dma_wait3A_28 = tpu.memref_slice %arg6[%arg0, %mul3A_23, %dma_wait3A] : memref<2x10000x128xf32, #tpu.memory_space<hbm>> -> memref<1x640x128xf32, #tpu.memory_space<hbm>>
        %dma_wait3A_29 = tpu.memref_squeeze %dma_wait3A_28 : memref<1x640x128xf32, #tpu.memory_space<hbm>> -> memref<640x128xf32, #tpu.memory_space<hbm>>
        %dma_wait3A_30 = arith.constant 0 : i32
        %dma_wait3A_31 = tpu.memref_slice %arg10[%mul3A_23, %dma_wait3A_30] : memref<10000x128xf32, #tpu.memory_space<vmem_shared>> -> memref<640x128xf32, #tpu.memory_space<vmem_shared>>
        tpu.wait_dma2 semaphore(%run_scoped3A : memref<!tpu.dma_semaphore, #tpu.memory_space<semaphore_mem>>) src(%dma_wait3A_31 : memref<640x128xf32, #tpu.memory_space<vmem_shared>>) dst(%dma_wait3A_29 : memref<640x128xf32, #tpu.memory_space<hbm>>)
        tpu.yield
      }) : () -> ()
    } else {
    }
    %eq3A_17 = arith.constant 15 : i32
    %eq3A_18 = arith.cmpi eq, %arg1, %eq3A_17 : i32
    %convert_element_type3A_19 = arith.extui %eq3A_18 : i1 to i32
    %cond3A_20 = arith.constant 0 : i32
    %cond3A_21 = arith.cmpi ne, %convert_element_type3A_19, %cond3A_20 : i32
    scf.if %cond3A_21 {
      "tpu.region"() ({
        %run_scoped3A = tpu.sem_alloc : memref<!tpu.dma_semaphore, #tpu.memory_space<semaphore_mem>>
        %dma_start3A = arith.constant 9600 : i32
        %dma_start3A_22 = arith.constant 0 : i32
        %dma_start3A_23 = tpu.memref_slice %arg6[%arg0, %dma_start3A, %dma_start3A_22] : memref<2x10000x128xf32, #tpu.memory_space<hbm>> -> memref<1x400x128xf32, #tpu.memory_space<hbm>>
        %dma_start3A_24 = tpu.memref_squeeze %dma_start3A_23 : memref<1x400x128xf32, #tpu.memory_space<hbm>> -> memref<400x128xf32, #tpu.memory_space<hbm>>
        %dma_start3A_25 = arith.constant 9600 : i32
        %dma_start3A_26 = arith.constant 0 : i32
        %dma_start3A_27 = tpu.memref_slice %arg10[%dma_start3A_25, %dma_start3A_26] : memref<10000x128xf32, #tpu.memory_space<vmem_shared>> -> memref<400x128xf32, #tpu.memory_space<vmem_shared>>
        tpu.enqueue_dma source(%dma_start3A_27 : memref<400x128xf32, #tpu.memory_space<vmem_shared>>) target(%dma_start3A_24 : memref<400x128xf32, #tpu.memory_space<hbm>>) target_semaphore(%run_scoped3A : memref<!tpu.dma_semaphore, #tpu.memory_space<semaphore_mem>>)
        %dma_wait3A = arith.constant 9600 : i32
        %dma_wait3A_28 = arith.constant 0 : i32
        %dma_wait3A_29 = tpu.memref_slice %arg6[%arg0, %dma_wait3A, %dma_wait3A_28] : memref<2x10000x128xf32, #tpu.memory_space<hbm>> -> memref<1x400x128xf32, #tpu.memory_space<hbm>>
        %dma_wait3A_30 = tpu.memref_squeeze %dma_wait3A_29 : memref<1x400x128xf32, #tpu.memory_space<hbm>> -> memref<400x128xf32, #tpu.memory_space<hbm>>
        %dma_wait3A_31 = arith.constant 9600 : i32
        %dma_wait3A_32 = arith.constant 0 : i32
        %dma_wait3A_33 = tpu.memref_slice %arg10[%dma_wait3A_31, %dma_wait3A_32] : memref<10000x128xf32, #tpu.memory_space<vmem_shared>> -> memref<400x128xf32, #tpu.memory_space<vmem_shared>>
        tpu.wait_dma2 semaphore(%run_scoped3A : memref<!tpu.dma_semaphore, #tpu.memory_space<semaphore_mem>>) src(%dma_wait3A_33 : memref<400x128xf32, #tpu.memory_space<vmem_shared>>) dst(%dma_wait3A_30 : memref<400x128xf32, #tpu.memory_space<hbm>>)
        tpu.yield
      }) : () -> ()
    } else {
    }
    return
  }
}

module attributes {stable_mosaic.version = 14 : i64} {
  func.func @_dinv_body(%arg0: memref<2x2x10240xf32, #tpu.memory_space<vmem>>, %arg1: memref<2x10240xf32, #tpu.memory_space<vmem>>) attributes {dimension_semantics = [], scalar_prefetch = 0 : i64, scratch_operands = 0 : i64, tpu.core_type = #tpu.core_type<tc>} {
    %get3A = arith.constant 0 : index
    %get3A_0 = arith.constant 0 : index
    %get3A_1 = arith.constant 0 : index
    %get3A_2 = vector.load %arg0[%get3A, %get3A_0, %get3A_1] : memref<2x2x10240xf32, #tpu.memory_space<vmem>>, vector<1x2x10240xf32>
    %get3A_3 = vector.shape_cast %get3A_2 : vector<1x2x10240xf32> to vector<2x10240xf32>
    %get3A_4 = arith.constant 1 : index
    %get3A_5 = arith.constant 0 : index
    %get3A_6 = arith.constant 0 : index
    %get3A_7 = vector.load %arg0[%get3A_4, %get3A_5, %get3A_6] : memref<2x2x10240xf32, #tpu.memory_space<vmem>>, vector<1x2x10240xf32>
    %get3A_8 = vector.shape_cast %get3A_7 : vector<1x2x10240xf32> to vector<2x10240xf32>
    %add3A = arith.addf %get3A_3, %get3A_8 : vector<2x10240xf32>
    %add3A_9 = arith.constant 1.000000e+00 : f32
    %add3A_10 = vector.broadcast %add3A_9 : f32 to vector<2x10240xf32>
    %add3A_11 = arith.addf %add3A, %add3A_10 : vector<2x10240xf32>
    %rsqrt3A = math.rsqrt %add3A_11 : vector<2x10240xf32>
    %swap3A = arith.constant 0 : index
    %swap3A_12 = arith.constant 0 : index
    %swap3A_13 = vector.load %arg1[%swap3A, %swap3A_12] : memref<2x10240xf32, #tpu.memory_space<vmem>>, vector<2x10240xf32>
    tpu.vector_store %arg1[%swap3A, %swap3A_12], %rsqrt3A {strides = array<i32>} : memref<2x10240xf32, #tpu.memory_space<vmem>>, vector<2x10240xf32>,
    return
  }
}

module attributes {stable_mosaic.version = 14 : i64} {
  func.func @_m1_body(%arg0: i32, %arg1: memref<1000x1xf32, #tpu.memory_space<vmem>>, %arg2: memref<1000x128xf32, #tpu.memory_space<vmem>>, %arg3: memref<128x128xf32, #tpu.memory_space<vmem>>, %arg4: memref<1000x128xf32, #tpu.memory_space<vmem>>) attributes {dimension_semantics = [#tpu.dimension_semantics<arbitrary>], iteration_bounds = array<i64: 10>, scalar_prefetch = 0 : i64, scratch_operands = 0 : i64, tpu.core_type = #tpu.core_type<tc>, window_params = [{transform_indices = @transform_0, window_bounds = array<i64: 1000, 1>}, {transform_indices = @transform_1, window_bounds = array<i64: 1000, 128>}, {pipeline_mode = #tpu.pipeline_mode<synchronous>, transform_indices = @transform_2, window_bounds = array<i64: 128, 128>}, {transform_indices = @transform_3, window_bounds = array<i64: 1000, 128>}]} {
    %get3A = arith.constant 0 : index
    %get3A_0 = arith.constant 0 : index
    %get3A_1 = vector.load %arg2[%get3A, %get3A_0] : memref<1000x128xf32, #tpu.memory_space<vmem>>, vector<1000x128xf32>
    %get3A_2 = arith.constant 0 : index
    %get3A_3 = arith.constant 0 : index
    %get3A_4 = vector.load %arg1[%get3A_2, %get3A_3] : memref<1000x1xf32, #tpu.memory_space<vmem>>, vector<1000x1xf32>
    %mul3A = vector.broadcast %get3A_4 : vector<1000x1xf32> to vector<1000x128xf32>
    %mul3A_5 = arith.mulf %get3A_1, %mul3A : vector<1000x128xf32>
    %get3A_6 = arith.constant 0 : index
    %get3A_7 = arith.constant 0 : index
    %get3A_8 = vector.load %arg3[%get3A_6, %get3A_7] : memref<128x128xf32, #tpu.memory_space<vmem>>, vector<128x128xf32>
    %dot_general3A = arith.constant dense<0.000000e+00> : vector<1000x128xf32>
    %dot_general3A_9 = tpu.matmul %mul3A_5, %get3A_8, %dot_general3A {dimension_numbers = #tpu.dot_dimension_numbers<[1], [0], [0], [1], [0, 0, 1, 1], [], []>, transpose_lhs_hint = false} : vector<1000x128xf32>, vector<128x128xf32>, vector<1000x128xf32> -> vector<1000x128xf32>
    %swap3A = arith.constant 0 : index
    %swap3A_10 = arith.constant 0 : index
    %swap3A_11 = vector.load %arg4[%swap3A, %swap3A_10] : memref<1000x128xf32, #tpu.memory_space<vmem>>, vector<1000x128xf32>
    tpu.vector_store %arg4[%swap3A, %swap3A_10], %dot_general3A_9 {strides = array<i32>} : memref<1000x128xf32, #tpu.memory_space<vmem>>, vector<1000x128xf32>,
    return
  }
  func.func @transform_0(%arg0: i32) -> (i32, i32) {
    %c0_i32 = arith.constant 0 : i32
    %c0_i32_0 = arith.constant 0 : i32
    return %arg0, %c0_i32 : i32, i32
  }
  func.func @transform_1(%arg0: i32) -> (i32, i32) {
    %c0_i32 = arith.constant 0 : i32
    %c0_i32_0 = arith.constant 0 : i32
    return %arg0, %c0_i32 : i32, i32
  }
  func.func @transform_2(%arg0: i32) -> (i32, i32) {
    %c0_i32 = arith.constant 0 : i32
    %c0_i32_0 = arith.constant 0 : i32
    %c0_i32_1 = arith.constant 0 : i32
    return %c0_i32, %c0_i32_0 : i32, i32
  }
  func.func @transform_3(%arg0: i32) -> (i32, i32) {
    %c0_i32 = arith.constant 0 : i32
    %c0_i32_0 = arith.constant 0 : i32
    return %arg0, %c0_i32 : i32, i32
  }
}

module attributes {stable_mosaic.version = 14 : i64} {
  func.func @_m2_body(%arg0: i32, %arg1: memref<1000x1xf32, #tpu.memory_space<vmem>>, %arg2: memref<2x1000x128xf32, #tpu.memory_space<vmem>>, %arg3: memref<1x128xf32, #tpu.memory_space<vmem>>, %arg4: memref<128x128xf32, #tpu.memory_space<vmem>>, %arg5: memref<1000x128xf32, #tpu.memory_space<vmem>>) attributes {dimension_semantics = [#tpu.dimension_semantics<arbitrary>], iteration_bounds = array<i64: 10>, scalar_prefetch = 0 : i64, scratch_operands = 0 : i64, tpu.core_type = #tpu.core_type<tc>, window_params = [{transform_indices = @transform_0, window_bounds = array<i64: 1000, 1>}, {transform_indices = @transform_1, window_bounds = array<i64: 2, 1000, 128>}, {pipeline_mode = #tpu.pipeline_mode<synchronous>, transform_indices = @transform_2, window_bounds = array<i64: 1, 128>}, {pipeline_mode = #tpu.pipeline_mode<synchronous>, transform_indices = @transform_3, window_bounds = array<i64: 128, 128>}, {transform_indices = @transform_4, window_bounds = array<i64: 1000, 128>}]} {
    %get3A = arith.constant 0 : index
    %get3A_0 = arith.constant 0 : index
    %get3A_1 = arith.constant 0 : index
    %get3A_2 = vector.load %arg2[%get3A, %get3A_0, %get3A_1] : memref<2x1000x128xf32, #tpu.memory_space<vmem>>, vector<1x1000x128xf32>
    %get3A_3 = vector.shape_cast %get3A_2 : vector<1x1000x128xf32> to vector<1000x128xf32>
    %get3A_4 = arith.constant 1 : index
    %get3A_5 = arith.constant 0 : index
    %get3A_6 = arith.constant 0 : index
    %get3A_7 = vector.load %arg2[%get3A_4, %get3A_5, %get3A_6] : memref<2x1000x128xf32, #tpu.memory_space<vmem>>, vector<1x1000x128xf32>
    %get3A_8 = vector.shape_cast %get3A_7 : vector<1x1000x128xf32> to vector<1000x128xf32>
    %add3A = arith.addf %get3A_3, %get3A_8 : vector<1000x128xf32>
    %get3A_9 = arith.constant 0 : index
    %get3A_10 = arith.constant 0 : index
    %get3A_11 = vector.load %arg1[%get3A_9, %get3A_10] : memref<1000x1xf32, #tpu.memory_space<vmem>>, vector<1000x1xf32>
    %mul3A = vector.broadcast %get3A_11 : vector<1000x1xf32> to vector<1000x128xf32>
    %mul3A_12 = arith.mulf %add3A, %mul3A : vector<1000x128xf32>
    %get3A_13 = arith.constant 0 : index
    %get3A_14 = arith.constant 0 : index
    %get3A_15 = vector.load %arg3[%get3A_13, %get3A_14] : memref<1x128xf32, #tpu.memory_space<vmem>>, vector<1x128xf32>
    %add3A_16 = vector.broadcast %get3A_15 : vector<1x128xf32> to vector<1000x128xf32>
    %add3A_17 = arith.addf %mul3A_12, %add3A_16 : vector<1000x128xf32>
    %max3A = arith.constant 0.000000e+00 : f32
    %max3A_18 = vector.broadcast %max3A : f32 to vector<1000x128xf32>
    %max3A_19 = arith.maximumf %add3A_17, %max3A_18 : vector<1000x128xf32>
    %get3A_20 = arith.constant 0 : index
    %get3A_21 = arith.constant 0 : index
    %get3A_22 = vector.load %arg1[%get3A_20, %get3A_21] : memref<1000x1xf32, #tpu.memory_space<vmem>>, vector<1000x1xf32>
    %mul3A_23 = vector.broadcast %get3A_22 : vector<1000x1xf32> to vector<1000x128xf32>
    %mul3A_24 = arith.mulf %max3A_19, %mul3A_23 : vector<1000x128xf32>
    %get3A_25 = arith.constant 0 : index
    %get3A_26 = arith.constant 0 : index
    %get3A_27 = vector.load %arg4[%get3A_25, %get3A_26] : memref<128x128xf32, #tpu.memory_space<vmem>>, vector<128x128xf32>
    %dot_general3A = arith.constant dense<0.000000e+00> : vector<1000x128xf32>
    %dot_general3A_28 = tpu.matmul %mul3A_24, %get3A_27, %dot_general3A {dimension_numbers = #tpu.dot_dimension_numbers<[1], [0], [0], [1], [0, 0, 1, 1], [], []>, transpose_lhs_hint = false} : vector<1000x128xf32>, vector<128x128xf32>, vector<1000x128xf32> -> vector<1000x128xf32>
    %swap3A = arith.constant 0 : index
    %swap3A_29 = arith.constant 0 : index
    %swap3A_30 = vector.load %arg5[%swap3A, %swap3A_29] : memref<1000x128xf32, #tpu.memory_space<vmem>>, vector<1000x128xf32>
    tpu.vector_store %arg5[%swap3A, %swap3A_29], %dot_general3A_28 {strides = array<i32>} : memref<1000x128xf32, #tpu.memory_space<vmem>>, vector<1000x128xf32>,
    return
  }
  func.func @transform_0(%arg0: i32) -> (i32, i32) {
    %c0_i32 = arith.constant 0 : i32
    %c0_i32_0 = arith.constant 0 : i32
    return %arg0, %c0_i32 : i32, i32
  }
  func.func @transform_1(%arg0: i32) -> (i32, i32, i32) {
    %c0_i32 = arith.constant 0 : i32
    %c0_i32_0 = arith.constant 0 : i32
    %c0_i32_1 = arith.constant 0 : i32
    return %c0_i32, %arg0, %c0_i32_0 : i32, i32, i32
  }
  func.func @transform_2(%arg0: i32) -> (i32, i32) {
    %c0_i32 = arith.constant 0 : i32
    %c0_i32_0 = arith.constant 0 : i32
    %c0_i32_1 = arith.constant 0 : i32
    return %c0_i32, %c0_i32_0 : i32, i32
  }
  func.func @transform_3(%arg0: i32) -> (i32, i32) {
    %c0_i32 = arith.constant 0 : i32
    %c0_i32_0 = arith.constant 0 : i32
    %c0_i32_1 = arith.constant 0 : i32
    return %c0_i32, %c0_i32_0 : i32, i32
  }
  func.func @transform_4(%arg0: i32) -> (i32, i32) {
    %c0_i32 = arith.constant 0 : i32
    %c0_i32_0 = arith.constant 0 : i32
    return %arg0, %c0_i32 : i32, i32
  }
}

module attributes {stable_mosaic.version = 14 : i64} {
  func.func @_fin_body(%arg0: i32, %arg1: memref<1000x1xf32, #tpu.memory_space<vmem>>, %arg2: memref<2x1000x128xf32, #tpu.memory_space<vmem>>, %arg3: memref<1x128xf32, #tpu.memory_space<vmem>>, %arg4: memref<1000x128xf32, #tpu.memory_space<vmem>>) attributes {dimension_semantics = [#tpu.dimension_semantics<arbitrary>], iteration_bounds = array<i64: 10>, scalar_prefetch = 0 : i64, scratch_operands = 0 : i64, tpu.core_type = #tpu.core_type<tc>, window_params = [{transform_indices = @transform_0, window_bounds = array<i64: 1000, 1>}, {transform_indices = @transform_1, window_bounds = array<i64: 2, 1000, 128>}, {pipeline_mode = #tpu.pipeline_mode<synchronous>, transform_indices = @transform_2, window_bounds = array<i64: 1, 128>}, {transform_indices = @transform_3, window_bounds = array<i64: 1000, 128>}]} {
    %get3A = arith.constant 0 : index
    %get3A_0 = arith.constant 0 : index
    %get3A_1 = arith.constant 0 : index
    %get3A_2 = vector.load %arg2[%get3A, %get3A_0, %get3A_1] : memref<2x1000x128xf32, #tpu.memory_space<vmem>>, vector<1x1000x128xf32>
    %get3A_3 = vector.shape_cast %get3A_2 : vector<1x1000x128xf32> to vector<1000x128xf32>
    %get3A_4 = arith.constant 1 : index
    %get3A_5 = arith.constant 0 : index
    %get3A_6 = arith.constant 0 : index
    %get3A_7 = vector.load %arg2[%get3A_4, %get3A_5, %get3A_6] : memref<2x1000x128xf32, #tpu.memory_space<vmem>>, vector<1x1000x128xf32>
    %get3A_8 = vector.shape_cast %get3A_7 : vector<1x1000x128xf32> to vector<1000x128xf32>
    %add3A = arith.addf %get3A_3, %get3A_8 : vector<1000x128xf32>
    %get3A_9 = arith.constant 0 : index
    %get3A_10 = arith.constant 0 : index
    %get3A_11 = vector.load %arg1[%get3A_9, %get3A_10] : memref<1000x1xf32, #tpu.memory_space<vmem>>, vector<1000x1xf32>
    %mul3A = vector.broadcast %get3A_11 : vector<1000x1xf32> to vector<1000x128xf32>
    %mul3A_12 = arith.mulf %add3A, %mul3A : vector<1000x128xf32>
    %get3A_13 = arith.constant 0 : index
    %get3A_14 = arith.constant 0 : index
    %get3A_15 = vector.load %arg3[%get3A_13, %get3A_14] : memref<1x128xf32, #tpu.memory_space<vmem>>, vector<1x128xf32>
    %add3A_16 = vector.broadcast %get3A_15 : vector<1x128xf32> to vector<1000x128xf32>
    %add3A_17 = arith.addf %mul3A_12, %add3A_16 : vector<1000x128xf32>
    %swap3A = arith.constant 0 : index
    %swap3A_18 = arith.constant 0 : index
    %swap3A_19 = vector.load %arg4[%swap3A, %swap3A_18] : memref<1000x128xf32, #tpu.memory_space<vmem>>, vector<1000x128xf32>
    tpu.vector_store %arg4[%swap3A, %swap3A_18], %add3A_17 {strides = array<i32>} : memref<1000x128xf32, #tpu.memory_space<vmem>>, vector<1000x128xf32>,
    return
  }
  func.func @transform_0(%arg0: i32) -> (i32, i32) {
    %c0_i32 = arith.constant 0 : i32
    %c0_i32_0 = arith.constant 0 : i32
    return %arg0, %c0_i32 : i32, i32
  }
  func.func @transform_1(%arg0: i32) -> (i32, i32, i32) {
    %c0_i32 = arith.constant 0 : i32
    %c0_i32_0 = arith.constant 0 : i32
    %c0_i32_1 = arith.constant 0 : i32
    return %c0_i32, %arg0, %c0_i32_0 : i32, i32, i32
  }
  func.func @transform_2(%arg0: i32) -> (i32, i32) {
    %c0_i32 = arith.constant 0 : i32
    %c0_i32_0 = arith.constant 0 : i32
    %c0_i32_1 = arith.constant 0 : i32
    return %c0_i32, %c0_i32_0 : i32, i32
  }
  func.func @transform_3(%arg0: i32) -> (i32, i32) {
    %c0_i32 = arith.constant 0 : i32
    %c0_i32_0 = arith.constant 0 : i32
    return %arg0, %c0_i32 : i32, i32
  }
}

</mosaic_0001>

<sc_bundles>
// kernel: kernel.14.cloned.1.call-start
scs
__scs_entry_jumppad:
0x0: {  	(pc) =	sbr.rel $0x88, $3  }
0x1: {  	(tag) =	ssettag $0x0;
	lr =	simm.s32 $0x1  }
0x2: {  	[smem:$0x3F9B] =	sst lr;
	_ =	strace $0xD0000000  }
0x3: {  	_ = 	snop  }
0x4: {  	_ = 	snop  }
0x5: {  	_ = 	snop  }
0x6: {  	_ = 	snop  }
0x7: {  	_ = 	snop  }
__scs_overlays_trampoline_lowered:
0x8: {  	[smem:$0x3FAA] =	sst s0  }
0x9: {  	[smem:$0x3FAB] =	sst s1  }
0xa: {  	[smem:$0x3FAC] =	sst s2  }
0xb: {  	[smem:$0x3FAD] =	sst s3  }
0xc: {  	[smem:$0x3FAE] =	sst s4  }
0xd: {  	[smem:$0x3FAF] =	sst s5  }
0xe: {  	[smem:$0x3FB0] =	sst s6  }
0xf: {  	[smem:$0x3FB1] =	sst s7  }
0x10: {  	[smem:$0x3FB2] =	sst s8  }
0x11: {  	[smem:$0x3FB3] =	sst s9;
	s0 =	simm.s32 @!p0 $0x0  }
0x12: {  	s1 =	sld [smem:$0x3F99];
	s0 =	simm.s32 @p0 $0x1  }
0x13: {  	[smem:$0x3FB4] =	sst s0;
	s0 =	simm.s32 @!p1 $0x0  }
0x14: {  	s2 =	sld [smem:$0x3F98];
	s0 =	simm.s32 @p1 $0x1  }
0x15: {  	[smem:$0x3FB5] =	sst s0;
	s0 =	simm.s32 @!p2 $0x0  }
0x16: {  	s3 =	sld [smem:$0x3FDB];
	s0 =	simm.s32 @p2 $0x1  }
0x17: {  	s4 =	simm.s32 $0x1BF5;
	[smem:$0x3FB7] =	sst s0  }
0x18: {  	s0 =	sld [smem:$0x3F9A];
	_ =	swait.ge [sflag:s4], $0x0  }
0x19: {  	s7 =	sld [smem:$0x3F9B]  }
0x1a: {  	s8 =	sadd.s32 $0xFFFFE003, lr  }
0x1b: {  	s9 =	sadd.s32 $0xFFFFFEF7, lr;
	s5 =	simm.s32 $0xFFFFFFFF;
	p2 =	slt.u32 s8, $0xFFFFF086  }
0x1c: {  	p1 =	slt.u32 s9, $0xF7A;
	s5 =	simm.s32 @!p2 $0x0  }
0x1d: {  	s5 =	simm.s32 @p1 $0x1;
	p0 =	seq.s32 s7, s2  }
0x1e: {  	s7 =	smul.u32 @!p0 $0xF7A, s2;
	p2 =	seq.s32 @!p0 s5, $0x0  }
0x1f: {  	s9 =	smul.u32 $0xF7A, s1;
	s8 =	simm.s32 @!p0 $0x1BF5;
	p2 =	por !p2, p0  }
0x20: {  	[sflag:s8] =	ssyncset.s32 @!p0 $0xFFFFF086;
	s6 =	sadd.s32 @!p0 s3, s7;
	s7 =	simm.s32 @!p0 $0x108  }
0x21: {  	s3 =	sadd.s32 s3, s9;
	s6 =	sadd.s32 @!p0 $0x88, s6;
	s7 =	simm.s32 @p2 $0x1082  }
0x22: {  	[simem:s7], [sflag:s8] =	dma.local @!p0 [hbm:s6], $0xF7A  }
0x23: {  	s9 =	sor.u32 $0xD0000000, s2;
	s6 =	simm.s32 $0x108;
	_ =	swait.ge @!p0 [sflag:s8], $0x0  }
0x24: {  	s3 =	sadd.s32 $0x88, s3;
	s6 =	simm.s32 @!p1 $0x1082;
	[sflag:s4] =	ssyncset.s32 $0xFFFFF086  }
0x25: {  	[simem:s6], [sflag:s4] =	dma.local [hbm:s3], $0xF7A  }
0x26: {  	[smem:$0x3F9B] =	sst s1;
	(tag) =	ssettag s2;
	_ =	strace s9  }
0x27: {  	s1 =	sld [smem:$0x3FAB]  }
0x28: {  	s2 =	sld [smem:$0x3FAC]  }
0x29: {  	s4 =	sld [smem:$0x3FAE]  }
0x2a: {  	p0 =	seq.s32 s5, $0x0;
	s5 =	sld [smem:$0x3FAF]  }
0x2b: {  	s6 =	sld [smem:$0x3FB0]  }
0x2c: {  	s7 =	sld [smem:$0x3FB1]  }
0x2d: {  	s3 =	simm.s32 $0x108;
	s8 =	sld [smem:$0x3FB2]  }
0x2e: {  	s3 =	simm.s32 @!p0 $0x1082;
	s9 =	sld [smem:$0x3FB3]  }
0x2f: {  	lr =	sadd.s32 s0, s3;
	s0 =	sld [smem:$0x3FAA]  }
0x30: {  	s3 =	sld [smem:$0x3FAD]  }
0x31: {  	[smem:$0x3FB6] =	sst s10  }
0x32: {  	s10 =	sld [smem:$0x3FB4];
	_ =	sdelay $0x3  }
0x33: {  	p0 =	seq.s32 s10, $0x1;
	s10 =	sld [smem:$0x3FB6];
	_ =	sdelay $0x3  }
0x34: {  	[smem:$0x3FB6] =	sst s10  }
0x35: {  	s10 =	sld [smem:$0x3FB5];
	_ =	sdelay $0x3  }
0x36: {  	p1 =	seq.s32 s10, $0x1;
	s10 =	sld [smem:$0x3FB6];
	_ =	sdelay $0x3  }
0x37: {  	[smem:$0x3FB6] =	sst s10  }
0x38: {  	s10 =	sld [smem:$0x3FB7]  }
0x39: {  	_ = 	snop;
	(pc) =	sbr.ind lr, $3  }
0x3a: {  	_ = 	snop  }
0x3b: {  	_ = 	snop  }
0x3c: {  	p2 =	seq.s32 s10, $0x1;
	s10 =	sld [smem:$0x3FB6]  }
0x3d: {  	_ =	shalt  }
0x3e: {  	_ =	shalt  }
0x3f: {  	_ =	shalt  }
0x40: {  	_ =	shalt  }
0x41: {  	_ =	shalt  }
0x42: {  	_ =	shalt  }
0x43: {  	_ =	shalt  }
0x44: {  	_ =	shalt  }
0x45: {  	_ =	shalt  }
0x46: {  	_ =	shalt  }
0x47: {  	_ =	shalt  }
0x48: {  	_ =	shalt  }
0x49: {  	_ =	shalt  }
0x4a: {  	_ =	shalt  }
0x4b: {  	_ =	shalt  }
0x4c: {  	_ =	shalt  }
0x4d: {  	_ =	shalt  }
0x4e: {  	_ =	shalt  }
0x4f: {  	_ =	shalt  }
0x50: {  	_ =	shalt  }
0x51: {  	_ =	shalt  }
0x52: {  	_ =	shalt  }
0x53: {  	_ =	shalt  }
0x54: {  	_ =	shalt  }
0x55: {  	_ =	shalt  }
0x56: {  	_ =	shalt  }
0x57: {  	_ =	shalt  }
0x58: {  	_ =	shalt  }
0x59: {  	_ =	shalt  }
0x5a: {  	_ =	shalt  }
0x5b: {  	_ =	shalt  }
0x5c: {  	_ =	shalt  }
0x5d: {  	_ =	shalt  }
0x5e: {  	_ =	shalt  }
0x5f: {  	_ =	shalt  }
0x60: {  	_ =	shalt  }
0x61: {  	_ =	shalt  }
0x62: {  	_ =	shalt  }
0x63: {  	_ =	shalt  }
0x64: {  	_ =	shalt  }
0x65: {  	_ =	shalt  }
0x66: {  	_ =	shalt  }
0x67: {  	_ =	shalt  }
0x68: {  	_ =	shalt  }
0x69: {  	_ =	shalt  }
0x6a: {  	_ =	shalt  }
0x6b: {  	_ =	shalt  }
0x6c: {  	_ =	shalt  }
0x6d: {  	_ =	shalt  }
0x6e: {  	_ =	shalt  }
0x6f: {  	_ =	shalt  }
0x70: {  	_ =	shalt  }
0x71: {  	_ =	shalt  }
0x72: {  	_ =	shalt  }
0x73: {  	_ =	shalt  }
0x74: {  	_ =	shalt  }
0x75: {  	_ =	shalt  }
0x76: {  	_ =	shalt  }
0x77: {  	_ =	shalt  }
0x78: {  	_ =	shalt  }
0x79: {  	_ =	shalt  }
0x7a: {  	_ =	shalt  }
0x7b: {  	_ =	shalt  }
0x7c: {  	_ =	shalt  }
0x7d: {  	_ =	shalt  }
0x7e: {  	_ =	shalt  }
0x7f: {  	_ =	shalt  }
0x80: {  	_ =	shalt  }
0x81: {  	_ =	shalt  }
0x82: {  	_ =	shalt  }
0x83: {  	_ =	shalt  }
0x84: {  	_ =	shalt  }
0x85: {  	_ =	shalt  }
0x86: {  	_ =	shalt  }
0x87: {  	_ =	shalt  }
.Lfunc_end0:
.L_simem_size_0:
called_computation_lowered:
.L_overlay_start_0:
0x88: {  	s2 =	sld [smem:$0x3FD9]  }
0x89: {  	s3 =	sld [smem:$0x3FFE];
	_ =	sdelay $0x1  }
0x8a: {  	s1 =	srdreg.scid  }
0x8b: {  	s0 =	sand.u32 $0x1, s1  }
0x8c: {  	s17 =	sshll.u32 s0, $0xA;
	s2 =	sadd.s32 s3, s2  }
0x8d: {  	s2 =	sadd.s32 s2, s17  }
0x8e: {  	[smem:$0x3FC2] =	sst s2  }
0x8f: {  	_ = 	snop  }
0x90: {  	s2 =	sld [smem:$0x3FD0];
	(tm) =	ssettm $0x1  }
0x91: {  	s18 =	sld [smem:$0x3FFB];
	_ =	sdelay $0x3  }
0x92: {  	_ =	strace s18  }
0x93: {  	s3 =	sld [smem:$0x3FFC];
	_ =	sdelay $0x3  }
0x94: {  	_ =	strace s3  }
0x95: {  	s3 =	sld [smem:$0x3FFD];
	_ =	sdelay $0x3  }
0x96: {  	_ =	strace s3  }
0x97: {  	_ =	strace $0x8FFFFFFF  }
0x98: {  	s19 =	sld [smem:$0x3FDB];
	_ =	sdelay $0x1  }
0x99: {  	s4 =	simm.s32 $_scs_section_size  }
0x9a: {  	s5 =	simm.s32 $_size__tile_overlayer_lowered;
	s6 =	simm.s32 $_tile_overlayer_lowered  }
0x9b: {  	s22 =	simm.s32 $0x1BFF;
	s21 =	sshll.u32 s6, $0x1;
	s3 =	sadd.s32 s4, s19  }
0x9c: {  	s7 =	simm.s32 $0x0;
	s20 =	sshll.u32 s5, $0x1;
	s5 =	sadd.s32 s21, s3  }
0x9d: {  	[timem:s7], [sflag:s22] =	dma.local [hbm:s5], s20  }
0x9e: {  	_ =	swait.ge [sflag:s22], s20  }
0x9f: {  	s4 =	ssub.s32 $0x0, s20;
	[sflag:s22] =	ssyncset.done $0x0  }
0xa0: {  	[sflag:s22] =	ssyncadd.s32 s4;
	_ =	sdelay $0x1  }
0xa1: {  	s23 =	simm.s32 $0x1B8B  }
0xa2: {  	_ =	swait.ge [sflag:s23], $0x1  }
0xa3: {  	[sflag:s23] =	ssyncset.done $0x0  }
0xa4: {  	s25 =	simm.s32 $0x1B8E;
	s24 =	sld [smem:$0x3FFE];
	[sflag:s23] =	ssyncadd.s32 $0xFFFFFFFF  }
0xa5: {  	s26 =	simm.s32 $execute0_lowered;
	[smem:$0x3FD2] =	sst s25  }
0xa6: {  	s5 =	sshll.u32 s26, $0x1;
	_ =	strace $0x80000046;
	[dreg:$0x1] =	wrdreg $0xFFFFFFFF  }
0xa7: {  	s28 =	simm.s32 $_size_execute0_lowered;
	s3 =	sadd.s32 s3, s5;
	[dreg:$0x0] =	wrdreg $0x0  }
0xa8: {  	s5 =	sshll.u32 s28, $0x1;
	[dreg:$0x2] =	wrdreg s3  }
0xa9: {  	[dreg:$0x3] =	wrdreg s5  }
0xaa: {  	[dreg:$0x4] =	wrdreg $0xC0  }
0xab: {  	_ =	task [dreg:s7], $0x5FFFF  }
0xac: {  	[dreg:$0x1] =	wrdreg $0xFFFFFFFF  }
0xad: {  	[dreg:$0x0] =	wrdreg $0x60  }
0xae: {  	[dreg:$0x2] =	wrdreg s2  }
0xaf: {  	[dreg:$0x3] =	wrdreg s24  }
0xb0: {  	[dreg:$0x4] =	wrdreg $0x43000  }
0xb1: {  	[dreg:$0x5] =	wrdreg $0x45800  }
0xb2: {  	[dreg:$0x6] =	wrdreg $0x9  }
0xb3: {  	_ =	task.clear_ibuf [dreg:s7], $0x7FFFF;
	_ =	strace $0x90000046  }
0xb4: {  	s29 =	simm.s32 $0x9;
	_ =	strace $0x80000048  }
0xb5: {  	_ =	swait.ge [sflag:s29], $0x1  }
0xb6: {  	[sflag:s29] =	ssyncadd.s32 $0xFFFFFFFF  }
0xb7: {  	_ =	strace $0x90000048  }
0xb8: {  	_ =	sfence  }
0xb9: {  	s30 =	sld [smem:$0x0];
	_ =	sdelay $0x2  }
0xba: {  	s31 =	sshll.u32 s1, $0xD;
	s1 =	sshrl.u32 s1, $0x2  }
0xbb: {  	s3 =	sand.u32 $0x4000, s31;
	s1 =	sadd.s32 s1, s30  }
0xbc: {  	s0 =	sor.u32 s3, s0;
	s1 =	sshll.u32 s1, $0x11  }
0xbd: {  	s0 =	sor.u32 s1, s0  }
0xbe: {  	s0 =	sadd.s32 $0x8F2B, s0  }
0xbf: {  	[sflag:s0] =	ssyncadd.remote.s32 $0x1  }
0xc0: {  	_ =	sfence.sel $0xFFFF  }
0xc1: {  	[dreg:$0x0] =	wrdreg $0xFFFFFFFF;
	(pc) =	sbr.abs _section_cstart, $3  }
0xc2: {  	[dreg:$0x1] =	wrdreg $0xFFFFFFFF  }
0xc3: {  	_ =	task.clear_ibuf [dreg:s7], $0x2FFFF;
	_ =	strace $0x9FFFFFFF  }
0xc4: {  	(tm) =	ssettm $0x7FFFFFFF  }
0xc5: {  	_ =	shalt  }
tec
execute0_lowered:
.L_overlay_start_1:
0x0: {  	(tag) =	ssettag $0x1  }
0x1: {  	s5 =	rddreg [dreg:$0x0]  }
0x2: {  	s6 =	rddreg [dreg:$0x1]  }
0x3: {  	s2 =	rddreg [dreg:$0x2]  }
0x4: {  	s1 =	srdreg.scid;
	s0 =	stileid.u32  }
0x5: {  	s3 =	rddreg [dreg:$0x3];
	s4 =	simm.s32 $0x0;
	s13 =	simm.s32 $0x1  }
0x6: {  	s14 =	simm.s32 $0x50;
	s15 =	simm.s32 $0x4000;
	s19 =	simm.s32 $0x0  }
0x7: {  	s7 =	sand.u32 $0x1, s1;
	s8 =	smul.u32 $0x280, s0;
	s1 =	rddreg [dreg:$0x4]  }
0x8: {  	[smem:$0x7FF] =	sst s4;
	s11 =	sshll.u32 s0, $0xB;
	s16 =	sshll.u32 s0, $0x6  }
0x9: {  	s9 =	smul.u32 $0x5000, s7;
	_ =	strace $0x80000047;
	s10 =	ssub.s32 $0x2, s7  }
0xa: {  	s7 =	sshll.u32 s7, $0xF;
	s16 =	sor.u32 $0x1C01, s16;
	s12 =	sshrl.u32 s10, $0x1  }
0xb: {  	s7 =	sor.u32 s11, s7;
	s9 =	sadd.s32 s8, s9;
	s12 =	ssub.s32 s10, s12  }
0xc: {  	s5 =	sadd.s32 s5, s7;
	s7 =	sadd.s32 s8, s3;
	s9 =	sshrl.u32 s9, $0x3  }
0xd: {  	s11 =	smax.u32 s12, $0x1;
	s12 =	simm.s32 $0x4080;
	s18 =	sshrl.u32 s7, $0x3  }
0xe: {  	s31 =	sadd.s32 s9, s6;
	s6 =	sadd.s32 s8, s2;
	s8 =	sadd.s32 $0x10000, s5  }
0xf: {  	v0 =	vimm.f32 $1.000000000e+00;
	v1 =	vimm.f32 $0.0e+00;
	s9 =	sadd.s32 $0x2E00, s31;
	s10 =	sadd.s32 $0x3300, s31;
	s17 =	sshrl.u32 s6, $0x3  }
.LBB2_1:
0x10: {  	[tilespmem:$0x4000] =	vst v0  }
0x11: {  	[tilespmem:$0x4010] =	vst v0  }
0x12: {  	[tilespmem:$0x4020] =	vst v0  }
0x13: {  	[tilespmem:$0x4030] =	vst v0  }
0x14: {  	[tilespmem:$0x4040] =	vst v0  }
0x15: {  	[tilespmem:$0x4080] =	vst v1  }
0x16: {  	[tilespmem:$0x4090] =	vst v1  }
0x17: {  	[tilespmem:$0x40A0] =	vst v1  }
0x18: {  	[tilespmem:$0x40B0] =	vst v1  }
0x19: {  	[tilespmem:$0x40C0] =	vst v1  }
0x1a: {  	[tilespmem:$0x40D0] =	vst v1  }
0x1b: {  	[tilespmem:$0x40E0] =	vst v1  }
0x1c: {  	[tilespmem:$0x40F0] =	vst v1  }
0x1d: {  	[tilespmem:$0x4100] =	vst v1  }
0x1e: {  	[tilespmem:$0x4110] =	vst v1  }
0x1f: {  	[tilespmem:$0x4120] =	vst v1  }
0x20: {  	[tilespmem:$0x4130] =	vst v1  }
0x21: {  	[tilespmem:$0x4140] =	vst v1  }
0x22: {  	[tilespmem:$0x4150] =	vst v1  }
0x23: {  	[tilespmem:$0x4160] =	vst v1  }
0x24: {  	[tilespmem:$0x4170] =	vst v1  }
0x25: {  	[tilespmem:$0x4180] =	vst v1  }
0x26: {  	[tilespmem:$0x4190] =	vst v1  }
0x27: {  	[tilespmem:$0x41A0] =	vst v1  }
0x28: {  	[tilespmem:$0x41B0] =	vst v1  }
0x29: {  	[tilespmem:$0x41C0] =	vst v1  }
0x2a: {  	[tilespmem:$0x41D0] =	vst v1  }
0x2b: {  	[tilespmem:$0x41E0] =	vst v1  }
0x2c: {  	[tilespmem:$0x41F0] =	vst v1  }
0x2d: {  	[tilespmem:$0x4200] =	vst v1  }
0x2e: {  	[tilespmem:$0x4210] =	vst v1  }
0x2f: {  	[tilespmem:$0x4220] =	vst v1  }
0x30: {  	[tilespmem:$0x4230] =	vst v1  }
0x31: {  	[tilespmem:$0x4240] =	vst v1  }
0x32: {  	[tilespmem:$0x4250] =	vst v1  }
0x33: {  	[tilespmem:$0x4260] =	vst v1  }
0x34: {  	[tilespmem:$0x4270] =	vst v1  }
0x35: {  	[tilespmem:$0x4280] =	vst v1  }
0x36: {  	[tilespmem:$0x4290] =	vst v1  }
0x37: {  	[tilespmem:$0x42A0] =	vst v1  }
0x38: {  	[tilespmem:$0x42B0] =	vst v1  }
0x39: {  	[tilespmem:$0x42C0] =	vst v1  }
0x3a: {  	[tilespmem:$0x42D0] =	vst v1  }
0x3b: {  	[tilespmem:$0x42E0] =	vst v1  }
0x3c: {  	[tilespmem:$0x42F0] =	vst v1  }
0x3d: {  	[spmem:s6] =	stream.linear.scatter [tilespmem:s12], [sflag:$0x1], $0x280, $0x38;
	[tilespmem:$0x4800] =	vst v63  }
0x3e: {  	_ =	swait.ge [sflag:s13], $0x280  }
0x3f: {  	[sflag:s13] =	ssyncset.done $0x0  }
0x40: {  	[sflag:s13] =	ssyncadd.s32 $0xFFFFFD80  }
0x41: {  	[spmem:s7] =	stream.linear.scatter [tilespmem:s12], [sflag:$0x1], $0x280, $0x38;
	[tilespmem:$0x4800] =	vst v63  }
0x42: {  	_ =	swait.ge [sflag:s13], $0x280  }
0x43: {  	[sflag:s13] =	ssyncset.done $0x0  }
0x44: {  	[sflag:s13] =	ssyncadd.s32 $0xFFFFFD80  }
0x45: {  	[bflag:$0x0] =	sbarrier.arrive $0xFFFF  }
0x46: {  	[tilespmem:s4], [sflag:$0x1] =	stream.linear.gather [hbm4b:s5+s4], $0x3E80, $0x38;
	[tilespmem:$0x4800] =	vst v63  }
0x47: {  	_ =	swait.ge [sflag:s13], $0x3E80  }
0x48: {  	[sflag:s13] =	ssyncset.done $0x0  }
0x49: {  	s20 =	simm.s32 $0x0;
	[sflag:s13] =	ssyncadd.s32 $0xFFFFC180  }
0x4a: {  	[spmem:s2] =	stream.indirect.scatter.add.f32 [tilespmem:s15], [sflag:$0x1], $0x1, s20, s14, $0xb8;
	[tilespmem:$0x4800] =	vst v63  }
0x4b: {  	_ =	swait.ge [sflag:s13], $0x50  }
0x4c: {  	s20 =	simm.s32 $0x200;
	[sflag:s13] =	ssyncset.done $0x0  }
.LBB2_2:
0x4d: {  	s21 =	sshra.s32 s20, $0x2;
	[sflag:s13] =	ssyncadd.s32 $0xFFFFFFB0;
	p0 =	sne.s32 s20, $0xF800  }
0x4e: {  	[spmem:s2] =	stream.indirect.scatter.add.f32 [tilespmem:s15], [sflag:$0x1], $0x1, s21, s14, $0xb8;
	[tilespmem:$0x4800] =	vst v63  }
.Ltmp0:
0x4f: {  	_ = 	snop;
	(pc) =	sbr.rel @p0 .LBB2_2-.Ltmp0, $4  }
0x50: {  	_ = 	snop  }
0x51: {  	s20 =	sadd.s32 $0x200, s20  }
0x52: {  	_ =	swait.ge [sflag:s13], $0x50  }
0x53: {  	[sflag:s13] =	ssyncset.done $0x0  }
0x54: {  	[sflag:s13] =	ssyncadd.s32 $0xFFFFFFB0;
	s20 =	simm.s32 $0x0  }
0x55: {  	[tilespmem:s20], [sflag:$0x1] =	stream.linear.gather [hbm4b:s8+s20], $0x3E80, $0x38;
	[tilespmem:$0x4800] =	vst v63  }
0x56: {  	_ =	swait.ge [sflag:s13], $0x3E80  }
0x57: {  	[sflag:s13] =	ssyncset.done $0x0  }
0x58: {  	s31 =	simm.s32 $0x0;
	[sflag:s13] =	ssyncadd.s32 $0xFFFFC180  }
0x59: {  	[spmem:s3] =	stream.indirect.scatter.add.f32 [tilespmem:s15], [sflag:$0x1], $0x1, s31, s14, $0xb8;
	[tilespmem:$0x4800] =	vst v63  }
0x5a: {  	_ =	swait.ge [sflag:s13], $0x50  }
0x5b: {  	s20 =	simm.s32 $0x200;
	[sflag:s13] =	ssyncset.done $0x0  }
.LBB2_4:
0x5c: {  	s21 =	sshra.s32 s20, $0x2;
	[sflag:s13] =	ssyncadd.s32 $0xFFFFFFB0;
	p0 =	sne.s32 s20, $0xF800  }
0x5d: {  	[spmem:s3] =	stream.indirect.scatter.add.f32 [tilespmem:s15], [sflag:$0x1], $0x1, s21, s14, $0xb8;
	[tilespmem:$0x4800] =	vst v63  }
.Ltmp1:
0x5e: {  	_ = 	snop;
	(pc) =	sbr.rel @p0 .LBB2_4-.Ltmp1, $4  }
0x5f: {  	_ = 	snop  }
0x60: {  	s20 =	sadd.s32 $0x200, s20  }
0x61: {  	_ =	swait.ge [sflag:s13], $0x50  }
0x62: {  	[sflag:s13] =	ssyncset.done $0x0  }
0x63: {  	[sflag:s13] =	ssyncadd.s32 $0xFFFFFFB0  }
0x64: {  	[bflag:$0x0] =	sbarrier.arrive $0xFFFF  }
0x65: {  	[hbm:s9], [sflag:s16] =	dma.local [spmem:s17], $0x50  }
0x66: {  	s19 =	sadd.s32 $0x1, s19;
	_ =	swait.ge [sflag:s13], $0x50  }
0x67: {  	p0 =	sne.s32 s19, s11;
	[sflag:s13] =	ssyncset.done $0x0  }
.Ltmp2:
0x68: {  	[sflag:s13] =	ssyncadd.s32 $0xFFFFFFB0;
	(pc) =	sbr.rel @p0 .LBB2_1-.Ltmp2, $4  }
0x69: {  	[hbm:s10], [sflag:s16] =	dma.local [spmem:s18], $0x50  }
0x6a: {  	_ =	swait.ge [sflag:s13], $0x50  }
0x6b: {  	[sflag:s13] =	ssyncset.done $0x0  }
0x6c: {  	[sflag:s13] =	ssyncadd.s32 $0xFFFFFFB0  }
0x6d: {  	_ =	sfence.sel $0x180000  }
0x6e: {  	[bflag:$0x0] =	sbarrier.arrive $0xFFFF  }
0x6f: {  	p0 =	sne.s32 s0, $0x0;
	_ =	strace $0x90000047  }
0x70: {  	s0 =	sadd.s32 @!p0 $0x100000, s1;
	[bflag:$0x2] =	sbarrier.arrive $0xFFFF  }
0x71: {  	[sflag:s0] =	ssyncadd.tile.s32 @!p0 $0x1;
	_ =	shalt  }
.Lfunc_end2:
_tile_overlayer_lowered:
.L_overlay_start_2:
0x72: {  	(tag) =	ssettag $0x2  }
0x73: {  	s0 =	rddreg [dreg:$0x0];
	s2 =	stileid.u32  }
0x74: {  	s1 =	rddreg [dreg:$0x1];
	p0 =	sne.s32 s2, $0x0  }
0x75: {  	s3 =	rddreg [dreg:$0x2];
	[bflag:$0x3] =	sbarrier.arrive $0xFFFF;
	s2 =	simm.s32 @!p0 $0x1C01  }
0x76: {  	[timem:s3], [sflag:s2] =	dma.local @!p0 [hbm:s0], s1  }
0x77: {  	s0 =	simm.s32 @!p0 $0x1  }
0x78: {  	_ =	swait.ge @!p0 [sflag:s0], s1  }
0x79: {  	s1 =	ssub.s32 @!p0 $0x0, s1;
	[sflag:s0] =	ssyncset.done @!p0 $0x0  }
0x7a: {  	[sflag:s0] =	ssyncadd.s32 @!p0 s1  }
0x7b: {  	[bflag:$0x3] =	sbarrier.arrive $0xFFFF  }
0x7c: {  	_ =	shalt  }

// kernel: kernel.17.cloned.1.call-start
scs
__scs_entry_jumppad:
0x0: {  	(pc) =	sbr.rel $0x88, $3  }
0x1: {  	(tag) =	ssettag $0x0;
	lr =	simm.s32 $0x1  }
0x2: {  	[smem:$0x3F9B] =	sst lr;
	_ =	strace $0xD0000000  }
0x3: {  	_ = 	snop  }
0x4: {  	_ = 	snop  }
0x5: {  	_ = 	snop  }
0x6: {  	_ = 	snop  }
0x7: {  	_ = 	snop  }
__scs_overlays_trampoline_lowered:
0x8: {  	[smem:$0x3FAA] =	sst s0  }
0x9: {  	[smem:$0x3FAB] =	sst s1  }
0xa: {  	[smem:$0x3FAC] =	sst s2  }
0xb: {  	[smem:$0x3FAD] =	sst s3  }
0xc: {  	[smem:$0x3FAE] =	sst s4  }
0xd: {  	[smem:$0x3FAF] =	sst s5  }
0xe: {  	[smem:$0x3FB0] =	sst s6  }
0xf: {  	[smem:$0x3FB1] =	sst s7  }
0x10: {  	[smem:$0x3FB2] =	sst s8  }
0x11: {  	[smem:$0x3FB3] =	sst s9;
	s0 =	simm.s32 @!p0 $0x0  }
0x12: {  	s1 =	sld [smem:$0x3F99];
	s0 =	simm.s32 @p0 $0x1  }
0x13: {  	[smem:$0x3FB4] =	sst s0;
	s0 =	simm.s32 @!p1 $0x0  }
0x14: {  	s2 =	sld [smem:$0x3F98];
	s0 =	simm.s32 @p1 $0x1  }
0x15: {  	[smem:$0x3FB5] =	sst s0;
	s0 =	simm.s32 @!p2 $0x0  }
0x16: {  	s3 =	sld [smem:$0x3FDB];
	s0 =	simm.s32 @p2 $0x1  }
0x17: {  	s4 =	simm.s32 $0x1BF5;
	[smem:$0x3FB7] =	sst s0  }
0x18: {  	s0 =	sld [smem:$0x3F9A];
	_ =	swait.ge [sflag:s4], $0x0  }
0x19: {  	s7 =	sld [smem:$0x3F9B]  }
0x1a: {  	s8 =	sadd.s32 $0xFFFFE003, lr  }
0x1b: {  	s9 =	sadd.s32 $0xFFFFFEF7, lr;
	s5 =	simm.s32 $0xFFFFFFFF;
	p2 =	slt.u32 s8, $0xFFFFF086  }
0x1c: {  	p1 =	slt.u32 s9, $0xF7A;
	s5 =	simm.s32 @!p2 $0x0  }
0x1d: {  	s5 =	simm.s32 @p1 $0x1;
	p0 =	seq.s32 s7, s2  }
0x1e: {  	s7 =	smul.u32 @!p0 $0xF7A, s2;
	p2 =	seq.s32 @!p0 s5, $0x0  }
0x1f: {  	s9 =	smul.u32 $0xF7A, s1;
	s8 =	simm.s32 @!p0 $0x1BF5;
	p2 =	por !p2, p0  }
0x20: {  	[sflag:s8] =	ssyncset.s32 @!p0 $0xFFFFF086;
	s6 =	sadd.s32 @!p0 s3, s7;
	s7 =	simm.s32 @!p0 $0x108  }
0x21: {  	s3 =	sadd.s32 s3, s9;
	s6 =	sadd.s32 @!p0 $0x88, s6;
	s7 =	simm.s32 @p2 $0x1082  }
0x22: {  	[simem:s7], [sflag:s8] =	dma.local @!p0 [hbm:s6], $0xF7A  }
0x23: {  	s9 =	sor.u32 $0xD0000000, s2;
	s6 =	simm.s32 $0x108;
	_ =	swait.ge @!p0 [sflag:s8], $0x0  }
0x24: {  	s3 =	sadd.s32 $0x88, s3;
	s6 =	simm.s32 @!p1 $0x1082;
	[sflag:s4] =	ssyncset.s32 $0xFFFFF086  }
0x25: {  	[simem:s6], [sflag:s4] =	dma.local [hbm:s3], $0xF7A  }
0x26: {  	[smem:$0x3F9B] =	sst s1;
	(tag) =	ssettag s2;
	_ =	strace s9  }
0x27: {  	s1 =	sld [smem:$0x3FAB]  }
0x28: {  	s2 =	sld [smem:$0x3FAC]  }
0x29: {  	s4 =	sld [smem:$0x3FAE]  }
0x2a: {  	p0 =	seq.s32 s5, $0x0;
	s5 =	sld [smem:$0x3FAF]  }
0x2b: {  	s6 =	sld [smem:$0x3FB0]  }
0x2c: {  	s7 =	sld [smem:$0x3FB1]  }
0x2d: {  	s3 =	simm.s32 $0x108;
	s8 =	sld [smem:$0x3FB2]  }
0x2e: {  	s3 =	simm.s32 @!p0 $0x1082;
	s9 =	sld [smem:$0x3FB3]  }
0x2f: {  	lr =	sadd.s32 s0, s3;
	s0 =	sld [smem:$0x3FAA]  }
0x30: {  	s3 =	sld [smem:$0x3FAD]  }
0x31: {  	[smem:$0x3FB6] =	sst s10  }
0x32: {  	s10 =	sld [smem:$0x3FB4];
	_ =	sdelay $0x3  }
0x33: {  	p0 =	seq.s32 s10, $0x1;
	s10 =	sld [smem:$0x3FB6];
	_ =	sdelay $0x3  }
0x34: {  	[smem:$0x3FB6] =	sst s10  }
0x35: {  	s10 =	sld [smem:$0x3FB5];
	_ =	sdelay $0x3  }
0x36: {  	p1 =	seq.s32 s10, $0x1;
	s10 =	sld [smem:$0x3FB6];
	_ =	sdelay $0x3  }
0x37: {  	[smem:$0x3FB6] =	sst s10  }
0x38: {  	s10 =	sld [smem:$0x3FB7]  }
0x39: {  	_ = 	snop;
	(pc) =	sbr.ind lr, $3  }
0x3a: {  	_ = 	snop  }
0x3b: {  	_ = 	snop  }
0x3c: {  	p2 =	seq.s32 s10, $0x1;
	s10 =	sld [smem:$0x3FB6]  }
0x3d: {  	_ =	shalt  }
0x3e: {  	_ =	shalt  }
0x3f: {  	_ =	shalt  }
0x40: {  	_ =	shalt  }
0x41: {  	_ =	shalt  }
0x42: {  	_ =	shalt  }
0x43: {  	_ =	shalt  }
0x44: {  	_ =	shalt  }
0x45: {  	_ =	shalt  }
0x46: {  	_ =	shalt  }
0x47: {  	_ =	shalt  }
0x48: {  	_ =	shalt  }
0x49: {  	_ =	shalt  }
0x4a: {  	_ =	shalt  }
0x4b: {  	_ =	shalt  }
0x4c: {  	_ =	shalt  }
0x4d: {  	_ =	shalt  }
0x4e: {  	_ =	shalt  }
0x4f: {  	_ =	shalt  }
0x50: {  	_ =	shalt  }
0x51: {  	_ =	shalt  }
0x52: {  	_ =	shalt  }
0x53: {  	_ =	shalt  }
0x54: {  	_ =	shalt  }
0x55: {  	_ =	shalt  }
0x56: {  	_ =	shalt  }
0x57: {  	_ =	shalt  }
0x58: {  	_ =	shalt  }
0x59: {  	_ =	shalt  }
0x5a: {  	_ =	shalt  }
0x5b: {  	_ =	shalt  }
0x5c: {  	_ =	shalt  }
0x5d: {  	_ =	shalt  }
0x5e: {  	_ =	shalt  }
0x5f: {  	_ =	shalt  }
0x60: {  	_ =	shalt  }
0x61: {  	_ =	shalt  }
0x62: {  	_ =	shalt  }
0x63: {  	_ =	shalt  }
0x64: {  	_ =	shalt  }
0x65: {  	_ =	shalt  }
0x66: {  	_ =	shalt  }
0x67: {  	_ =	shalt  }
0x68: {  	_ =	shalt  }
0x69: {  	_ =	shalt  }
0x6a: {  	_ =	shalt  }
0x6b: {  	_ =	shalt  }
0x6c: {  	_ =	shalt  }
0x6d: {  	_ =	shalt  }
0x6e: {  	_ =	shalt  }
0x6f: {  	_ =	shalt  }
0x70: {  	_ =	shalt  }
0x71: {  	_ =	shalt  }
0x72: {  	_ =	shalt  }
0x73: {  	_ =	shalt  }
0x74: {  	_ =	shalt  }
0x75: {  	_ =	shalt  }
0x76: {  	_ =	shalt  }
0x77: {  	_ =	shalt  }
0x78: {  	_ =	shalt  }
0x79: {  	_ =	shalt  }
0x7a: {  	_ =	shalt  }
0x7b: {  	_ =	shalt  }
0x7c: {  	_ =	shalt  }
0x7d: {  	_ =	shalt  }
0x7e: {  	_ =	shalt  }
0x7f: {  	_ =	shalt  }
0x80: {  	_ =	shalt  }
0x81: {  	_ =	shalt  }
0x82: {  	_ =	shalt  }
0x83: {  	_ =	shalt  }
0x84: {  	_ =	shalt  }
0x85: {  	_ =	shalt  }
0x86: {  	_ =	shalt  }
0x87: {  	_ =	shalt  }
.Lfunc_end0:
.L_simem_size_0:
called_computation.1_lowered:
.L_overlay_start_0:
0x88: {  	s2 =	sld [smem:$0x3FD9]  }
0x89: {  	s3 =	sld [smem:$0x3FFE];
	_ =	sdelay $0x1  }
0x8a: {  	s1 =	srdreg.scid  }
0x8b: {  	s0 =	sand.u32 $0x1, s1  }
0x8c: {  	s17 =	sshll.u32 s0, $0xA;
	s2 =	sadd.s32 s3, s2  }
0x8d: {  	s2 =	sadd.s32 s2, s17  }
0x8e: {  	[smem:$0x3FC2] =	sst s2  }
0x8f: {  	_ = 	snop  }
0x90: {  	s18 =	sld [smem:$0x3FD0];
	(tm) =	ssettm $0x1  }
0x91: {  	s19 =	sld [smem:$0x3FFB];
	_ =	sdelay $0x3  }
0x92: {  	_ =	strace s19  }
0x93: {  	s2 =	sld [smem:$0x3FFC];
	_ =	sdelay $0x3  }
0x94: {  	_ =	strace s2  }
0x95: {  	s2 =	sld [smem:$0x3FFD];
	_ =	sdelay $0x3  }
0x96: {  	_ =	strace s2  }
0x97: {  	_ =	strace $0x8FFFFFFF  }
0x98: {  	s20 =	sld [smem:$0x3FDB];
	_ =	sdelay $0x1  }
0x99: {  	s4 =	simm.s32 $_scs_section_size  }
0x9a: {  	s5 =	simm.s32 $_size__tile_overlayer_lowered;
	s6 =	simm.s32 $_tile_overlayer_lowered  }
0x9b: {  	s7 =	simm.s32 $0x1BFF;
	s21 =	sshll.u32 s6, $0x1;
	s4 =	sadd.s32 s4, s20  }
0x9c: {  	s22 =	simm.s32 $0x0;
	s5 =	sshll.u32 s5, $0x1;
	s6 =	sadd.s32 s21, s4  }
0x9d: {  	[timem:s22], [sflag:s7] =	dma.local [hbm:s6], s5  }
0x9e: {  	_ =	swait.ge [sflag:s7], s5  }
0x9f: {  	s5 =	ssub.s32 $0x0, s5;
	[sflag:s7] =	ssyncset.done $0x0  }
0xa0: {  	[sflag:s7] =	ssyncadd.s32 s5;
	_ =	sdelay $0x1  }
0xa1: {  	s23 =	simm.s32 $0x1B8B  }
0xa2: {  	_ =	swait.ge [sflag:s23], $0x1  }
0xa3: {  	[sflag:s23] =	ssyncset.done $0x0  }
0xa4: {  	[sflag:s23] =	ssyncadd.s32 $0xFFFFFFFF  }
0xa5: {  	s5 =	sld [smem:$0x0]  }
0xa6: {  	s6 =	sand.u32 $0xFFFFFFFE, s1  }
0xa7: {  	p0 =	sne.s32 s1, s6  }
0xa8: {  	s6 =	sshll.u32 @p0 s6, $0xE  }
0xa9: {  	s6 =	sadd.s32 @p0 $0x11B8D, s6;
	s7 =	sshll.u32 @p0 s5, $0x11  }
0xaa: {  	s6 =	sor.u32 @p0 s7, s6  }
0xab: {  	[sflag:s6] =	ssyncadd.remote.s32 @p0 $0x1;
	_ =	sdelay $0x1  }
0xac: {  	s6 =	simm.s32 @p0 $0x1B8D  }
0xad: {  	_ =	swait.eq @p0 [sflag:s6], $0x1  }
0xae: {  	[sflag:s6] =	ssyncadd.s32 @p0 $0xFFFFFFFF  }
0xaf: {  	s7 =	sshll.u32 @!p0 s1, $0xE  }
0xb0: {  	s7 =	sor.u32 @!p0 $0x4000, s7;
	s6 =	simm.s32 @!p0 $0x1B8D  }
0xb1: {  	s5 =	sshll.u32 @!p0 s5, $0x11;
	s7 =	sadd.s32 @!p0 $0x11B8D, s7;
	_ =	swait.eq @!p0 [sflag:s6], $0x1  }
0xb2: {  	s5 =	sor.u32 @!p0 s5, s7;
	[sflag:s6] =	ssyncadd.s32 @!p0 $0xFFFFFFFF  }
0xb3: {  	s25 =	simm.s32 $0x1B8E;
	s24 =	sld [smem:$0x3FFE];
	[sflag:s5] =	ssyncadd.remote.s32 @!p0 $0x1  }
0xb4: {  	s26 =	simm.s32 $execute0_lowered;
	[smem:$0x3FD2] =	sst s25  }
0xb5: {  	s6 =	sshll.u32 s26, $0x1;
	_ =	strace $0x8000004C;
	[dreg:$0x1] =	wrdreg $0xFFFFFFFF  }
0xb6: {  	s28 =	simm.s32 $_size_execute0_lowered;
	s4 =	sadd.s32 s4, s6;
	[dreg:$0x0] =	wrdreg $0x0  }
0xb7: {  	s6 =	sshll.u32 s28, $0x1;
	[dreg:$0x2] =	wrdreg s4  }
0xb8: {  	[dreg:$0x3] =	wrdreg s6  }
0xb9: {  	[dreg:$0x4] =	wrdreg $0xC0  }
0xba: {  	_ =	task [dreg:s22], $0x5FFFF  }
0xbb: {  	[dreg:$0x1] =	wrdreg $0xFFFFFFFF  }
0xbc: {  	[dreg:$0x0] =	wrdreg $0x60  }
0xbd: {  	[dreg:$0x2] =	wrdreg s24  }
0xbe: {  	[dreg:$0x3] =	wrdreg s18  }
0xbf: {  	[dreg:$0x4] =	wrdreg $0xA8000  }
0xc0: {  	[dreg:$0x5] =	wrdreg $0x9  }
0xc1: {  	_ =	task.clear_ibuf [dreg:s22], $0x6FFFF;
	_ =	strace $0x9000004C  }
0xc2: {  	s29 =	simm.s32 $0x9;
	_ =	strace $0x8000004E  }
0xc3: {  	_ =	swait.ge [sflag:s29], $0x1  }
0xc4: {  	[sflag:s29] =	ssyncadd.s32 $0xFFFFFFFF  }
0xc5: {  	_ =	strace $0x9000004E  }
0xc6: {  	_ =	sfence  }
0xc7: {  	s30 =	sld [smem:$0x0];
	_ =	sdelay $0x2  }
0xc8: {  	s31 =	sshll.u32 s1, $0xD;
	s1 =	sshrl.u32 s1, $0x2  }
0xc9: {  	s4 =	sand.u32 $0x4000, s31;
	s1 =	sadd.s32 s1, s30  }
0xca: {  	s0 =	sor.u32 s4, s0;
	s1 =	sshll.u32 s1, $0x11  }
0xcb: {  	s0 =	sor.u32 s1, s0  }
0xcc: {  	s0 =	sadd.s32 $0x8F2B, s0  }
0xcd: {  	[sflag:s0] =	ssyncadd.remote.s32 $0x1  }
0xce: {  	_ =	sfence.sel $0xFFFF  }
0xcf: {  	[dreg:$0x0] =	wrdreg $0xFFFFFFFF;
	(pc) =	sbr.abs _section_cstart, $3  }
0xd0: {  	[dreg:$0x1] =	wrdreg $0xFFFFFFFF  }
0xd1: {  	_ =	task.clear_ibuf [dreg:s22], $0x2FFFF;
	_ =	strace $0x9FFFFFFF  }
0xd2: {  	(tm) =	ssettm $0x7FFFFFFF  }
0xd3: {  	_ =	shalt  }
tec
execute0_lowered:
.L_overlay_start_1:
0x0: {  	(tag) =	ssettag $0x1  }
0x1: {  	s10 =	rddreg [dreg:$0x0]  }
0x2: {  	s13 =	rddreg [dreg:$0x1]  }
0x3: {  	s2 =	rddreg [dreg:$0x2]  }
0x4: {  	s0 =	rddreg [dreg:$0x3];
	s3 =	simm.s32 $0x0  }
0x5: {  	s1 =	stileid.u32;
	s5 =	srdreg.scid;
	s22 =	simm.s32 $0x1  }
0x6: {  	s23 =	simm.s32 $0x4000;
	s24 =	simm.s32 $0x50;
	s25 =	simm.s32 $0x8000  }
0x7: {  	s26 =	simm.s32 $0x0;
	[smem:$0x7FF] =	sst s3;
	s7 =	smul.u32 $0x2800, s1  }
0x8: {  	s4 =	sadd.s32 $0xE0800, s10;
	s17 =	sand.u32 $0x1, s5;
	s30 =	smul.u32 $0x50000, s1  }
0x9: {  	s9 =	sshll.u32 s1, $0xB;
	s16 =	smul.u32 $0x14000, s1;
	p0 =	seq.s32 s1, $0xF  }
0xa: {  	_ =	strace $0x8000004D;
	s8 =	sshll.u32 s17, $0xF;
	s11 =	ssub.s32 $0x2, s17  }
0xb: {  	s14 =	smul.u32 $0x138800, s17;
	p2 =	sne.s32 @p0 s17, $0x0;
	p4 =	sne.s32 @!p0 s17, $0x0  }
0xc: {  	s6 =	sadd.s32 s7, s10;
	s8 =	sor.u32 s9, s8;
	s31 =	sshrl.u32 s11, $0x1  }
0xd: {  	s5 =	sshrl.u32 s30, $0x2;
	s7 =	sadd.s32 s4, s7;
	s9 =	sadd.s32 $0x70C00, s10  }
0xe: {  	p1 =	por !p2, !p0;
	p2 =	por p2, !p0;
	p3 =	por !p4, p0  }
0xf: {  	p4 =	por p4, p0;
	s12 =	sadd.s32 s8, s10;
	s15 =	ssub.s32 s11, s31  }
0x10: {  	s5 =	sadd.s32 s5, s2;
	s6 =	sadd.s32 $0x4B400, s6;
	s8 =	sadd.s32 $0x12C000, s2  }
0x11: {  	s10 =	sadd.s32 $0x106000, s10;
	s16 =	sadd.s32 s16, s14;
	s14 =	sshrl.u32 s14, $0x3  }
0x12: {  	s18 =	sshll.u32 @!p3 s1, $0x6;
	s20 =	sshll.u32 @!p4 s1, $0x6;
	s11 =	sadd.s32 $0xC0800, s12  }
0x13: {  	s12 =	sadd.s32 $0xD0800, s12;
	s16 =	sshrl.u32 s16, $0x3;
	s14 =	sadd.s32 s13, s14  }
0x14: {  	s15 =	smax.u32 s15, $0x1;
	s17 =	sshrl.u32 @!p2 s8, $0x3;
	s18 =	sor.u32 @!p3 $0x1C01, s18  }
0x15: {  	s19 =	sshrl.u32 @!p3 s5, $0x3;
	s20 =	sor.u32 @!p4 $0x1C01, s20;
	s21 =	sshrl.u32 @!p4 s5, $0x3  }
0x16: {  	s13 =	sadd.s32 s13, s16;
	s14 =	sadd.s32 $0x25800, s14;
	s16 =	sshrl.u32 @!p1 s8, $0x3  }
.LBB2_1:
0x17: {  	s28 =	simm.s32 @!p1 $0x1FC1  }
0x18: {  	[spmem:s16], [sflag:s28] =	dma.local @!p1 [hbm:s9], $0x1900  }
0x19: {  	s28 =	simm.s32 @!p1 $0x1  }
0x1a: {  	_ =	swait.ge @!p1 [sflag:s28], $0x1900  }
0x1b: {  	[sflag:s28] =	ssyncset.done @!p1 $0x0  }
0x1c: {  	[sflag:s28] =	ssyncadd.s32 @!p1 $0xFFFFE700;
	s28 =	simm.s32 @!p2 $0x1FC1  }
0x1d: {  	[spmem:s17], [sflag:s28] =	dma.local @!p2 [hbm:s10], $0x1900  }
0x1e: {  	s28 =	simm.s32 @!p2 $0x1  }
0x1f: {  	_ =	swait.ge @!p2 [sflag:s28], $0x1900  }
0x20: {  	[sflag:s28] =	ssyncset.done @!p2 $0x0  }
0x21: {  	[sflag:s28] =	ssyncadd.s32 @!p2 $0xFFFFE700;
	s28 =	simm.s32 @!p3 $0x1  }
0x22: {  	[spmem:s19], [sflag:s18] =	dma.local @!p3 [hbm:s6], $0x2800  }
0x23: {  	_ =	swait.ge @!p3 [sflag:s28], $0x2800  }
0x24: {  	[sflag:s28] =	ssyncset.done @!p3 $0x0  }
0x25: {  	[sflag:s28] =	ssyncadd.s32 @!p3 $0xFFFFD800;
	s28 =	simm.s32 @!p4 $0x1  }
0x26: {  	[spmem:s21], [sflag:s20] =	dma.local @!p4 [hbm:s7], $0x2800  }
0x27: {  	_ =	swait.ge @!p4 [sflag:s28], $0x2800  }
0x28: {  	[sflag:s28] =	ssyncset.done @!p4 $0x0  }
0x29: {  	[sflag:s28] =	ssyncadd.s32 @!p4 $0xFFFFD800  }
0x2a: {  	[tilespmem:s3], [sflag:$0x1] =	stream.linear.gather [hbm4b:s11+s3], $0x3E80, $0x38;
	[tilespmem:$0x1E080] =	vst v63  }
0x2b: {  	_ =	swait.ge [sflag:s22], $0x3E80  }
0x2c: {  	[sflag:s22] =	ssyncset.done $0x0  }
0x2d: {  	[sflag:s22] =	ssyncadd.s32 $0xFFFFC180  }
0x2e: {  	[tilespmem:s23], [sflag:$0x1] =	stream.linear.gather [hbm4b:s12+s3], $0x3E80, $0x38;
	[tilespmem:$0x1E080] =	vst v63  }
0x2f: {  	_ =	swait.ge [sflag:s22], $0x3E80  }
0x30: {  	[sflag:s22] =	ssyncset.done $0x0  }
0x31: {  	[sflag:s22] =	ssyncadd.s32 $0xFFFFC180  }
0x32: {  	s28 =	simm.s32 $0x0;
	[bflag:$0x0] =	sbarrier.arrive $0xFFFF  }
0x33: {  	[tilespmem:s25], [sflag:$0x1] =	stream.indirect.gather [hbm4b:s4+s24], $0x80, s28, s24, $0xb8;
	[tilespmem:$0x1E080] =	vst v63  }
0x34: {  	_ =	swait.ge [sflag:s22], $0x2800  }
0x35: {  	[sflag:s22] =	ssyncset.done $0x0  }
0x36: {  	s28 =	simm.s32 $0x4000;
	[sflag:s22] =	ssyncadd.s32 $0xFFFFD800  }
0x37: {  	[spmem:s2] =	stream.indirect.scatter.add.f32 [tilespmem:s25], [sflag:$0x1], $0x80, s28, s24, $0xb8;
	[tilespmem:$0x1E080] =	vst v63  }
0x38: {  	_ =	swait.ge [sflag:s22], $0x2800  }
0x39: {  	s29 =	simm.s32 $0x400;
	s28 =	simm.s32 $0x200;
	[sflag:s22] =	ssyncset.done $0x0  }
.LBB2_2:
0x3a: {  	s30 =	sshra.s32 s28, $0x2  }
0x3b: {  	[sflag:s22] =	ssyncadd.s32 $0xFFFFD800;
	s28 =	smov.u32 s29;
	s31 =	sadd.s32 $0x200, s29  }
0x3c: {  	[tilespmem:s25], [sflag:$0x1] =	stream.indirect.gather [hbm4b:s4+s24], $0x80, s30, s24, $0xb8;
	[tilespmem:$0x1E080] =	vst v63  }
0x3d: {  	p5 =	sne.s32 s29, $0xF800;
	_ =	swait.ge [sflag:s22], $0x2800  }
.Ltmp0:
0x3e: {  	[sflag:s22] =	ssyncset.done $0x0;
	(pc) =	sbr.rel @p5 .LBB2_2-.Ltmp0, $4  }
0x3f: {  	s29 =	sadd.s32 $0x4000, s30;
	[sflag:s22] =	ssyncadd.s32 $0xFFFFD800  }
0x40: {  	[spmem:s2] =	stream.indirect.scatter.add.f32 [tilespmem:s25], [sflag:$0x1], $0x80, s29, s24, $0xb8;
	[tilespmem:$0x1E080] =	vst v63  }
0x41: {  	_ =	swait.ge [sflag:s22], $0x2800  }
0x42: {  	s29 =	smov.u32 s31;
	[sflag:s22] =	ssyncset.done $0x0  }
0x43: {  	s28 =	sshra.s32 s28, $0x2;
	[sflag:s22] =	ssyncadd.s32 $0xFFFFD800  }
0x44: {  	[tilespmem:s25], [sflag:$0x1] =	stream.indirect.gather [hbm4b:s4+s24], $0x80, s28, s24, $0xb8;
	[tilespmem:$0x1E080] =	vst v63  }
0x45: {  	_ =	swait.ge [sflag:s22], $0x2800  }
0x46: {  	[sflag:s22] =	ssyncset.done $0x0  }
0x47: {  	s28 =	sadd.s32 $0x4000, s28;
	[sflag:s22] =	ssyncadd.s32 $0xFFFFD800  }
0x48: {  	[spmem:s2] =	stream.indirect.scatter.add.f32 [tilespmem:s25], [sflag:$0x1], $0x80, s28, s24, $0xb8;
	[tilespmem:$0x1E080] =	vst v63  }
0x49: {  	_ =	swait.ge [sflag:s22], $0x2800  }
0x4a: {  	[sflag:s22] =	ssyncset.done $0x0  }
0x4b: {  	[sflag:s22] =	ssyncadd.s32 $0xFFFFD800  }
0x4c: {  	s29 =	simm.s32 @p0 $0x1FC1;
	s28 =	sshrl.u32 @p0 s8, $0x3;
	[bflag:$0x0] =	sbarrier.arrive $0xFFFF  }
0x4d: {  	[hbm:s14], [sflag:s29] =	dma.local @p0 [spmem:s28], $0x1900  }
0x4e: {  	s28 =	simm.s32 @p0 $0x1  }
0x4f: {  	s26 =	sadd.s32 $0x1, s26;
	_ =	swait.ge @p0 [sflag:s28], $0x1900  }
0x50: {  	p5 =	sne.s32 s26, s15;
	s29 =	sshll.u32 @!p0 s1, $0x6;
	[sflag:s28] =	ssyncset.done @p0 $0x0  }
0x51: {  	[sflag:s28] =	ssyncadd.s32 @p0 $0xFFFFE700;
	s28 =	sor.u32 @!p0 $0x1C01, s29;
	s29 =	sshrl.u32 @!p0 s5, $0x3  }
0x52: {  	[hbm:s13], [sflag:s28] =	dma.local @!p0 [spmem:s29], $0x2800  }
.Ltmp1:
0x53: {  	_ = 	snop;
	(pc) =	sbr.rel @p5 .LBB2_1-.Ltmp1, $4  }
0x54: {  	s28 =	simm.s32 @!p0 $0x1  }
0x55: {  	_ =	swait.ge @!p0 [sflag:s28], $0x2800  }
0x56: {  	[sflag:s28] =	ssyncset.done @!p0 $0x0  }
0x57: {  	[sflag:s28] =	ssyncadd.s32 @!p0 $0xFFFFD800  }
0x58: {  	_ =	sfence.sel $0x180000  }
0x59: {  	[bflag:$0x0] =	sbarrier.arrive $0xFFFF  }
0x5a: {  	p0 =	sne.s32 s1, $0x0;
	_ =	strace $0x9000004D  }
0x5b: {  	s0 =	sadd.s32 @!p0 $0x100000, s0;
	[bflag:$0x2] =	sbarrier.arrive $0xFFFF  }
0x5c: {  	[sflag:s0] =	ssyncadd.tile.s32 @!p0 $0x1;
	_ =	shalt  }
.Lfunc_end2:
_tile_overlayer_lowered:
.L_overlay_start_2:
0x5d: {  	(tag) =	ssettag $0x2  }
0x5e: {  	s0 =	rddreg [dreg:$0x0];
	s2 =	stileid.u32  }
0x5f: {  	s1 =	rddreg [dreg:$0x1];
	p0 =	sne.s32 s2, $0x0  }
0x60: {  	s3 =	rddreg [dreg:$0x2];
	[bflag:$0x3] =	sbarrier.arrive $0xFFFF;
	s2 =	simm.s32 @!p0 $0x1C01  }
0x61: {  	[timem:s3], [sflag:s2] =	dma.local @!p0 [hbm:s0], s1  }
0x62: {  	s0 =	simm.s32 @!p0 $0x1  }
0x63: {  	_ =	swait.ge @!p0 [sflag:s0], s1  }
0x64: {  	s1 =	ssub.s32 @!p0 $0x0, s1;
	[sflag:s0] =	ssyncset.done @!p0 $0x0  }
0x65: {  	[sflag:s0] =	ssyncadd.s32 @!p0 s1  }
0x66: {  	[bflag:$0x3] =	sbarrier.arrive $0xFFFF  }
0x67: {  	_ =	shalt  }

// kernel: kernel.20.cloned.1.call-start
scs
__scs_entry_jumppad:
0x0: {  	(pc) =	sbr.rel $0x88, $3  }
0x1: {  	(tag) =	ssettag $0x0;
	lr =	simm.s32 $0x1  }
0x2: {  	[smem:$0x3F9B] =	sst lr;
	_ =	strace $0xD0000000  }
0x3: {  	_ = 	snop  }
0x4: {  	_ = 	snop  }
0x5: {  	_ = 	snop  }
0x6: {  	_ = 	snop  }
0x7: {  	_ = 	snop  }
__scs_overlays_trampoline_lowered:
0x8: {  	[smem:$0x3FAA] =	sst s0  }
0x9: {  	[smem:$0x3FAB] =	sst s1  }
0xa: {  	[smem:$0x3FAC] =	sst s2  }
0xb: {  	[smem:$0x3FAD] =	sst s3  }
0xc: {  	[smem:$0x3FAE] =	sst s4  }
0xd: {  	[smem:$0x3FAF] =	sst s5  }
0xe: {  	[smem:$0x3FB0] =	sst s6  }
0xf: {  	[smem:$0x3FB1] =	sst s7  }
0x10: {  	[smem:$0x3FB2] =	sst s8  }
0x11: {  	[smem:$0x3FB3] =	sst s9;
	s0 =	simm.s32 @!p0 $0x0  }
0x12: {  	s1 =	sld [smem:$0x3F99];
	s0 =	simm.s32 @p0 $0x1  }
0x13: {  	[smem:$0x3FB4] =	sst s0;
	s0 =	simm.s32 @!p1 $0x0  }
0x14: {  	s2 =	sld [smem:$0x3F98];
	s0 =	simm.s32 @p1 $0x1  }
0x15: {  	[smem:$0x3FB5] =	sst s0;
	s0 =	simm.s32 @!p2 $0x0  }
0x16: {  	s3 =	sld [smem:$0x3FDB];
	s0 =	simm.s32 @p2 $0x1  }
0x17: {  	s4 =	simm.s32 $0x1BF5;
	[smem:$0x3FB7] =	sst s0  }
0x18: {  	s0 =	sld [smem:$0x3F9A];
	_ =	swait.ge [sflag:s4], $0x0  }
0x19: {  	s7 =	sld [smem:$0x3F9B]  }
0x1a: {  	s8 =	sadd.s32 $0xFFFFE003, lr  }
0x1b: {  	s9 =	sadd.s32 $0xFFFFFEF7, lr;
	s5 =	simm.s32 $0xFFFFFFFF;
	p2 =	slt.u32 s8, $0xFFFFF086  }
0x1c: {  	p1 =	slt.u32 s9, $0xF7A;
	s5 =	simm.s32 @!p2 $0x0  }
0x1d: {  	s5 =	simm.s32 @p1 $0x1;
	p0 =	seq.s32 s7, s2  }
0x1e: {  	s7 =	smul.u32 @!p0 $0xF7A, s2;
	p2 =	seq.s32 @!p0 s5, $0x0  }
0x1f: {  	s9 =	smul.u32 $0xF7A, s1;
	s8 =	simm.s32 @!p0 $0x1BF5;
	p2 =	por !p2, p0  }
0x20: {  	[sflag:s8] =	ssyncset.s32 @!p0 $0xFFFFF086;
	s6 =	sadd.s32 @!p0 s3, s7;
	s7 =	simm.s32 @!p0 $0x108  }
0x21: {  	s3 =	sadd.s32 s3, s9;
	s6 =	sadd.s32 @!p0 $0x88, s6;
	s7 =	simm.s32 @p2 $0x1082  }
0x22: {  	[simem:s7], [sflag:s8] =	dma.local @!p0 [hbm:s6], $0xF7A  }
0x23: {  	s9 =	sor.u32 $0xD0000000, s2;
	s6 =	simm.s32 $0x108;
	_ =	swait.ge @!p0 [sflag:s8], $0x0  }
0x24: {  	s3 =	sadd.s32 $0x88, s3;
	s6 =	simm.s32 @!p1 $0x1082;
	[sflag:s4] =	ssyncset.s32 $0xFFFFF086  }
0x25: {  	[simem:s6], [sflag:s4] =	dma.local [hbm:s3], $0xF7A  }
0x26: {  	[smem:$0x3F9B] =	sst s1;
	(tag) =	ssettag s2;
	_ =	strace s9  }
0x27: {  	s1 =	sld [smem:$0x3FAB]  }
0x28: {  	s2 =	sld [smem:$0x3FAC]  }
0x29: {  	s4 =	sld [smem:$0x3FAE]  }
0x2a: {  	p0 =	seq.s32 s5, $0x0;
	s5 =	sld [smem:$0x3FAF]  }
0x2b: {  	s6 =	sld [smem:$0x3FB0]  }
0x2c: {  	s7 =	sld [smem:$0x3FB1]  }
0x2d: {  	s3 =	simm.s32 $0x108;
	s8 =	sld [smem:$0x3FB2]  }
0x2e: {  	s3 =	simm.s32 @!p0 $0x1082;
	s9 =	sld [smem:$0x3FB3]  }
0x2f: {  	lr =	sadd.s32 s0, s3;
	s0 =	sld [smem:$0x3FAA]  }
0x30: {  	s3 =	sld [smem:$0x3FAD]  }
0x31: {  	[smem:$0x3FB6] =	sst s10  }
0x32: {  	s10 =	sld [smem:$0x3FB4];
	_ =	sdelay $0x3  }
0x33: {  	p0 =	seq.s32 s10, $0x1;
	s10 =	sld [smem:$0x3FB6];
	_ =	sdelay $0x3  }
0x34: {  	[smem:$0x3FB6] =	sst s10  }
0x35: {  	s10 =	sld [smem:$0x3FB5];
	_ =	sdelay $0x3  }
0x36: {  	p1 =	seq.s32 s10, $0x1;
	s10 =	sld [smem:$0x3FB6];
	_ =	sdelay $0x3  }
0x37: {  	[smem:$0x3FB6] =	sst s10  }
0x38: {  	s10 =	sld [smem:$0x3FB7]  }
0x39: {  	_ = 	snop;
	(pc) =	sbr.ind lr, $3  }
0x3a: {  	_ = 	snop  }
0x3b: {  	_ = 	snop  }
0x3c: {  	p2 =	seq.s32 s10, $0x1;
	s10 =	sld [smem:$0x3FB6]  }
0x3d: {  	_ =	shalt  }
0x3e: {  	_ =	shalt  }
0x3f: {  	_ =	shalt  }
0x40: {  	_ =	shalt  }
0x41: {  	_ =	shalt  }
0x42: {  	_ =	shalt  }
0x43: {  	_ =	shalt  }
0x44: {  	_ =	shalt  }
0x45: {  	_ =	shalt  }
0x46: {  	_ =	shalt  }
0x47: {  	_ =	shalt  }
0x48: {  	_ =	shalt  }
0x49: {  	_ =	shalt  }
0x4a: {  	_ =	shalt  }
0x4b: {  	_ =	shalt  }
0x4c: {  	_ =	shalt  }
0x4d: {  	_ =	shalt  }
0x4e: {  	_ =	shalt  }
0x4f: {  	_ =	shalt  }
0x50: {  	_ =	shalt  }
0x51: {  	_ =	shalt  }
0x52: {  	_ =	shalt  }
0x53: {  	_ =	shalt  }
0x54: {  	_ =	shalt  }
0x55: {  	_ =	shalt  }
0x56: {  	_ =	shalt  }
0x57: {  	_ =	shalt  }
0x58: {  	_ =	shalt  }
0x59: {  	_ =	shalt  }
0x5a: {  	_ =	shalt  }
0x5b: {  	_ =	shalt  }
0x5c: {  	_ =	shalt  }
0x5d: {  	_ =	shalt  }
0x5e: {  	_ =	shalt  }
0x5f: {  	_ =	shalt  }
0x60: {  	_ =	shalt  }
0x61: {  	_ =	shalt  }
0x62: {  	_ =	shalt  }
0x63: {  	_ =	shalt  }
0x64: {  	_ =	shalt  }
0x65: {  	_ =	shalt  }
0x66: {  	_ =	shalt  }
0x67: {  	_ =	shalt  }
0x68: {  	_ =	shalt  }
0x69: {  	_ =	shalt  }
0x6a: {  	_ =	shalt  }
0x6b: {  	_ =	shalt  }
0x6c: {  	_ =	shalt  }
0x6d: {  	_ =	shalt  }
0x6e: {  	_ =	shalt  }
0x6f: {  	_ =	shalt  }
0x70: {  	_ =	shalt  }
0x71: {  	_ =	shalt  }
0x72: {  	_ =	shalt  }
0x73: {  	_ =	shalt  }
0x74: {  	_ =	shalt  }
0x75: {  	_ =	shalt  }
0x76: {  	_ =	shalt  }
0x77: {  	_ =	shalt  }
0x78: {  	_ =	shalt  }
0x79: {  	_ =	shalt  }
0x7a: {  	_ =	shalt  }
0x7b: {  	_ =	shalt  }
0x7c: {  	_ =	shalt  }
0x7d: {  	_ =	shalt  }
0x7e: {  	_ =	shalt  }
0x7f: {  	_ =	shalt  }
0x80: {  	_ =	shalt  }
0x81: {  	_ =	shalt  }
0x82: {  	_ =	shalt  }
0x83: {  	_ =	shalt  }
0x84: {  	_ =	shalt  }
0x85: {  	_ =	shalt  }
0x86: {  	_ =	shalt  }
0x87: {  	_ =	shalt  }
.Lfunc_end0:
.L_simem_size_0:
called_computation.2_lowered:
.L_overlay_start_0:
0x88: {  	s2 =	sld [smem:$0x3FD9]  }
0x89: {  	s3 =	sld [smem:$0x3FFE];
	_ =	sdelay $0x1  }
0x8a: {  	s1 =	srdreg.scid  }
0x8b: {  	s0 =	sand.u32 $0x1, s1  }
0x8c: {  	s17 =	sshll.u32 s0, $0xA;
	s2 =	sadd.s32 s3, s2  }
0x8d: {  	s2 =	sadd.s32 s2, s17  }
0x8e: {  	[smem:$0x3FC2] =	sst s2  }
0x8f: {  	_ = 	snop  }
0x90: {  	s18 =	sld [smem:$0x3FD0];
	(tm) =	ssettm $0x1  }
0x91: {  	s19 =	sld [smem:$0x3FFB];
	_ =	sdelay $0x3  }
0x92: {  	_ =	strace s19  }
0x93: {  	s2 =	sld [smem:$0x3FFC];
	_ =	sdelay $0x3  }
0x94: {  	_ =	strace s2  }
0x95: {  	s2 =	sld [smem:$0x3FFD];
	_ =	sdelay $0x3  }
0x96: {  	_ =	strace s2  }
0x97: {  	_ =	strace $0x8FFFFFFF  }
0x98: {  	s20 =	sld [smem:$0x3FDB];
	_ =	sdelay $0x1  }
0x99: {  	s4 =	simm.s32 $_scs_section_size  }
0x9a: {  	s5 =	simm.s32 $_size__tile_overlayer_lowered;
	s6 =	simm.s32 $_tile_overlayer_lowered  }
0x9b: {  	s7 =	simm.s32 $0x1BFF;
	s21 =	sshll.u32 s6, $0x1;
	s4 =	sadd.s32 s4, s20  }
0x9c: {  	s22 =	simm.s32 $0x0;
	s5 =	sshll.u32 s5, $0x1;
	s6 =	sadd.s32 s21, s4  }
0x9d: {  	[timem:s22], [sflag:s7] =	dma.local [hbm:s6], s5  }
0x9e: {  	_ =	swait.ge [sflag:s7], s5  }
0x9f: {  	s5 =	ssub.s32 $0x0, s5;
	[sflag:s7] =	ssyncset.done $0x0  }
0xa0: {  	[sflag:s7] =	ssyncadd.s32 s5;
	_ =	sdelay $0x1  }
0xa1: {  	s23 =	simm.s32 $0x1B8B  }
0xa2: {  	_ =	swait.ge [sflag:s23], $0x1  }
0xa3: {  	[sflag:s23] =	ssyncset.done $0x0  }
0xa4: {  	[sflag:s23] =	ssyncadd.s32 $0xFFFFFFFF  }
0xa5: {  	s5 =	sld [smem:$0x0]  }
0xa6: {  	s6 =	sand.u32 $0xFFFFFFFE, s1  }
0xa7: {  	p0 =	sne.s32 s1, s6  }
0xa8: {  	s6 =	sshll.u32 @p0 s6, $0xE  }
0xa9: {  	s6 =	sadd.s32 @p0 $0x11B8D, s6;
	s7 =	sshll.u32 @p0 s5, $0x11  }
0xaa: {  	s6 =	sor.u32 @p0 s7, s6  }
0xab: {  	[sflag:s6] =	ssyncadd.remote.s32 @p0 $0x1;
	_ =	sdelay $0x1  }
0xac: {  	s6 =	simm.s32 @p0 $0x1B8D  }
0xad: {  	_ =	swait.eq @p0 [sflag:s6], $0x1  }
0xae: {  	[sflag:s6] =	ssyncadd.s32 @p0 $0xFFFFFFFF  }
0xaf: {  	s7 =	sshll.u32 @!p0 s1, $0xE  }
0xb0: {  	s7 =	sor.u32 @!p0 $0x4000, s7;
	s6 =	simm.s32 @!p0 $0x1B8D  }
0xb1: {  	s5 =	sshll.u32 @!p0 s5, $0x11;
	s7 =	sadd.s32 @!p0 $0x11B8D, s7;
	_ =	swait.eq @!p0 [sflag:s6], $0x1  }
0xb2: {  	s5 =	sor.u32 @!p0 s5, s7;
	[sflag:s6] =	ssyncadd.s32 @!p0 $0xFFFFFFFF  }
0xb3: {  	s25 =	simm.s32 $0x1B8E;
	s24 =	sld [smem:$0x3FFE];
	[sflag:s5] =	ssyncadd.remote.s32 @!p0 $0x1  }
0xb4: {  	s26 =	simm.s32 $execute0_lowered;
	[smem:$0x3FD2] =	sst s25  }
0xb5: {  	s6 =	sshll.u32 s26, $0x1;
	_ =	strace $0x80000052;
	[dreg:$0x1] =	wrdreg $0xFFFFFFFF  }
0xb6: {  	s28 =	simm.s32 $_size_execute0_lowered;
	s4 =	sadd.s32 s4, s6;
	[dreg:$0x0] =	wrdreg $0x0  }
0xb7: {  	s6 =	sshll.u32 s28, $0x1;
	[dreg:$0x2] =	wrdreg s4  }
0xb8: {  	[dreg:$0x3] =	wrdreg s6  }
0xb9: {  	[dreg:$0x4] =	wrdreg $0xC0  }
0xba: {  	_ =	task [dreg:s22], $0x5FFFF  }
0xbb: {  	[dreg:$0x1] =	wrdreg $0xFFFFFFFF  }
0xbc: {  	[dreg:$0x0] =	wrdreg $0x60  }
0xbd: {  	[dreg:$0x2] =	wrdreg s24  }
0xbe: {  	[dreg:$0x3] =	wrdreg s18  }
0xbf: {  	[dreg:$0x4] =	wrdreg $0xA8000  }
0xc0: {  	[dreg:$0x5] =	wrdreg $0x9  }
0xc1: {  	_ =	task.clear_ibuf [dreg:s22], $0x6FFFF;
	_ =	strace $0x90000052  }
0xc2: {  	s29 =	simm.s32 $0x9;
	_ =	strace $0x80000054  }
0xc3: {  	_ =	swait.ge [sflag:s29], $0x1  }
0xc4: {  	[sflag:s29] =	ssyncadd.s32 $0xFFFFFFFF  }
0xc5: {  	_ =	strace $0x90000054  }
0xc6: {  	_ =	sfence  }
0xc7: {  	s30 =	sld [smem:$0x0];
	_ =	sdelay $0x2  }
0xc8: {  	s31 =	sshll.u32 s1, $0xD;
	s1 =	sshrl.u32 s1, $0x2  }
0xc9: {  	s4 =	sand.u32 $0x4000, s31;
	s1 =	sadd.s32 s1, s30  }
0xca: {  	s0 =	sor.u32 s4, s0;
	s1 =	sshll.u32 s1, $0x11  }
0xcb: {  	s0 =	sor.u32 s1, s0  }
0xcc: {  	s0 =	sadd.s32 $0x8F2B, s0  }
0xcd: {  	[sflag:s0] =	ssyncadd.remote.s32 $0x1  }
0xce: {  	_ =	sfence.sel $0xFFFF  }
0xcf: {  	[dreg:$0x0] =	wrdreg $0xFFFFFFFF;
	(pc) =	sbr.abs _section_cstart, $3  }
0xd0: {  	[dreg:$0x1] =	wrdreg $0xFFFFFFFF  }
0xd1: {  	_ =	task.clear_ibuf [dreg:s22], $0x2FFFF;
	_ =	strace $0x9FFFFFFF  }
0xd2: {  	(tm) =	ssettm $0x7FFFFFFF  }
0xd3: {  	_ =	shalt  }
tec
execute0_lowered:
.L_overlay_start_1:
0x0: {  	(tag) =	ssettag $0x1  }
0x1: {  	s10 =	rddreg [dreg:$0x0]  }
0x2: {  	s13 =	rddreg [dreg:$0x1]  }
0x3: {  	s2 =	rddreg [dreg:$0x2]  }
0x4: {  	s0 =	rddreg [dreg:$0x3];
	s3 =	simm.s32 $0x0  }
0x5: {  	s1 =	stileid.u32;
	s5 =	srdreg.scid;
	s22 =	simm.s32 $0x1  }
0x6: {  	s23 =	simm.s32 $0x4000;
	s24 =	simm.s32 $0x50;
	s25 =	simm.s32 $0x8000  }
0x7: {  	s26 =	simm.s32 $0x0;
	[smem:$0x7FF] =	sst s3;
	s7 =	smul.u32 $0x2800, s1  }
0x8: {  	s4 =	sadd.s32 $0xE0800, s10;
	s17 =	sand.u32 $0x1, s5;
	s30 =	smul.u32 $0x50000, s1  }
0x9: {  	s9 =	sshll.u32 s1, $0xB;
	s16 =	smul.u32 $0x14000, s1;
	p0 =	seq.s32 s1, $0xF  }
0xa: {  	_ =	strace $0x80000053;
	s8 =	sshll.u32 s17, $0xF;
	s11 =	ssub.s32 $0x2, s17  }
0xb: {  	s14 =	smul.u32 $0x138800, s17;
	p2 =	sne.s32 @p0 s17, $0x0;
	p4 =	sne.s32 @!p0 s17, $0x0  }
0xc: {  	s6 =	sadd.s32 s7, s10;
	s8 =	sor.u32 s9, s8;
	s31 =	sshrl.u32 s11, $0x1  }
0xd: {  	s5 =	sshrl.u32 s30, $0x2;
	s7 =	sadd.s32 s4, s7;
	s9 =	sadd.s32 $0x70C00, s10  }
0xe: {  	p1 =	por !p2, !p0;
	p2 =	por p2, !p0;
	p3 =	por !p4, p0  }
0xf: {  	p4 =	por p4, p0;
	s12 =	sadd.s32 s8, s10;
	s15 =	ssub.s32 s11, s31  }
0x10: {  	s5 =	sadd.s32 s5, s2;
	s6 =	sadd.s32 $0x4B400, s6;
	s8 =	sadd.s32 $0x12C000, s2  }
0x11: {  	s10 =	sadd.s32 $0x106000, s10;
	s16 =	sadd.s32 s16, s14;
	s14 =	sshrl.u32 s14, $0x3  }
0x12: {  	s18 =	sshll.u32 @!p3 s1, $0x6;
	s20 =	sshll.u32 @!p4 s1, $0x6;
	s11 =	sadd.s32 $0xC0800, s12  }
0x13: {  	s12 =	sadd.s32 $0xD0800, s12;
	s16 =	sshrl.u32 s16, $0x3;
	s14 =	sadd.s32 s13, s14  }
0x14: {  	s15 =	smax.u32 s15, $0x1;
	s17 =	sshrl.u32 @!p2 s8, $0x3;
	s18 =	sor.u32 @!p3 $0x1C01, s18  }
0x15: {  	s19 =	sshrl.u32 @!p3 s5, $0x3;
	s20 =	sor.u32 @!p4 $0x1C01, s20;
	s21 =	sshrl.u32 @!p4 s5, $0x3  }
0x16: {  	s13 =	sadd.s32 s13, s16;
	s14 =	sadd.s32 $0x25800, s14;
	s16 =	sshrl.u32 @!p1 s8, $0x3  }
.LBB2_1:
0x17: {  	s28 =	simm.s32 @!p1 $0x1FC1  }
0x18: {  	[spmem:s16], [sflag:s28] =	dma.local @!p1 [hbm:s9], $0x1900  }
0x19: {  	s28 =	simm.s32 @!p1 $0x1  }
0x1a: {  	_ =	swait.ge @!p1 [sflag:s28], $0x1900  }
0x1b: {  	[sflag:s28] =	ssyncset.done @!p1 $0x0  }
0x1c: {  	[sflag:s28] =	ssyncadd.s32 @!p1 $0xFFFFE700;
	s28 =	simm.s32 @!p2 $0x1FC1  }
0x1d: {  	[spmem:s17], [sflag:s28] =	dma.local @!p2 [hbm:s10], $0x1900  }
0x1e: {  	s28 =	simm.s32 @!p2 $0x1  }
0x1f: {  	_ =	swait.ge @!p2 [sflag:s28], $0x1900  }
0x20: {  	[sflag:s28] =	ssyncset.done @!p2 $0x0  }
0x21: {  	[sflag:s28] =	ssyncadd.s32 @!p2 $0xFFFFE700;
	s28 =	simm.s32 @!p3 $0x1  }
0x22: {  	[spmem:s19], [sflag:s18] =	dma.local @!p3 [hbm:s6], $0x2800  }
0x23: {  	_ =	swait.ge @!p3 [sflag:s28], $0x2800  }
0x24: {  	[sflag:s28] =	ssyncset.done @!p3 $0x0  }
0x25: {  	[sflag:s28] =	ssyncadd.s32 @!p3 $0xFFFFD800;
	s28 =	simm.s32 @!p4 $0x1  }
0x26: {  	[spmem:s21], [sflag:s20] =	dma.local @!p4 [hbm:s7], $0x2800  }
0x27: {  	_ =	swait.ge @!p4 [sflag:s28], $0x2800  }
0x28: {  	[sflag:s28] =	ssyncset.done @!p4 $0x0  }
0x29: {  	[sflag:s28] =	ssyncadd.s32 @!p4 $0xFFFFD800  }
0x2a: {  	[tilespmem:s3], [sflag:$0x1] =	stream.linear.gather [hbm4b:s11+s3], $0x3E80, $0x38;
	[tilespmem:$0x1E080] =	vst v63  }
0x2b: {  	_ =	swait.ge [sflag:s22], $0x3E80  }
0x2c: {  	[sflag:s22] =	ssyncset.done $0x0  }
0x2d: {  	[sflag:s22] =	ssyncadd.s32 $0xFFFFC180  }
0x2e: {  	[tilespmem:s23], [sflag:$0x1] =	stream.linear.gather [hbm4b:s12+s3], $0x3E80, $0x38;
	[tilespmem:$0x1E080] =	vst v63  }
0x2f: {  	_ =	swait.ge [sflag:s22], $0x3E80  }
0x30: {  	[sflag:s22] =	ssyncset.done $0x0  }
0x31: {  	[sflag:s22] =	ssyncadd.s32 $0xFFFFC180  }
0x32: {  	s28 =	simm.s32 $0x0;
	[bflag:$0x0] =	sbarrier.arrive $0xFFFF  }
0x33: {  	[tilespmem:s25], [sflag:$0x1] =	stream.indirect.gather [hbm4b:s4+s24], $0x80, s28, s24, $0xb8;
	[tilespmem:$0x1E080] =	vst v63  }
0x34: {  	_ =	swait.ge [sflag:s22], $0x2800  }
0x35: {  	[sflag:s22] =	ssyncset.done $0x0  }
0x36: {  	s28 =	simm.s32 $0x4000;
	[sflag:s22] =	ssyncadd.s32 $0xFFFFD800  }
0x37: {  	[spmem:s2] =	stream.indirect.scatter.add.f32 [tilespmem:s25], [sflag:$0x1], $0x80, s28, s24, $0xb8;
	[tilespmem:$0x1E080] =	vst v63  }
0x38: {  	_ =	swait.ge [sflag:s22], $0x2800  }
0x39: {  	s29 =	simm.s32 $0x400;
	s28 =	simm.s32 $0x200;
	[sflag:s22] =	ssyncset.done $0x0  }
.LBB2_2:
0x3a: {  	s30 =	sshra.s32 s28, $0x2  }
0x3b: {  	[sflag:s22] =	ssyncadd.s32 $0xFFFFD800;
	s28 =	smov.u32 s29;
	s31 =	sadd.s32 $0x200, s29  }
0x3c: {  	[tilespmem:s25], [sflag:$0x1] =	stream.indirect.gather [hbm4b:s4+s24], $0x80, s30, s24, $0xb8;
	[tilespmem:$0x1E080] =	vst v63  }
0x3d: {  	p5 =	sne.s32 s29, $0xF800;
	_ =	swait.ge [sflag:s22], $0x2800  }
.Ltmp0:
0x3e: {  	[sflag:s22] =	ssyncset.done $0x0;
	(pc) =	sbr.rel @p5 .LBB2_2-.Ltmp0, $4  }
0x3f: {  	s29 =	sadd.s32 $0x4000, s30;
	[sflag:s22] =	ssyncadd.s32 $0xFFFFD800  }
0x40: {  	[spmem:s2] =	stream.indirect.scatter.add.f32 [tilespmem:s25], [sflag:$0x1], $0x80, s29, s24, $0xb8;
	[tilespmem:$0x1E080] =	vst v63  }
0x41: {  	_ =	swait.ge [sflag:s22], $0x2800  }
0x42: {  	s29 =	smov.u32 s31;
	[sflag:s22] =	ssyncset.done $0x0  }
0x43: {  	s28 =	sshra.s32 s28, $0x2;
	[sflag:s22] =	ssyncadd.s32 $0xFFFFD800  }
0x44: {  	[tilespmem:s25], [sflag:$0x1] =	stream.indirect.gather [hbm4b:s4+s24], $0x80, s28, s24, $0xb8;
	[tilespmem:$0x1E080] =	vst v63  }
0x45: {  	_ =	swait.ge [sflag:s22], $0x2800  }
0x46: {  	[sflag:s22] =	ssyncset.done $0x0  }
0x47: {  	s28 =	sadd.s32 $0x4000, s28;
	[sflag:s22] =	ssyncadd.s32 $0xFFFFD800  }
0x48: {  	[spmem:s2] =	stream.indirect.scatter.add.f32 [tilespmem:s25], [sflag:$0x1], $0x80, s28, s24, $0xb8;
	[tilespmem:$0x1E080] =	vst v63  }
0x49: {  	_ =	swait.ge [sflag:s22], $0x2800  }
0x4a: {  	[sflag:s22] =	ssyncset.done $0x0  }
0x4b: {  	[sflag:s22] =	ssyncadd.s32 $0xFFFFD800  }
0x4c: {  	s29 =	simm.s32 @p0 $0x1FC1;
	s28 =	sshrl.u32 @p0 s8, $0x3;
	[bflag:$0x0] =	sbarrier.arrive $0xFFFF  }
0x4d: {  	[hbm:s14], [sflag:s29] =	dma.local @p0 [spmem:s28], $0x1900  }
0x4e: {  	s28 =	simm.s32 @p0 $0x1  }
0x4f: {  	s26 =	sadd.s32 $0x1, s26;
	_ =	swait.ge @p0 [sflag:s28], $0x1900  }
0x50: {  	p5 =	sne.s32 s26, s15;
	s29 =	sshll.u32 @!p0 s1, $0x6;
	[sflag:s28] =	ssyncset.done @p0 $0x0  }
0x51: {  	[sflag:s28] =	ssyncadd.s32 @p0 $0xFFFFE700;
	s28 =	sor.u32 @!p0 $0x1C01, s29;
	s29 =	sshrl.u32 @!p0 s5, $0x3  }
0x52: {  	[hbm:s13], [sflag:s28] =	dma.local @!p0 [spmem:s29], $0x2800  }
.Ltmp1:
0x53: {  	_ = 	snop;
	(pc) =	sbr.rel @p5 .LBB2_1-.Ltmp1, $4  }
0x54: {  	s28 =	simm.s32 @!p0 $0x1  }
0x55: {  	_ =	swait.ge @!p0 [sflag:s28], $0x2800  }
0x56: {  	[sflag:s28] =	ssyncset.done @!p0 $0x0  }
0x57: {  	[sflag:s28] =	ssyncadd.s32 @!p0 $0xFFFFD800  }
0x58: {  	_ =	sfence.sel $0x180000  }
0x59: {  	[bflag:$0x0] =	sbarrier.arrive $0xFFFF  }
0x5a: {  	p0 =	sne.s32 s1, $0x0;
	_ =	strace $0x90000053  }
0x5b: {  	s0 =	sadd.s32 @!p0 $0x100000, s0;
	[bflag:$0x2] =	sbarrier.arrive $0xFFFF  }
0x5c: {  	[sflag:s0] =	ssyncadd.tile.s32 @!p0 $0x1;
	_ =	shalt  }
.Lfunc_end2:
_tile_overlayer_lowered:
.L_overlay_start_2:
0x5d: {  	(tag) =	ssettag $0x2  }
0x5e: {  	s0 =	rddreg [dreg:$0x0];
	s2 =	stileid.u32  }
0x5f: {  	s1 =	rddreg [dreg:$0x1];
	p0 =	sne.s32 s2, $0x0  }
0x60: {  	s3 =	rddreg [dreg:$0x2];
	[bflag:$0x3] =	sbarrier.arrive $0xFFFF;
	s2 =	simm.s32 @!p0 $0x1C01  }
0x61: {  	[timem:s3], [sflag:s2] =	dma.local @!p0 [hbm:s0], s1  }
0x62: {  	s0 =	simm.s32 @!p0 $0x1  }
0x63: {  	_ =	swait.ge @!p0 [sflag:s0], s1  }
0x64: {  	s1 =	ssub.s32 @!p0 $0x0, s1;
	[sflag:s0] =	ssyncset.done @!p0 $0x0  }
0x65: {  	[sflag:s0] =	ssyncadd.s32 @!p0 s1  }
0x66: {  	[bflag:$0x3] =	sbarrier.arrive $0xFFFF  }
0x67: {  	_ =	shalt  }

// kernel: kernel.23.cloned.1.call-start
scs
__scs_entry_jumppad:
0x0: {  	(pc) =	sbr.rel $0x88, $3  }
0x1: {  	(tag) =	ssettag $0x0;
	lr =	simm.s32 $0x1  }
0x2: {  	[smem:$0x3F9B] =	sst lr;
	_ =	strace $0xD0000000  }
0x3: {  	_ = 	snop  }
0x4: {  	_ = 	snop  }
0x5: {  	_ = 	snop  }
0x6: {  	_ = 	snop  }
0x7: {  	_ = 	snop  }
__scs_overlays_trampoline_lowered:
0x8: {  	[smem:$0x3FAA] =	sst s0  }
0x9: {  	[smem:$0x3FAB] =	sst s1  }
0xa: {  	[smem:$0x3FAC] =	sst s2  }
0xb: {  	[smem:$0x3FAD] =	sst s3  }
0xc: {  	[smem:$0x3FAE] =	sst s4  }
0xd: {  	[smem:$0x3FAF] =	sst s5  }
0xe: {  	[smem:$0x3FB0] =	sst s6  }
0xf: {  	[smem:$0x3FB1] =	sst s7  }
0x10: {  	[smem:$0x3FB2] =	sst s8  }
0x11: {  	[smem:$0x3FB3] =	sst s9;
	s0 =	simm.s32 @!p0 $0x0  }
0x12: {  	s1 =	sld [smem:$0x3F99];
	s0 =	simm.s32 @p0 $0x1  }
0x13: {  	[smem:$0x3FB4] =	sst s0;
	s0 =	simm.s32 @!p1 $0x0  }
0x14: {  	s2 =	sld [smem:$0x3F98];
	s0 =	simm.s32 @p1 $0x1  }
0x15: {  	[smem:$0x3FB5] =	sst s0;
	s0 =	simm.s32 @!p2 $0x0  }
0x16: {  	s3 =	sld [smem:$0x3FDB];
	s0 =	simm.s32 @p2 $0x1  }
0x17: {  	s4 =	simm.s32 $0x1BF5;
	[smem:$0x3FB7] =	sst s0  }
0x18: {  	s0 =	sld [smem:$0x3F9A];
	_ =	swait.ge [sflag:s4], $0x0  }
0x19: {  	s7 =	sld [smem:$0x3F9B]  }
0x1a: {  	s8 =	sadd.s32 $0xFFFFE003, lr  }
0x1b: {  	s9 =	sadd.s32 $0xFFFFFEF7, lr;
	s5 =	simm.s32 $0xFFFFFFFF;
	p2 =	slt.u32 s8, $0xFFFFF086  }
0x1c: {  	p1 =	slt.u32 s9, $0xF7A;
	s5 =	simm.s32 @!p2 $0x0  }
0x1d: {  	s5 =	simm.s32 @p1 $0x1;
	p0 =	seq.s32 s7, s2  }
0x1e: {  	s7 =	smul.u32 @!p0 $0xF7A, s2;
	p2 =	seq.s32 @!p0 s5, $0x0  }
0x1f: {  	s9 =	smul.u32 $0xF7A, s1;
	s8 =	simm.s32 @!p0 $0x1BF5;
	p2 =	por !p2, p0  }
0x20: {  	[sflag:s8] =	ssyncset.s32 @!p0 $0xFFFFF086;
	s6 =	sadd.s32 @!p0 s3, s7;
	s7 =	simm.s32 @!p0 $0x108  }
0x21: {  	s3 =	sadd.s32 s3, s9;
	s6 =	sadd.s32 @!p0 $0x88, s6;
	s7 =	simm.s32 @p2 $0x1082  }
0x22: {  	[simem:s7], [sflag:s8] =	dma.local @!p0 [hbm:s6], $0xF7A  }
0x23: {  	s9 =	sor.u32 $0xD0000000, s2;
	s6 =	simm.s32 $0x108;
	_ =	swait.ge @!p0 [sflag:s8], $0x0  }
0x24: {  	s3 =	sadd.s32 $0x88, s3;
	s6 =	simm.s32 @!p1 $0x1082;
	[sflag:s4] =	ssyncset.s32 $0xFFFFF086  }
0x25: {  	[simem:s6], [sflag:s4] =	dma.local [hbm:s3], $0xF7A  }
0x26: {  	[smem:$0x3F9B] =	sst s1;
	(tag) =	ssettag s2;
	_ =	strace s9  }
0x27: {  	s1 =	sld [smem:$0x3FAB]  }
0x28: {  	s2 =	sld [smem:$0x3FAC]  }
0x29: {  	s4 =	sld [smem:$0x3FAE]  }
0x2a: {  	p0 =	seq.s32 s5, $0x0;
	s5 =	sld [smem:$0x3FAF]  }
0x2b: {  	s6 =	sld [smem:$0x3FB0]  }
0x2c: {  	s7 =	sld [smem:$0x3FB1]  }
0x2d: {  	s3 =	simm.s32 $0x108;
	s8 =	sld [smem:$0x3FB2]  }
0x2e: {  	s3 =	simm.s32 @!p0 $0x1082;
	s9 =	sld [smem:$0x3FB3]  }
0x2f: {  	lr =	sadd.s32 s0, s3;
	s0 =	sld [smem:$0x3FAA]  }
0x30: {  	s3 =	sld [smem:$0x3FAD]  }
0x31: {  	[smem:$0x3FB6] =	sst s10  }
0x32: {  	s10 =	sld [smem:$0x3FB4];
	_ =	sdelay $0x3  }
0x33: {  	p0 =	seq.s32 s10, $0x1;
	s10 =	sld [smem:$0x3FB6];
	_ =	sdelay $0x3  }
0x34: {  	[smem:$0x3FB6] =	sst s10  }
0x35: {  	s10 =	sld [smem:$0x3FB5];
	_ =	sdelay $0x3  }
0x36: {  	p1 =	seq.s32 s10, $0x1;
	s10 =	sld [smem:$0x3FB6];
	_ =	sdelay $0x3  }
0x37: {  	[smem:$0x3FB6] =	sst s10  }
0x38: {  	s10 =	sld [smem:$0x3FB7]  }
0x39: {  	_ = 	snop;
	(pc) =	sbr.ind lr, $3  }
0x3a: {  	_ = 	snop  }
0x3b: {  	_ = 	snop  }
0x3c: {  	p2 =	seq.s32 s10, $0x1;
	s10 =	sld [smem:$0x3FB6]  }
0x3d: {  	_ =	shalt  }
0x3e: {  	_ =	shalt  }
0x3f: {  	_ =	shalt  }
0x40: {  	_ =	shalt  }
0x41: {  	_ =	shalt  }
0x42: {  	_ =	shalt  }
0x43: {  	_ =	shalt  }
0x44: {  	_ =	shalt  }
0x45: {  	_ =	shalt  }
0x46: {  	_ =	shalt  }
0x47: {  	_ =	shalt  }
0x48: {  	_ =	shalt  }
0x49: {  	_ =	shalt  }
0x4a: {  	_ =	shalt  }
0x4b: {  	_ =	shalt  }
0x4c: {  	_ =	shalt  }
0x4d: {  	_ =	shalt  }
0x4e: {  	_ =	shalt  }
0x4f: {  	_ =	shalt  }
0x50: {  	_ =	shalt  }
0x51: {  	_ =	shalt  }
0x52: {  	_ =	shalt  }
0x53: {  	_ =	shalt  }
0x54: {  	_ =	shalt  }
0x55: {  	_ =	shalt  }
0x56: {  	_ =	shalt  }
0x57: {  	_ =	shalt  }
0x58: {  	_ =	shalt  }
0x59: {  	_ =	shalt  }
0x5a: {  	_ =	shalt  }
0x5b: {  	_ =	shalt  }
0x5c: {  	_ =	shalt  }
0x5d: {  	_ =	shalt  }
0x5e: {  	_ =	shalt  }
0x5f: {  	_ =	shalt  }
0x60: {  	_ =	shalt  }
0x61: {  	_ =	shalt  }
0x62: {  	_ =	shalt  }
0x63: {  	_ =	shalt  }
0x64: {  	_ =	shalt  }
0x65: {  	_ =	shalt  }
0x66: {  	_ =	shalt  }
0x67: {  	_ =	shalt  }
0x68: {  	_ =	shalt  }
0x69: {  	_ =	shalt  }
0x6a: {  	_ =	shalt  }
0x6b: {  	_ =	shalt  }
0x6c: {  	_ =	shalt  }
0x6d: {  	_ =	shalt  }
0x6e: {  	_ =	shalt  }
0x6f: {  	_ =	shalt  }
0x70: {  	_ =	shalt  }
0x71: {  	_ =	shalt  }
0x72: {  	_ =	shalt  }
0x73: {  	_ =	shalt  }
0x74: {  	_ =	shalt  }
0x75: {  	_ =	shalt  }
0x76: {  	_ =	shalt  }
0x77: {  	_ =	shalt  }
0x78: {  	_ =	shalt  }
0x79: {  	_ =	shalt  }
0x7a: {  	_ =	shalt  }
0x7b: {  	_ =	shalt  }
0x7c: {  	_ =	shalt  }
0x7d: {  	_ =	shalt  }
0x7e: {  	_ =	shalt  }
0x7f: {  	_ =	shalt  }
0x80: {  	_ =	shalt  }
0x81: {  	_ =	shalt  }
0x82: {  	_ =	shalt  }
0x83: {  	_ =	shalt  }
0x84: {  	_ =	shalt  }
0x85: {  	_ =	shalt  }
0x86: {  	_ =	shalt  }
0x87: {  	_ =	shalt  }
.Lfunc_end0:
.L_simem_size_0:
called_computation.3_lowered:
.L_overlay_start_0:
0x88: {  	s2 =	sld [smem:$0x3FD9]  }
0x89: {  	s3 =	sld [smem:$0x3FFE];
	_ =	sdelay $0x1  }
0x8a: {  	s1 =	srdreg.scid  }
0x8b: {  	s0 =	sand.u32 $0x1, s1  }
0x8c: {  	s16 =	sshll.u32 s0, $0xA;
	s2 =	sadd.s32 s3, s2  }
0x8d: {  	s2 =	sadd.s32 s2, s16  }
0x8e: {  	[smem:$0x3FC2] =	sst s2  }
0x8f: {  	_ = 	snop  }
0x90: {  	(tm) =	ssettm $0x1  }
0x91: {  	s17 =	sld [smem:$0x3FFB];
	_ =	sdelay $0x3  }
0x92: {  	_ =	strace s17  }
0x93: {  	s2 =	sld [smem:$0x3FFC];
	_ =	sdelay $0x3  }
0x94: {  	_ =	strace s2  }
0x95: {  	s2 =	sld [smem:$0x3FFD];
	_ =	sdelay $0x3  }
0x96: {  	_ =	strace s2  }
0x97: {  	_ =	strace $0x8FFFFFFF  }
0x98: {  	s18 =	sld [smem:$0x3FDB];
	_ =	sdelay $0x1  }
0x99: {  	s19 =	simm.s32 $_scs_section_size  }
0x9a: {  	s4 =	simm.s32 $_size__tile_overlayer_lowered;
	s5 =	simm.s32 $_tile_overlayer_lowered  }
0x9b: {  	s22 =	simm.s32 $0x1BFF;
	s21 =	sshll.u32 s5, $0x1;
	s2 =	sadd.s32 s19, s18  }
0x9c: {  	s6 =	simm.s32 $0x0;
	s20 =	sshll.u32 s4, $0x1;
	s4 =	sadd.s32 s21, s2  }
0x9d: {  	[timem:s6], [sflag:s22] =	dma.local [hbm:s4], s20  }
0x9e: {  	_ =	swait.ge [sflag:s22], s20  }
0x9f: {  	s3 =	ssub.s32 $0x0, s20;
	[sflag:s22] =	ssyncset.done $0x0  }
0xa0: {  	[sflag:s22] =	ssyncadd.s32 s3;
	_ =	sdelay $0x1  }
0xa1: {  	s23 =	simm.s32 $0x1B8B  }
0xa2: {  	_ =	swait.ge [sflag:s23], $0x1  }
0xa3: {  	[sflag:s23] =	ssyncset.done $0x0  }
0xa4: {  	s25 =	simm.s32 $0x1B8E;
	s24 =	sld [smem:$0x3FFE];
	[sflag:s23] =	ssyncadd.s32 $0xFFFFFFFF  }
0xa5: {  	s26 =	simm.s32 $execute0_lowered;
	[smem:$0x3FD2] =	sst s25  }
0xa6: {  	s4 =	sshll.u32 s26, $0x1;
	_ =	strace $0x80000049;
	[dreg:$0x1] =	wrdreg $0xFFFFFFFF  }
0xa7: {  	s28 =	simm.s32 $_size_execute0_lowered;
	s2 =	sadd.s32 s2, s4;
	[dreg:$0x0] =	wrdreg $0x0  }
0xa8: {  	s4 =	sshll.u32 s28, $0x1;
	[dreg:$0x2] =	wrdreg s2  }
0xa9: {  	[dreg:$0x3] =	wrdreg s4  }
0xaa: {  	[dreg:$0x4] =	wrdreg $0xC0  }
0xab: {  	_ =	task [dreg:s6], $0x5FFFF  }
0xac: {  	[dreg:$0x1] =	wrdreg $0xFFFFFFFF  }
0xad: {  	[dreg:$0x0] =	wrdreg $0x60  }
0xae: {  	[dreg:$0x2] =	wrdreg s24  }
0xaf: {  	[dreg:$0x3] =	wrdreg $0xA8000  }
0xb0: {  	[dreg:$0x4] =	wrdreg $0xA  }
0xb1: {  	_ =	task.clear_ibuf [dreg:s6], $0x5FFFF;
	_ =	strace $0x90000049  }
0xb2: {  	s29 =	simm.s32 $0xA;
	_ =	strace $0x8000004B  }
0xb3: {  	_ =	swait.ge [sflag:s29], $0x1  }
0xb4: {  	[sflag:s29] =	ssyncadd.s32 $0xFFFFFFFF  }
0xb5: {  	_ =	strace $0x9000004B  }
0xb6: {  	_ =	sfence  }
0xb7: {  	s30 =	sld [smem:$0x0];
	_ =	sdelay $0x2  }
0xb8: {  	s31 =	sshll.u32 s1, $0xD;
	s1 =	sshrl.u32 s1, $0x2  }
0xb9: {  	s3 =	sand.u32 $0x4000, s31;
	s1 =	sadd.s32 s1, s30  }
0xba: {  	s0 =	sor.u32 s3, s0;
	s1 =	sshll.u32 s1, $0x11  }
0xbb: {  	s0 =	sor.u32 s1, s0  }
0xbc: {  	s0 =	sadd.s32 $0x8F2B, s0  }
0xbd: {  	[sflag:s0] =	ssyncadd.remote.s32 $0x1  }
0xbe: {  	_ =	sfence.sel $0xFFFF  }
0xbf: {  	[dreg:$0x0] =	wrdreg $0xFFFFFFFF;
	(pc) =	sbr.abs _section_cstart, $3  }
0xc0: {  	[dreg:$0x1] =	wrdreg $0xFFFFFFFF  }
0xc1: {  	_ =	task.clear_ibuf [dreg:s6], $0x2FFFF;
	_ =	strace $0x9FFFFFFF  }
0xc2: {  	(tm) =	ssettm $0x7FFFFFFF  }
0xc3: {  	_ =	shalt  }
tec
execute0_lowered:
.L_overlay_start_1:
0x0: {  	(tag) =	ssettag $0x1  }
0x1: {  	s10 =	rddreg [dreg:$0x0]  }
0x2: {  	s1 =	rddreg [dreg:$0x1]  }
0x3: {  	s0 =	rddreg [dreg:$0x2];
	s3 =	simm.s32 $0x0;
	s2 =	stileid.u32  }
0x4: {  	s5 =	srdreg.scid;
	s22 =	simm.s32 $0x1;
	s23 =	simm.s32 $0x4000  }
0x5: {  	s24 =	simm.s32 $0x50;
	s25 =	simm.s32 $0x8000;
	s26 =	simm.s32 $0x0  }
0x6: {  	[smem:$0x7FF] =	sst s3;
	s4 =	sadd.s32 $0x24200, s10;
	s7 =	smul.u32 $0x2800, s2  }
0x7: {  	s17 =	sand.u32 $0x1, s5;
	s6 =	sshll.u32 s2, $0xB;
	s8 =	smul.u32 $0x50000, s2  }
0x8: {  	s13 =	sadd.s32 $0x72600, s10;
	s16 =	smul.u32 $0x14000, s2;
	p0 =	seq.s32 s2, $0xF  }
0x9: {  	_ =	strace $0x8000004A;
	s5 =	sshll.u32 s17, $0xF;
	s30 =	ssub.s32 $0x2, s17  }
0xa: {  	s14 =	smul.u32 $0x138800, s17;
	p2 =	sne.s32 @p0 s17, $0x0;
	p4 =	sne.s32 @!p0 s17, $0x0  }
0xb: {  	s9 =	sadd.s32 s7, s10;
	s5 =	sor.u32 s6, s5;
	s31 =	sshrl.u32 s30, $0x1  }
0xc: {  	s8 =	sshrl.u32 s8, $0x2;
	s7 =	sadd.s32 s4, s7;
	p1 =	por !p2, !p0  }
0xd: {  	p2 =	por p2, !p0;
	p3 =	por !p4, p0;
	p4 =	por p4, p0  }
0xe: {  	s12 =	sadd.s32 s5, s10;
	s15 =	ssub.s32 s30, s31;
	s5 =	sadd.s32 s8, s1  }
0xf: {  	s6 =	sadd.s32 $0x4B400, s9;
	s8 =	sadd.s32 $0x12C000, s1;
	s9 =	sadd.s32 $0x70C00, s10  }
0x10: {  	s10 =	sadd.s32 $0x49A00, s10;
	s16 =	sadd.s32 s16, s14;
	s14 =	sshrl.u32 s14, $0x3  }
0x11: {  	s18 =	sshll.u32 @!p3 s2, $0x6;
	s20 =	sshll.u32 @!p4 s2, $0x6;
	s11 =	sadd.s32 $0x14200, s12  }
0x12: {  	s12 =	sadd.s32 $0x4200, s12;
	s16 =	sshrl.u32 s16, $0x3;
	s14 =	sadd.s32 s13, s14  }
0x13: {  	s15 =	smax.u32 s15, $0x1;
	s17 =	sshrl.u32 @!p2 s8, $0x3;
	s18 =	sor.u32 @!p3 $0x1C01, s18  }
0x14: {  	s19 =	sshrl.u32 @!p3 s5, $0x3;
	s20 =	sor.u32 @!p4 $0x1C01, s20;
	s21 =	sshrl.u32 @!p4 s5, $0x3  }
0x15: {  	s13 =	sadd.s32 s13, s16;
	s14 =	sadd.s32 $0x25800, s14;
	s16 =	sshrl.u32 @!p1 s8, $0x3  }
.LBB2_1:
0x16: {  	s28 =	simm.s32 @!p1 $0x1FC1  }
0x17: {  	[spmem:s16], [sflag:s28] =	dma.local @!p1 [hbm:s9], $0x1900  }
0x18: {  	s28 =	simm.s32 @!p1 $0x1  }
0x19: {  	_ =	swait.ge @!p1 [sflag:s28], $0x1900  }
0x1a: {  	[sflag:s28] =	ssyncset.done @!p1 $0x0  }
0x1b: {  	[sflag:s28] =	ssyncadd.s32 @!p1 $0xFFFFE700;
	s28 =	simm.s32 @!p2 $0x1FC1  }
0x1c: {  	[spmem:s17], [sflag:s28] =	dma.local @!p2 [hbm:s10], $0x1900  }
0x1d: {  	s28 =	simm.s32 @!p2 $0x1  }
0x1e: {  	_ =	swait.ge @!p2 [sflag:s28], $0x1900  }
0x1f: {  	[sflag:s28] =	ssyncset.done @!p2 $0x0  }
0x20: {  	[sflag:s28] =	ssyncadd.s32 @!p2 $0xFFFFE700;
	s28 =	simm.s32 @!p3 $0x1  }
0x21: {  	[spmem:s19], [sflag:s18] =	dma.local @!p3 [hbm:s6], $0x2800  }
0x22: {  	_ =	swait.ge @!p3 [sflag:s28], $0x2800  }
0x23: {  	[sflag:s28] =	ssyncset.done @!p3 $0x0  }
0x24: {  	[sflag:s28] =	ssyncadd.s32 @!p3 $0xFFFFD800;
	s28 =	simm.s32 @!p4 $0x1  }
0x25: {  	[spmem:s21], [sflag:s20] =	dma.local @!p4 [hbm:s7], $0x2800  }
0x26: {  	_ =	swait.ge @!p4 [sflag:s28], $0x2800  }
0x27: {  	[sflag:s28] =	ssyncset.done @!p4 $0x0  }
0x28: {  	[sflag:s28] =	ssyncadd.s32 @!p4 $0xFFFFD800  }
0x29: {  	[tilespmem:s3], [sflag:$0x1] =	stream.linear.gather [hbm4b:s11+s3], $0x3E80, $0x38;
	[tilespmem:$0x1E080] =	vst v63  }
0x2a: {  	_ =	swait.ge [sflag:s22], $0x3E80  }
0x2b: {  	[sflag:s22] =	ssyncset.done $0x0  }
0x2c: {  	[sflag:s22] =	ssyncadd.s32 $0xFFFFC180  }
0x2d: {  	[tilespmem:s23], [sflag:$0x1] =	stream.linear.gather [hbm4b:s12+s3], $0x3E80, $0x38;
	[tilespmem:$0x1E080] =	vst v63  }
0x2e: {  	_ =	swait.ge [sflag:s22], $0x3E80  }
0x2f: {  	[sflag:s22] =	ssyncset.done $0x0  }
0x30: {  	[sflag:s22] =	ssyncadd.s32 $0xFFFFC180  }
0x31: {  	s28 =	simm.s32 $0x0;
	[bflag:$0x0] =	sbarrier.arrive $0xFFFF  }
0x32: {  	[tilespmem:s25], [sflag:$0x1] =	stream.indirect.gather [hbm4b:s4+s24], $0x80, s28, s24, $0xb8;
	[tilespmem:$0x1E080] =	vst v63  }
0x33: {  	_ =	swait.ge [sflag:s22], $0x2800  }
0x34: {  	[sflag:s22] =	ssyncset.done $0x0  }
0x35: {  	s28 =	simm.s32 $0x4000;
	[sflag:s22] =	ssyncadd.s32 $0xFFFFD800  }
0x36: {  	[spmem:s1] =	stream.indirect.scatter.add.f32 [tilespmem:s25], [sflag:$0x1], $0x80, s28, s24, $0xb8;
	[tilespmem:$0x1E080] =	vst v63  }
0x37: {  	_ =	swait.ge [sflag:s22], $0x2800  }
0x38: {  	s29 =	simm.s32 $0x400;
	s28 =	simm.s32 $0x200;
	[sflag:s22] =	ssyncset.done $0x0  }
.LBB2_2:
0x39: {  	s30 =	sshra.s32 s28, $0x2  }
0x3a: {  	[sflag:s22] =	ssyncadd.s32 $0xFFFFD800;
	s28 =	smov.u32 s29;
	s31 =	sadd.s32 $0x200, s29  }
0x3b: {  	[tilespmem:s25], [sflag:$0x1] =	stream.indirect.gather [hbm4b:s4+s24], $0x80, s30, s24, $0xb8;
	[tilespmem:$0x1E080] =	vst v63  }
0x3c: {  	p5 =	sne.s32 s29, $0xF800;
	_ =	swait.ge [sflag:s22], $0x2800  }
.Ltmp0:
0x3d: {  	[sflag:s22] =	ssyncset.done $0x0;
	(pc) =	sbr.rel @p5 .LBB2_2-.Ltmp0, $4  }
0x3e: {  	s29 =	sadd.s32 $0x4000, s30;
	[sflag:s22] =	ssyncadd.s32 $0xFFFFD800  }
0x3f: {  	[spmem:s1] =	stream.indirect.scatter.add.f32 [tilespmem:s25], [sflag:$0x1], $0x80, s29, s24, $0xb8;
	[tilespmem:$0x1E080] =	vst v63  }
0x40: {  	_ =	swait.ge [sflag:s22], $0x2800  }
0x41: {  	s29 =	smov.u32 s31;
	[sflag:s22] =	ssyncset.done $0x0  }
0x42: {  	s28 =	sshra.s32 s28, $0x2;
	[sflag:s22] =	ssyncadd.s32 $0xFFFFD800  }
0x43: {  	[tilespmem:s25], [sflag:$0x1] =	stream.indirect.gather [hbm4b:s4+s24], $0x80, s28, s24, $0xb8;
	[tilespmem:$0x1E080] =	vst v63  }
0x44: {  	_ =	swait.ge [sflag:s22], $0x2800  }
0x45: {  	[sflag:s22] =	ssyncset.done $0x0  }
0x46: {  	s28 =	sadd.s32 $0x4000, s28;
	[sflag:s22] =	ssyncadd.s32 $0xFFFFD800  }
0x47: {  	[spmem:s1] =	stream.indirect.scatter.add.f32 [tilespmem:s25], [sflag:$0x1], $0x80, s28, s24, $0xb8;
	[tilespmem:$0x1E080] =	vst v63  }
0x48: {  	_ =	swait.ge [sflag:s22], $0x2800  }
0x49: {  	[sflag:s22] =	ssyncset.done $0x0  }
0x4a: {  	[sflag:s22] =	ssyncadd.s32 $0xFFFFD800  }
0x4b: {  	s29 =	simm.s32 @p0 $0x1FC1;
	s28 =	sshrl.u32 @p0 s8, $0x3;
	[bflag:$0x0] =	sbarrier.arrive $0xFFFF  }
0x4c: {  	[hbm:s14], [sflag:s29] =	dma.local @p0 [spmem:s28], $0x1900  }
0x4d: {  	s28 =	simm.s32 @p0 $0x1  }
0x4e: {  	s26 =	sadd.s32 $0x1, s26;
	_ =	swait.ge @p0 [sflag:s28], $0x1900  }
0x4f: {  	p5 =	sne.s32 s26, s15;
	s29 =	sshll.u32 @!p0 s2, $0x6;
	[sflag:s28] =	ssyncset.done @p0 $0x0  }
0x50: {  	[sflag:s28] =	ssyncadd.s32 @p0 $0xFFFFE700;
	s28 =	sor.u32 @!p0 $0x1C01, s29;
	s29 =	sshrl.u32 @!p0 s5, $0x3  }
0x51: {  	[hbm:s13], [sflag:s28] =	dma.local @!p0 [spmem:s29], $0x2800  }
.Ltmp1:
0x52: {  	_ = 	snop;
	(pc) =	sbr.rel @p5 .LBB2_1-.Ltmp1, $4  }
0x53: {  	s28 =	simm.s32 @!p0 $0x1  }
0x54: {  	_ =	swait.ge @!p0 [sflag:s28], $0x2800  }
0x55: {  	[sflag:s28] =	ssyncset.done @!p0 $0x0  }
0x56: {  	[sflag:s28] =	ssyncadd.s32 @!p0 $0xFFFFD800  }
0x57: {  	_ =	sfence.sel $0x180000  }
0x58: {  	[bflag:$0x0] =	sbarrier.arrive $0xFFFF  }
0x59: {  	p0 =	sne.s32 s2, $0x0;
	_ =	strace $0x9000004A  }
0x5a: {  	s0 =	sadd.s32 @!p0 $0x100000, s0;
	[bflag:$0x2] =	sbarrier.arrive $0xFFFF  }
0x5b: {  	[sflag:s0] =	ssyncadd.tile.s32 @!p0 $0x1;
	_ =	shalt  }
.Lfunc_end2:
_tile_overlayer_lowered:
.L_overlay_start_2:
0x5c: {  	(tag) =	ssettag $0x2  }
0x5d: {  	s0 =	rddreg [dreg:$0x0];
	s2 =	stileid.u32  }
0x5e: {  	s1 =	rddreg [dreg:$0x1];
	p0 =	sne.s32 s2, $0x0  }
0x5f: {  	s3 =	rddreg [dreg:$0x2];
	[bflag:$0x3] =	sbarrier.arrive $0xFFFF;
	s2 =	simm.s32 @!p0 $0x1C01  }
0x60: {  	[timem:s3], [sflag:s2] =	dma.local @!p0 [hbm:s0], s1  }
0x61: {  	s0 =	simm.s32 @!p0 $0x1  }
0x62: {  	_ =	swait.ge @!p0 [sflag:s0], s1  }
0x63: {  	s1 =	ssub.s32 @!p0 $0x0, s1;
	[sflag:s0] =	ssyncset.done @!p0 $0x0  }
0x64: {  	[sflag:s0] =	ssyncadd.s32 @!p0 s1  }
0x65: {  	[bflag:$0x3] =	sbarrier.arrive $0xFFFF  }
0x66: {  	_ =	shalt  }

// kernel: kernel.26.cloned.1.call-start
scs
__scs_entry_jumppad:
0x0: {  	(pc) =	sbr.rel $0x88, $3  }
0x1: {  	(tag) =	ssettag $0x0;
	lr =	simm.s32 $0x1  }
0x2: {  	[smem:$0x3F9B] =	sst lr;
	_ =	strace $0xD0000000  }
0x3: {  	_ = 	snop  }
0x4: {  	_ = 	snop  }
0x5: {  	_ = 	snop  }
0x6: {  	_ = 	snop  }
0x7: {  	_ = 	snop  }
__scs_overlays_trampoline_lowered:
0x8: {  	[smem:$0x3FAA] =	sst s0  }
0x9: {  	[smem:$0x3FAB] =	sst s1  }
0xa: {  	[smem:$0x3FAC] =	sst s2  }
0xb: {  	[smem:$0x3FAD] =	sst s3  }
0xc: {  	[smem:$0x3FAE] =	sst s4  }
0xd: {  	[smem:$0x3FAF] =	sst s5  }
0xe: {  	[smem:$0x3FB0] =	sst s6  }
0xf: {  	[smem:$0x3FB1] =	sst s7  }
0x10: {  	[smem:$0x3FB2] =	sst s8  }
0x11: {  	[smem:$0x3FB3] =	sst s9;
	s0 =	simm.s32 @!p0 $0x0  }
0x12: {  	s1 =	sld [smem:$0x3F99];
	s0 =	simm.s32 @p0 $0x1  }
0x13: {  	[smem:$0x3FB4] =	sst s0;
	s0 =	simm.s32 @!p1 $0x0  }
0x14: {  	s2 =	sld [smem:$0x3F98];
	s0 =	simm.s32 @p1 $0x1  }
0x15: {  	[smem:$0x3FB5] =	sst s0;
	s0 =	simm.s32 @!p2 $0x0  }
0x16: {  	s3 =	sld [smem:$0x3FDB];
	s0 =	simm.s32 @p2 $0x1  }
0x17: {  	s4 =	simm.s32 $0x1BF5;
	[smem:$0x3FB7] =	sst s0  }
0x18: {  	s0 =	sld [smem:$0x3F9A];
	_ =	swait.ge [sflag:s4], $0x0  }
0x19: {  	s7 =	sld [smem:$0x3F9B]  }
0x1a: {  	s8 =	sadd.s32 $0xFFFFE003, lr  }
0x1b: {  	s9 =	sadd.s32 $0xFFFFFEF7, lr;
	s5 =	simm.s32 $0xFFFFFFFF;
	p2 =	slt.u32 s8, $0xFFFFF086  }
0x1c: {  	p1 =	slt.u32 s9, $0xF7A;
	s5 =	simm.s32 @!p2 $0x0  }
0x1d: {  	s5 =	simm.s32 @p1 $0x1;
	p0 =	seq.s32 s7, s2  }
0x1e: {  	s7 =	smul.u32 @!p0 $0xF7A, s2;
	p2 =	seq.s32 @!p0 s5, $0x0  }
0x1f: {  	s9 =	smul.u32 $0xF7A, s1;
	s8 =	simm.s32 @!p0 $0x1BF5;
	p2 =	por !p2, p0  }
0x20: {  	[sflag:s8] =	ssyncset.s32 @!p0 $0xFFFFF086;
	s6 =	sadd.s32 @!p0 s3, s7;
	s7 =	simm.s32 @!p0 $0x108  }
0x21: {  	s3 =	sadd.s32 s3, s9;
	s6 =	sadd.s32 @!p0 $0x88, s6;
	s7 =	simm.s32 @p2 $0x1082  }
0x22: {  	[simem:s7], [sflag:s8] =	dma.local @!p0 [hbm:s6], $0xF7A  }
0x23: {  	s9 =	sor.u32 $0xD0000000, s2;
	s6 =	simm.s32 $0x108;
	_ =	swait.ge @!p0 [sflag:s8], $0x0  }
0x24: {  	s3 =	sadd.s32 $0x88, s3;
	s6 =	simm.s32 @!p1 $0x1082;
	[sflag:s4] =	ssyncset.s32 $0xFFFFF086  }
0x25: {  	[simem:s6], [sflag:s4] =	dma.local [hbm:s3], $0xF7A  }
0x26: {  	[smem:$0x3F9B] =	sst s1;
	(tag) =	ssettag s2;
	_ =	strace s9  }
0x27: {  	s1 =	sld [smem:$0x3FAB]  }
0x28: {  	s2 =	sld [smem:$0x3FAC]  }
0x29: {  	s4 =	sld [smem:$0x3FAE]  }
0x2a: {  	p0 =	seq.s32 s5, $0x0;
	s5 =	sld [smem:$0x3FAF]  }
0x2b: {  	s6 =	sld [smem:$0x3FB0]  }
0x2c: {  	s7 =	sld [smem:$0x3FB1]  }
0x2d: {  	s3 =	simm.s32 $0x108;
	s8 =	sld [smem:$0x3FB2]  }
0x2e: {  	s3 =	simm.s32 @!p0 $0x1082;
	s9 =	sld [smem:$0x3FB3]  }
0x2f: {  	lr =	sadd.s32 s0, s3;
	s0 =	sld [smem:$0x3FAA]  }
0x30: {  	s3 =	sld [smem:$0x3FAD]  }
0x31: {  	[smem:$0x3FB6] =	sst s10  }
0x32: {  	s10 =	sld [smem:$0x3FB4];
	_ =	sdelay $0x3  }
0x33: {  	p0 =	seq.s32 s10, $0x1;
	s10 =	sld [smem:$0x3FB6];
	_ =	sdelay $0x3  }
0x34: {  	[smem:$0x3FB6] =	sst s10  }
0x35: {  	s10 =	sld [smem:$0x3FB5];
	_ =	sdelay $0x3  }
0x36: {  	p1 =	seq.s32 s10, $0x1;
	s10 =	sld [smem:$0x3FB6];
	_ =	sdelay $0x3  }
0x37: {  	[smem:$0x3FB6] =	sst s10  }
0x38: {  	s10 =	sld [smem:$0x3FB7]  }
0x39: {  	_ = 	snop;
	(pc) =	sbr.ind lr, $3  }
0x3a: {  	_ = 	snop  }
0x3b: {  	_ = 	snop  }
0x3c: {  	p2 =	seq.s32 s10, $0x1;
	s10 =	sld [smem:$0x3FB6]  }
0x3d: {  	_ =	shalt  }
0x3e: {  	_ =	shalt  }
0x3f: {  	_ =	shalt  }
0x40: {  	_ =	shalt  }
0x41: {  	_ =	shalt  }
0x42: {  	_ =	shalt  }
0x43: {  	_ =	shalt  }
0x44: {  	_ =	shalt  }
0x45: {  	_ =	shalt  }
0x46: {  	_ =	shalt  }
0x47: {  	_ =	shalt  }
0x48: {  	_ =	shalt  }
0x49: {  	_ =	shalt  }
0x4a: {  	_ =	shalt  }
0x4b: {  	_ =	shalt  }
0x4c: {  	_ =	shalt  }
0x4d: {  	_ =	shalt  }
0x4e: {  	_ =	shalt  }
0x4f: {  	_ =	shalt  }
0x50: {  	_ =	shalt  }
0x51: {  	_ =	shalt  }
0x52: {  	_ =	shalt  }
0x53: {  	_ =	shalt  }
0x54: {  	_ =	shalt  }
0x55: {  	_ =	shalt  }
0x56: {  	_ =	shalt  }
0x57: {  	_ =	shalt  }
0x58: {  	_ =	shalt  }
0x59: {  	_ =	shalt  }
0x5a: {  	_ =	shalt  }
0x5b: {  	_ =	shalt  }
0x5c: {  	_ =	shalt  }
0x5d: {  	_ =	shalt  }
0x5e: {  	_ =	shalt  }
0x5f: {  	_ =	shalt  }
0x60: {  	_ =	shalt  }
0x61: {  	_ =	shalt  }
0x62: {  	_ =	shalt  }
0x63: {  	_ =	shalt  }
0x64: {  	_ =	shalt  }
0x65: {  	_ =	shalt  }
0x66: {  	_ =	shalt  }
0x67: {  	_ =	shalt  }
0x68: {  	_ =	shalt  }
0x69: {  	_ =	shalt  }
0x6a: {  	_ =	shalt  }
0x6b: {  	_ =	shalt  }
0x6c: {  	_ =	shalt  }
0x6d: {  	_ =	shalt  }
0x6e: {  	_ =	shalt  }
0x6f: {  	_ =	shalt  }
0x70: {  	_ =	shalt  }
0x71: {  	_ =	shalt  }
0x72: {  	_ =	shalt  }
0x73: {  	_ =	shalt  }
0x74: {  	_ =	shalt  }
0x75: {  	_ =	shalt  }
0x76: {  	_ =	shalt  }
0x77: {  	_ =	shalt  }
0x78: {  	_ =	shalt  }
0x79: {  	_ =	shalt  }
0x7a: {  	_ =	shalt  }
0x7b: {  	_ =	shalt  }
0x7c: {  	_ =	shalt  }
0x7d: {  	_ =	shalt  }
0x7e: {  	_ =	shalt  }
0x7f: {  	_ =	shalt  }
0x80: {  	_ =	shalt  }
0x81: {  	_ =	shalt  }
0x82: {  	_ =	shalt  }
0x83: {  	_ =	shalt  }
0x84: {  	_ =	shalt  }
0x85: {  	_ =	shalt  }
0x86: {  	_ =	shalt  }
0x87: {  	_ =	shalt  }
.Lfunc_end0:
.L_simem_size_0:
called_computation.4_lowered:
.L_overlay_start_0:
0x88: {  	s2 =	sld [smem:$0x3FD9]  }
0x89: {  	s3 =	sld [smem:$0x3FFE];
	_ =	sdelay $0x1  }
0x8a: {  	s1 =	srdreg.scid  }
0x8b: {  	s0 =	sand.u32 $0x1, s1  }
0x8c: {  	s17 =	sshll.u32 s0, $0xA;
	s2 =	sadd.s32 s3, s2  }
0x8d: {  	s2 =	sadd.s32 s2, s17  }
0x8e: {  	[smem:$0x3FC2] =	sst s2  }
0x8f: {  	_ = 	snop  }
0x90: {  	(tm) =	ssettm $0x1  }
0x91: {  	s18 =	sld [smem:$0x3FFB];
	_ =	sdelay $0x3  }
0x92: {  	_ =	strace s18  }
0x93: {  	s2 =	sld [smem:$0x3FFC];
	_ =	sdelay $0x3  }
0x94: {  	_ =	strace s2  }
0x95: {  	s2 =	sld [smem:$0x3FFD];
	_ =	sdelay $0x3  }
0x96: {  	_ =	strace s2  }
0x97: {  	_ =	strace $0x8FFFFFFF  }
0x98: {  	s19 =	sld [smem:$0x3FDB];
	_ =	sdelay $0x1  }
0x99: {  	s20 =	simm.s32 $_scs_section_size  }
0x9a: {  	s4 =	simm.s32 $_size__tile_overlayer_lowered;
	s5 =	simm.s32 $_tile_overlayer_lowered  }
0x9b: {  	s6 =	simm.s32 $0x1BFF;
	s21 =	sshll.u32 s5, $0x1;
	s3 =	sadd.s32 s20, s19  }
0x9c: {  	s22 =	simm.s32 $0x0;
	s4 =	sshll.u32 s4, $0x1;
	s5 =	sadd.s32 s21, s3  }
0x9d: {  	[timem:s22], [sflag:s6] =	dma.local [hbm:s5], s4  }
0x9e: {  	_ =	swait.ge [sflag:s6], s4  }
0x9f: {  	s4 =	ssub.s32 $0x0, s4;
	[sflag:s6] =	ssyncset.done $0x0  }
0xa0: {  	[sflag:s6] =	ssyncadd.s32 s4;
	_ =	sdelay $0x1  }
0xa1: {  	s23 =	simm.s32 $0x1B8B  }
0xa2: {  	_ =	swait.ge [sflag:s23], $0x1  }
0xa3: {  	[sflag:s23] =	ssyncset.done $0x0  }
0xa4: {  	[sflag:s23] =	ssyncadd.s32 $0xFFFFFFFF  }
0xa5: {  	s4 =	sld [smem:$0x0]  }
0xa6: {  	s5 =	sand.u32 $0xFFFFFFFE, s1  }
0xa7: {  	p0 =	sne.s32 s1, s5  }
0xa8: {  	s5 =	sshll.u32 @p0 s5, $0xE  }
0xa9: {  	s5 =	sadd.s32 @p0 $0x11B8D, s5;
	s6 =	sshll.u32 @p0 s4, $0x11  }
0xaa: {  	s5 =	sor.u32 @p0 s6, s5  }
0xab: {  	[sflag:s5] =	ssyncadd.remote.s32 @p0 $0x1;
	_ =	sdelay $0x1  }
0xac: {  	s5 =	simm.s32 @p0 $0x1B8D  }
0xad: {  	_ =	swait.eq @p0 [sflag:s5], $0x1  }
0xae: {  	[sflag:s5] =	ssyncadd.s32 @p0 $0xFFFFFFFF  }
0xaf: {  	s6 =	sshll.u32 @!p0 s1, $0xE  }
0xb0: {  	s6 =	sor.u32 @!p0 $0x4000, s6;
	s5 =	simm.s32 @!p0 $0x1B8D  }
0xb1: {  	s4 =	sshll.u32 @!p0 s4, $0x11;
	s6 =	sadd.s32 @!p0 $0x11B8D, s6;
	_ =	swait.eq @!p0 [sflag:s5], $0x1  }
0xb2: {  	s4 =	sor.u32 @!p0 s4, s6;
	[sflag:s5] =	ssyncadd.s32 @!p0 $0xFFFFFFFF  }
0xb3: {  	s25 =	simm.s32 $0x1B8E;
	s24 =	sld [smem:$0x3FFE];
	[sflag:s4] =	ssyncadd.remote.s32 @!p0 $0x1  }
0xb4: {  	s26 =	simm.s32 $execute0_lowered;
	[smem:$0x3FD2] =	sst s25  }
0xb5: {  	s5 =	sshll.u32 s26, $0x1;
	_ =	strace $0x8000004F;
	[dreg:$0x1] =	wrdreg $0xFFFFFFFF  }
0xb6: {  	s28 =	simm.s32 $_size_execute0_lowered;
	s3 =	sadd.s32 s3, s5;
	[dreg:$0x0] =	wrdreg $0x0  }
0xb7: {  	s5 =	sshll.u32 s28, $0x1;
	[dreg:$0x2] =	wrdreg s3  }
0xb8: {  	[dreg:$0x3] =	wrdreg s5  }
0xb9: {  	[dreg:$0x4] =	wrdreg $0xC0  }
0xba: {  	_ =	task [dreg:s22], $0x5FFFF  }
0xbb: {  	[dreg:$0x1] =	wrdreg $0xFFFFFFFF  }
0xbc: {  	[dreg:$0x0] =	wrdreg $0x60  }
0xbd: {  	[dreg:$0x2] =	wrdreg s24  }
0xbe: {  	[dreg:$0x3] =	wrdreg $0xA8000  }
0xbf: {  	[dreg:$0x4] =	wrdreg $0xA  }
0xc0: {  	_ =	task.clear_ibuf [dreg:s22], $0x5FFFF;
	_ =	strace $0x9000004F  }
0xc1: {  	s29 =	simm.s32 $0xA;
	_ =	strace $0x80000051  }
0xc2: {  	_ =	swait.ge [sflag:s29], $0x1  }
0xc3: {  	[sflag:s29] =	ssyncadd.s32 $0xFFFFFFFF  }
0xc4: {  	_ =	strace $0x90000051  }
0xc5: {  	_ =	sfence  }
0xc6: {  	s30 =	sld [smem:$0x0];
	_ =	sdelay $0x2  }
0xc7: {  	s31 =	sshll.u32 s1, $0xD;
	s1 =	sshrl.u32 s1, $0x2  }
0xc8: {  	s4 =	sand.u32 $0x4000, s31;
	s1 =	sadd.s32 s1, s30  }
0xc9: {  	s0 =	sor.u32 s4, s0;
	s1 =	sshll.u32 s1, $0x11  }
0xca: {  	s0 =	sor.u32 s1, s0  }
0xcb: {  	s0 =	sadd.s32 $0x8F2B, s0  }
0xcc: {  	[sflag:s0] =	ssyncadd.remote.s32 $0x1  }
0xcd: {  	_ =	sfence.sel $0xFFFF  }
0xce: {  	[dreg:$0x0] =	wrdreg $0xFFFFFFFF;
	(pc) =	sbr.abs _section_cstart, $3  }
0xcf: {  	[dreg:$0x1] =	wrdreg $0xFFFFFFFF  }
0xd0: {  	_ =	task.clear_ibuf [dreg:s22], $0x2FFFF;
	_ =	strace $0x9FFFFFFF  }
0xd1: {  	(tm) =	ssettm $0x7FFFFFFF  }
tec
execute0_lowered:
.L_overlay_start_1:
0x0: {  	(tag) =	ssettag $0x1  }
0x1: {  	s10 =	rddreg [dreg:$0x0]  }
0x2: {  	s1 =	rddreg [dreg:$0x1]  }
0x3: {  	s0 =	rddreg [dreg:$0x2];
	s3 =	simm.s32 $0x0;
	s2 =	stileid.u32  }
0x4: {  	s5 =	srdreg.scid;
	s22 =	simm.s32 $0x1;
	s23 =	simm.s32 $0x4000  }
0x5: {  	s24 =	simm.s32 $0x50;
	s25 =	simm.s32 $0x8000;
	s26 =	simm.s32 $0x0  }
0x6: {  	[smem:$0x7FF] =	sst s3;
	s4 =	sadd.s32 $0x24200, s10;
	s7 =	smul.u32 $0x2800, s2  }
0x7: {  	s17 =	sand.u32 $0x1, s5;
	s6 =	sshll.u32 s2, $0xB;
	s8 =	smul.u32 $0x50000, s2  }
0x8: {  	s13 =	sadd.s32 $0x72600, s10;
	s16 =	smul.u32 $0x14000, s2;
	p0 =	seq.s32 s2, $0xF  }
0x9: {  	_ =	strace $0x80000050;
	s5 =	sshll.u32 s17, $0xF;
	s30 =	ssub.s32 $0x2, s17  }
0xa: {  	s14 =	smul.u32 $0x138800, s17;
	p2 =	sne.s32 @p0 s17, $0x0;
	p4 =	sne.s32 @!p0 s17, $0x0  }
0xb: {  	s9 =	sadd.s32 s7, s10;
	s5 =	sor.u32 s6, s5;
	s31 =	sshrl.u32 s30, $0x1  }
0xc: {  	s8 =	sshrl.u32 s8, $0x2;
	s7 =	sadd.s32 s4, s7;
	p1 =	por !p2, !p0  }
0xd: {  	p2 =	por p2, !p0;
	p3 =	por !p4, p0;
	p4 =	por p4, p0  }
0xe: {  	s12 =	sadd.s32 s5, s10;
	s15 =	ssub.s32 s30, s31;
	s5 =	sadd.s32 s8, s1  }
0xf: {  	s6 =	sadd.s32 $0x4B400, s9;
	s8 =	sadd.s32 $0x12C000, s1;
	s9 =	sadd.s32 $0x70C00, s10  }
0x10: {  	s10 =	sadd.s32 $0x49A00, s10;
	s16 =	sadd.s32 s16, s14;
	s14 =	sshrl.u32 s14, $0x3  }
0x11: {  	s18 =	sshll.u32 @!p3 s2, $0x6;
	s20 =	sshll.u32 @!p4 s2, $0x6;
	s11 =	sadd.s32 $0x14200, s12  }
0x12: {  	s12 =	sadd.s32 $0x4200, s12;
	s16 =	sshrl.u32 s16, $0x3;
	s14 =	sadd.s32 s13, s14  }
0x13: {  	s15 =	smax.u32 s15, $0x1;
	s17 =	sshrl.u32 @!p2 s8, $0x3;
	s18 =	sor.u32 @!p3 $0x1C01, s18  }
0x14: {  	s19 =	sshrl.u32 @!p3 s5, $0x3;
	s20 =	sor.u32 @!p4 $0x1C01, s20;
	s21 =	sshrl.u32 @!p4 s5, $0x3  }
0x15: {  	s13 =	sadd.s32 s13, s16;
	s14 =	sadd.s32 $0x25800, s14;
	s16 =	sshrl.u32 @!p1 s8, $0x3  }
.LBB2_1:
0x16: {  	s28 =	simm.s32 @!p1 $0x1FC1  }
0x17: {  	[spmem:s16], [sflag:s28] =	dma.local @!p1 [hbm:s9], $0x1900  }
0x18: {  	s28 =	simm.s32 @!p1 $0x1  }
0x19: {  	_ =	swait.ge @!p1 [sflag:s28], $0x1900  }
0x1a: {  	[sflag:s28] =	ssyncset.done @!p1 $0x0  }
0x1b: {  	[sflag:s28] =	ssyncadd.s32 @!p1 $0xFFFFE700;
	s28 =	simm.s32 @!p2 $0x1FC1  }
0x1c: {  	[spmem:s17], [sflag:s28] =	dma.local @!p2 [hbm:s10], $0x1900  }
0x1d: {  	s28 =	simm.s32 @!p2 $0x1  }
0x1e: {  	_ =	swait.ge @!p2 [sflag:s28], $0x1900  }
0x1f: {  	[sflag:s28] =	ssyncset.done @!p2 $0x0  }
0x20: {  	[sflag:s28] =	ssyncadd.s32 @!p2 $0xFFFFE700;
	s28 =	simm.s32 @!p3 $0x1  }
0x21: {  	[spmem:s19], [sflag:s18] =	dma.local @!p3 [hbm:s6], $0x2800  }
0x22: {  	_ =	swait.ge @!p3 [sflag:s28], $0x2800  }
0x23: {  	[sflag:s28] =	ssyncset.done @!p3 $0x0  }
0x24: {  	[sflag:s28] =	ssyncadd.s32 @!p3 $0xFFFFD800;
	s28 =	simm.s32 @!p4 $0x1  }
0x25: {  	[spmem:s21], [sflag:s20] =	dma.local @!p4 [hbm:s7], $0x2800  }
0x26: {  	_ =	swait.ge @!p4 [sflag:s28], $0x2800  }
0x27: {  	[sflag:s28] =	ssyncset.done @!p4 $0x0  }
0x28: {  	[sflag:s28] =	ssyncadd.s32 @!p4 $0xFFFFD800  }
0x29: {  	[tilespmem:s3], [sflag:$0x1] =	stream.linear.gather [hbm4b:s11+s3], $0x3E80, $0x38;
	[tilespmem:$0x1E080] =	vst v63  }
0x2a: {  	_ =	swait.ge [sflag:s22], $0x3E80  }
0x2b: {  	[sflag:s22] =	ssyncset.done $0x0  }
0x2c: {  	[sflag:s22] =	ssyncadd.s32 $0xFFFFC180  }
0x2d: {  	[tilespmem:s23], [sflag:$0x1] =	stream.linear.gather [hbm4b:s12+s3], $0x3E80, $0x38;
	[tilespmem:$0x1E080] =	vst v63  }
0x2e: {  	_ =	swait.ge [sflag:s22], $0x3E80  }
0x2f: {  	[sflag:s22] =	ssyncset.done $0x0  }
0x30: {  	[sflag:s22] =	ssyncadd.s32 $0xFFFFC180  }
0x31: {  	s28 =	simm.s32 $0x0;
	[bflag:$0x0] =	sbarrier.arrive $0xFFFF  }
0x32: {  	[tilespmem:s25], [sflag:$0x1] =	stream.indirect.gather [hbm4b:s4+s24], $0x80, s28, s24, $0xb8;
	[tilespmem:$0x1E080] =	vst v63  }
0x33: {  	_ =	swait.ge [sflag:s22], $0x2800  }
0x34: {  	[sflag:s22] =	ssyncset.done $0x0  }
0x35: {  	s28 =	simm.s32 $0x4000;
	[sflag:s22] =	ssyncadd.s32 $0xFFFFD800  }
0x36: {  	[spmem:s1] =	stream.indirect.scatter.add.f32 [tilespmem:s25], [sflag:$0x1], $0x80, s28, s24, $0xb8;
	[tilespmem:$0x1E080] =	vst v63  }
0x37: {  	_ =	swait.ge [sflag:s22], $0x2800  }
0x38: {  	s29 =	simm.s32 $0x400;
	s28 =	simm.s32 $0x200;
	[sflag:s22] =	ssyncset.done $0x0  }
.LBB2_2:
0x39: {  	s30 =	sshra.s32 s28, $0x2  }
0x3a: {  	[sflag:s22] =	ssyncadd.s32 $0xFFFFD800;
	s28 =	smov.u32 s29;
	s31 =	sadd.s32 $0x200, s29  }
0x3b: {  	[tilespmem:s25], [sflag:$0x1] =	stream.indirect.gather [hbm4b:s4+s24], $0x80, s30, s24, $0xb8;
	[tilespmem:$0x1E080] =	vst v63  }
0x3c: {  	p5 =	sne.s32 s29, $0xF800;
	_ =	swait.ge [sflag:s22], $0x2800  }
.Ltmp0:
0x3d: {  	[sflag:s22] =	ssyncset.done $0x0;
	(pc) =	sbr.rel @p5 .LBB2_2-.Ltmp0, $4  }
0x3e: {  	s29 =	sadd.s32 $0x4000, s30;
	[sflag:s22] =	ssyncadd.s32 $0xFFFFD800  }
0x3f: {  	[spmem:s1] =	stream.indirect.scatter.add.f32 [tilespmem:s25], [sflag:$0x1], $0x80, s29, s24, $0xb8;
	[tilespmem:$0x1E080] =	vst v63  }
0x40: {  	_ =	swait.ge [sflag:s22], $0x2800  }
0x41: {  	s29 =	smov.u32 s31;
	[sflag:s22] =	ssyncset.done $0x0  }
0x42: {  	s28 =	sshra.s32 s28, $0x2;
	[sflag:s22] =	ssyncadd.s32 $0xFFFFD800  }
0x43: {  	[tilespmem:s25], [sflag:$0x1] =	stream.indirect.gather [hbm4b:s4+s24], $0x80, s28, s24, $0xb8;
	[tilespmem:$0x1E080] =	vst v63  }
0x44: {  	_ =	swait.ge [sflag:s22], $0x2800  }
0x45: {  	[sflag:s22] =	ssyncset.done $0x0  }
0x46: {  	s28 =	sadd.s32 $0x4000, s28;
	[sflag:s22] =	ssyncadd.s32 $0xFFFFD800  }
0x47: {  	[spmem:s1] =	stream.indirect.scatter.add.f32 [tilespmem:s25], [sflag:$0x1], $0x80, s28, s24, $0xb8;
	[tilespmem:$0x1E080] =	vst v63  }
0x48: {  	_ =	swait.ge [sflag:s22], $0x2800  }
0x49: {  	[sflag:s22] =	ssyncset.done $0x0  }
0x4a: {  	[sflag:s22] =	ssyncadd.s32 $0xFFFFD800  }
0x4b: {  	s29 =	simm.s32 @p0 $0x1FC1;
	s28 =	sshrl.u32 @p0 s8, $0x3;
	[bflag:$0x0] =	sbarrier.arrive $0xFFFF  }
0x4c: {  	[hbm:s14], [sflag:s29] =	dma.local @p0 [spmem:s28], $0x1900  }
0x4d: {  	s28 =	simm.s32 @p0 $0x1  }
0x4e: {  	s26 =	sadd.s32 $0x1, s26;
	_ =	swait.ge @p0 [sflag:s28], $0x1900  }
0x4f: {  	p5 =	sne.s32 s26, s15;
	s29 =	sshll.u32 @!p0 s2, $0x6;
	[sflag:s28] =	ssyncset.done @p0 $0x0  }
0x50: {  	[sflag:s28] =	ssyncadd.s32 @p0 $0xFFFFE700;
	s28 =	sor.u32 @!p0 $0x1C01, s29;
	s29 =	sshrl.u32 @!p0 s5, $0x3  }
0x51: {  	[hbm:s13], [sflag:s28] =	dma.local @!p0 [spmem:s29], $0x2800  }
.Ltmp1:
0x52: {  	_ = 	snop;
	(pc) =	sbr.rel @p5 .LBB2_1-.Ltmp1, $4  }
0x53: {  	s28 =	simm.s32 @!p0 $0x1  }
0x54: {  	_ =	swait.ge @!p0 [sflag:s28], $0x2800  }
0x55: {  	[sflag:s28] =	ssyncset.done @!p0 $0x0  }
0x56: {  	[sflag:s28] =	ssyncadd.s32 @!p0 $0xFFFFD800  }
0x57: {  	_ =	sfence.sel $0x180000  }
0x58: {  	[bflag:$0x0] =	sbarrier.arrive $0xFFFF  }
0x59: {  	p0 =	sne.s32 s2, $0x0;
	_ =	strace $0x90000050  }
0x5a: {  	s0 =	sadd.s32 @!p0 $0x100000, s0;
	[bflag:$0x2] =	sbarrier.arrive $0xFFFF  }
0x5b: {  	[sflag:s0] =	ssyncadd.tile.s32 @!p0 $0x1;
	_ =	shalt  }
.Lfunc_end2:
_tile_overlayer_lowered:
.L_overlay_start_2:
0x5c: {  	(tag) =	ssettag $0x2  }
0x5d: {  	s0 =	rddreg [dreg:$0x0];
	s2 =	stileid.u32  }
0x5e: {  	s1 =	rddreg [dreg:$0x1];
	p0 =	sne.s32 s2, $0x0  }
0x5f: {  	s3 =	rddreg [dreg:$0x2];
	[bflag:$0x3] =	sbarrier.arrive $0xFFFF;
	s2 =	simm.s32 @!p0 $0x1C01  }
0x60: {  	[timem:s3], [sflag:s2] =	dma.local @!p0 [hbm:s0], s1  }
0x61: {  	s0 =	simm.s32 @!p0 $0x1  }
0x62: {  	_ =	swait.ge @!p0 [sflag:s0], s1  }
0x63: {  	s1 =	ssub.s32 @!p0 $0x0, s1;
	[sflag:s0] =	ssyncset.done @!p0 $0x0  }
0x64: {  	[sflag:s0] =	ssyncadd.s32 @!p0 s1  }
0x65: {  	[bflag:$0x3] =	sbarrier.arrive $0xFFFF  }
0x66: {  	_ =	shalt  }

</sc_bundles>
